<compile_context>
chip_gen: v7x
topology: tpu7x:2x2x1
jax: 0.10.2.dev20260603
libtpu: 0.0.44.dev20260713+nightly
codegen_flags: <defaults>
</compile_context>

<pallas_src>
import functools

import jax
import jax.numpy as jnp
from jax import lax
from jax.experimental import pallas as pl
from jax.experimental.pallas import tpu as pltpu
from jax.experimental.pallas import tpu_sc as plsc

N = 10000
E = 320000
D = 128
OUT = 40

NC = 2
NS = 16
NW = NC * NS
CHUNK = 128
CPW = 80
HPW = CPW // 2
E_PAD = NW * CPW * CHUNK
N_T = 10240
ROWS_PER_TILE = N_T // NS
INV_BN = 1.0 / (1.0 + 1e-5) ** 0.5


NBUF = 2


def _sc_segsum_body(p_hbm, srcg, dstg, z128, out_hbm,
                    src_v, dst_v, rows0, rows1,
                    sem0, sem1, acc):
    c = lax.axis_index("c")
    s = lax.axis_index("s")
    wid = c * NS + s
    r0 = s * ROWS_PER_TILE
    pltpu.sync_copy(z128.at[pl.ds(r0, ROWS_PER_TILE)],
                    acc.at[pl.ds(r0, ROWS_PER_TILE)])
    plsc.subcore_barrier()

    bufs = (rows0, rows1)
    sems = (sem0, sem1)
    for h in range(2):
        pltpu.sync_copy(srcg.at[wid, pl.ds(h * HPW, HPW)], src_v)
        pltpu.sync_copy(dstg.at[wid, pl.ds(h * HPW, HPW)], dst_v)
        for b in range(NBUF):
            pltpu.make_async_copy(
                p_hbm.at[src_v.at[b]], bufs[b], sems[b]).start()

        def body(g, carry):
            j = g * NBUF
            for b in range(NBUF):
                pltpu.make_async_copy(
                    p_hbm.at[src_v.at[j + b]], bufs[b], sems[b]).wait()
                pltpu.sync_copy(bufs[b], acc.at[dst_v.at[j + b]], add=True)
                pltpu.make_async_copy(
                    p_hbm.at[src_v.at[j + b + NBUF]], bufs[b], sems[b]).start()
            return carry

        lax.fori_loop(0, HPW // NBUF - 1, body, 0)
        jt = HPW - NBUF
        for b in range(NBUF):
            pltpu.make_async_copy(
                p_hbm.at[src_v.at[jt + b]], bufs[b], sems[b]).wait()
            pltpu.sync_copy(bufs[b], acc.at[dst_v.at[jt + b]], add=True)
    plsc.subcore_barrier()
    pltpu.sync_copy(acc.at[pl.ds(r0, ROWS_PER_TILE)],
                    out_hbm.at[c, pl.ds(r0, ROWS_PER_TILE)])


def _sc_degree_body(dstg, z128, ones128, deg_hbm, dst_v, ones_v, dega):
    c = lax.axis_index("c")
    s = lax.axis_index("s")
    wid = c * NS + s
    pltpu.sync_copy(dstg.at[wid], dst_v)
    pltpu.sync_copy(ones128, ones_v)
    r0 = s * ROWS_PER_TILE
    pltpu.sync_copy(z128.at[pl.ds(r0, ROWS_PER_TILE)],
                    dega.at[pl.ds(r0, ROWS_PER_TILE)])
    plsc.subcore_barrier()

    def body(j, carry):
        pltpu.sync_copy(ones_v, dega.at[dst_v.at[j]], add=True)
        return carry

    lax.fori_loop(0, CPW, body, 0)
    plsc.subcore_barrier()
    pltpu.sync_copy(dega.at[pl.ds(r0, ROWS_PER_TILE)],
                    deg_hbm.at[c, pl.ds(r0, ROWS_PER_TILE)])


@functools.cache
def _sc_kernels():
    mesh = plsc.VectorSubcoreMesh(
        core_axis_name="c", subcore_axis_name="s",
        num_cores=NC, num_subcores=NS)
    segsum = pl.kernel(
        _sc_segsum_body,
        out_type=jax.ShapeDtypeStruct((NC, N_T, D), jnp.float32),
        mesh=mesh,
        scratch_types=[
            pltpu.VMEM((HPW, CHUNK), jnp.int32),
            pltpu.VMEM((HPW, CHUNK), jnp.int32),
            pltpu.VMEM((CHUNK, D), jnp.float32),
            pltpu.VMEM((CHUNK, D), jnp.float32),
            pltpu.SemaphoreType.DMA,
            pltpu.SemaphoreType.DMA,
            pltpu.VMEM_SHARED((N_T, D), jnp.float32),
        ],
    )
    degree = pl.kernel(
        _sc_degree_body,
        out_type=jax.ShapeDtypeStruct((NC, N_T, D), jnp.float32),
        mesh=mesh,
        scratch_types=[
            pltpu.VMEM((CPW, CHUNK), jnp.int32),
            pltpu.VMEM((CHUNK, D), jnp.float32),
            pltpu.VMEM_SHARED((N_T, D), jnp.float32),
        ],
    )
    return segsum, degree


def _sc_segsum(p, srcg, dstg, z128):
    return _sc_kernels()[0](p, srcg, dstg, z128)


def _sc_degree(dstg, z128, ones128):
    return _sc_kernels()[1](dstg, z128, ones128)



_R = 1024
_GRID = N_T // _R


def _tc_project_body(x_ref, wl_ref, wr_ref, p_ref, q_ref):
    xv = x_ref[...]
    p_ref[...] = jnp.dot(xv, wl_ref[...], preferred_element_type=jnp.float32)
    q_ref[...] = jnp.dot(xv, wr_ref[...], preferred_element_type=jnp.float32)


def _tc_project(x, wl, wr):
    return pl.pallas_call(
        _tc_project_body,
        grid=(_GRID,),
        in_specs=[
            pl.BlockSpec((_R, D), lambda i: (i, 0)),
            pl.BlockSpec((D, D), lambda i: (0, 0)),
            pl.BlockSpec((D, D), lambda i: (0, 0)),
        ],
        out_specs=[
            pl.BlockSpec((_R, D), lambda i: (i, 0)),
            pl.BlockSpec((_R, D), lambda i: (i, 0)),
        ],
        out_shape=[jax.ShapeDtypeStruct((N_T, D), jnp.float32),
                   jax.ShapeDtypeStruct((N_T, D), jnp.float32)],
    )(x, wl, wr)


def _tc_finish_body(a0_ref, a1_ref, d0_ref, d1_ref, q_ref, g_ref, b_ref,
                    wl_ref, wr_ref, h_ref, p_ref, qn_ref):
    dsum = d0_ref[...] + d1_ref[...]
    invd = 1.0 / jnp.maximum(dsum[:, 0:1], 1.0)
    mean = (a0_ref[...] + a1_ref[...]) * invd
    u = (mean + q_ref[...]) * INV_BN * g_ref[...] + b_ref[...]
    hv = jnp.maximum(u, 0.0)
    h_ref[...] = hv
    p_ref[...] = jnp.dot(hv, wl_ref[...], preferred_element_type=jnp.float32)
    qn_ref[...] = jnp.dot(hv, wr_ref[...], preferred_element_type=jnp.float32)


def _tc_finish(a0, a1, d0, d1, q, g, b, wl, wr):
    return pl.pallas_call(
        _tc_finish_body,
        grid=(_GRID,),
        in_specs=[
            pl.BlockSpec((_R, D), lambda i: (i, 0)),
            pl.BlockSpec((_R, D), lambda i: (i, 0)),
            pl.BlockSpec((_R, D), lambda i: (i, 0)),
            pl.BlockSpec((_R, D), lambda i: (i, 0)),
            pl.BlockSpec((_R, D), lambda i: (i, 0)),
            pl.BlockSpec((1, D), lambda i: (0, 0)),
            pl.BlockSpec((1, D), lambda i: (0, 0)),
            pl.BlockSpec((D, D), lambda i: (0, 0)),
            pl.BlockSpec((D, D), lambda i: (0, 0)),
        ],
        out_specs=[
            pl.BlockSpec((_R, D), lambda i: (i, 0)),
            pl.BlockSpec((_R, D), lambda i: (i, 0)),
            pl.BlockSpec((_R, D), lambda i: (i, 0)),
        ],
        out_shape=[jax.ShapeDtypeStruct((N_T, D), jnp.float32),
                   jax.ShapeDtypeStruct((N_T, D), jnp.float32),
                   jax.ShapeDtypeStruct((N_T, D), jnp.float32)],
    )(a0, a1, d0, d1, q, g, b, wl, wr)


def _tc_final_body(a0_ref, a1_ref, d0_ref, d1_ref, q_ref, bl_ref,
                   h1_ref, h2_ref, wc1_ref, wc2_ref, wc3_ref, bc_ref, o_ref):
    dsum = d0_ref[...] + d1_ref[...]
    invd = 1.0 / jnp.maximum(dsum[:, 0:1], 1.0)
    h3 = (a0_ref[...] + a1_ref[...]) * invd + q_ref[...] + bl_ref[...]
    o = jnp.dot(h1_ref[...], wc1_ref[...], preferred_element_type=jnp.float32)
    o += jnp.dot(h2_ref[...], wc2_ref[...], preferred_element_type=jnp.float32)
    o += jnp.dot(h3, wc3_ref[...], preferred_element_type=jnp.float32)
    o_ref[...] = o + bc_ref[...]


def _tc_final(a0, a1, d0, d1, q, bl, h1, h2, wc1, wc2, wc3, bc):
    return pl.pallas_call(
        _tc_final_body,
        grid=(_GRID,),
        in_specs=[
            pl.BlockSpec((_R, D), lambda i: (i, 0)),
            pl.BlockSpec((_R, D), lambda i: (i, 0)),
            pl.BlockSpec((_R, D), lambda i: (i, 0)),
            pl.BlockSpec((_R, D), lambda i: (i, 0)),
            pl.BlockSpec((_R, D), lambda i: (i, 0)),
            pl.BlockSpec((1, D), lambda i: (0, 0)),
            pl.BlockSpec((_R, D), lambda i: (i, 0)),
            pl.BlockSpec((_R, D), lambda i: (i, 0)),
            pl.BlockSpec((D, OUT), lambda i: (0, 0)),
            pl.BlockSpec((D, OUT), lambda i: (0, 0)),
            pl.BlockSpec((D, OUT), lambda i: (0, 0)),
            pl.BlockSpec((1, OUT), lambda i: (0, 0)),
        ],
        out_specs=pl.BlockSpec((_R, OUT), lambda i: (i, 0)),
        out_shape=jax.ShapeDtypeStruct((N_T, OUT), jnp.float32),
    )(a0, a1, d0, d1, q, bl, h1, h2, wc1, wc2, wc3, bc)


def kernel(x, edge_index, Wl0, Wr0, Wl1, Wr1, Wl2, Wr2, bl2, g0, bn0, g1, bn1,
           Wc, bc):
    src = edge_index[0]
    dst = edge_index[1]
    srcg = jnp.concatenate(
        [src, jnp.zeros((E_PAD - E,), jnp.int32)]).reshape(NW, CPW, CHUNK)
    dstg = jnp.concatenate(
        [dst, jnp.full((E_PAD - E,), N, jnp.int32)]).reshape(NW, CPW, CHUNK)
    z128 = jnp.zeros((N_T, D), jnp.float32)
    xp = jnp.concatenate([x, jnp.zeros((N_T - N, D), jnp.float32)])
    ones128 = jnp.ones((CHUNK, D), jnp.float32)

    g0r = g0.reshape(1, D)
    bn0r = bn0.reshape(1, D)
    g1r = g1.reshape(1, D)
    bn1r = bn1.reshape(1, D)
    bl2r = bl2.reshape(1, D)
    wc1, wc2, wc3 = Wc[:D], Wc[D:2 * D], Wc[2 * D:]
    bcr = bc.reshape(1, OUT)

    p0, q0 = _tc_project(xp, Wl0, Wr0)
    dd = _sc_degree(dstg, z128, ones128)
    a = _sc_segsum(p0, srcg, dstg, z128)
    d0p, d1p = dd[0], dd[1]
    h1, p1, q1 = _tc_finish(a[0], a[1], d0p, d1p, q0, g0r, bn0r, Wl1, Wr1)
    a = _sc_segsum(p1, srcg, dstg, z128)
    h2, p2, q2 = _tc_finish(a[0], a[1], d0p, d1p, q1, g1r, bn1r, Wl2, Wr2)
    a = _sc_segsum(p2, srcg, dstg, z128)
    out = _tc_final(a[0], a[1], d0p, d1p, q2, bl2r, h1, h2, wc1, wc2, wc3,
                    bcr)
    return out[:N]

# --- scband reference (transcript-rebuilt; emitter-appended) ---
"""Pipeline reference for scband-jknet-9371618640571 (READ-ONLY COPY).

The authoritative reference and input builder live on the scoring server;
editing this copy changes nothing except your own understanding.
"""

import jax, jax.numpy as jnp
import numpy as np

N = 10000
E = 320000
IN_DIM = 128
HID = 128
OUT = 40


def setup_inputs(seed: int = 0) -> dict:
    key = jax.random.key(seed)
    ks = jax.random.split(key, 16)
    inp = {}
    inp["x"] = jax.random.normal(ks[0], (N, IN_DIM), dtype=jnp.float32)
    inp["edge_index"] = jax.random.randint(ks[1], (2, E), 0, N, dtype=jnp.int32)
    # SAGEConv layer 0 (in_dim -> hid, no bias)
    inp["Wl0"] = jax.random.normal(ks[2], (IN_DIM, HID), dtype=jnp.float32) * 0.05
    inp["Wr0"] = jax.random.normal(ks[3], (IN_DIM, HID), dtype=jnp.float32) * 0.05
    # SAGEConv layer 1 (hid -> hid, no bias)
    inp["Wl1"] = jax.random.normal(ks[4], (HID, HID), dtype=jnp.float32) * 0.05
    inp["Wr1"] = jax.random.normal(ks[5], (HID, HID), dtype=jnp.float32) * 0.05
    # SAGEConv layer 2 (hid -> hid, bias=True on last layer)
    inp["Wl2"] = jax.random.normal(ks[6], (HID, HID), dtype=jnp.float32) * 0.05
    inp["Wr2"] = jax.random.normal(ks[7], (HID, HID), dtype=jnp.float32) * 0.05
    inp["bl2"] = jax.random.normal(ks[8], (HID,), dtype=jnp.float32) * 0.05
    # BatchNorm (eval mode, running_mean=0, running_var=1) params for layers 0,1
    inp["g0"] = jnp.ones((HID,), dtype=jnp.float32)
    inp["bn0"] = jnp.zeros((HID,), dtype=jnp.float32)
    inp["g1"] = jnp.ones((HID,), dtype=jnp.float32)
    inp["bn1"] = jnp.zeros((HID,), dtype=jnp.float32)
    # Classifier over concatenated jumping-knowledge representation
    inp["Wc"] = jax.random.normal(ks[9], (HID * 3, OUT), dtype=jnp.float32) * 0.05
    inp["bc"] = jnp.zeros((OUT,), dtype=jnp.float32)
    return inp


def reference(x, edge_index, Wl0, Wr0, Wl1, Wr1, Wl2, Wr2, bl2, g0, bn0, g1, bn1, Wc, bc):
    src = edge_index[0]
    dst = edge_index[1]
    inv = 1.0 / jnp.sqrt(1.0 + 1e-5)  # BN eval with running stats (0, 1)

    def sage(h, Wl, Wr, bl=None):
        # mean aggregation of source-node features into destination nodes
        agg = jax.ops.segment_sum(h[src], dst, num_segments=N)
        deg = jax.ops.segment_sum(jnp.ones((E,), dtype=h.dtype), dst, num_segments=N)
        mean = agg / jnp.clip(deg, 1.0)[:, None]
        out = mean @ Wl + h @ Wr
        if bl is not None:
            out = out + bl
        return out

    feats = []
    # layer 0 (dropout is identity in eval)
    h = sage(x, Wl0, Wr0)
    h = (h * inv) * g0 + bn0
    h = jax.nn.relu(h)
    feats.append(h)
    # layer 1
    h = sage(h, Wl1, Wr1)
    h = (h * inv) * g1 + bn1
    h = jax.nn.relu(h)
    feats.append(h)
    # layer 2 (last: bias, no BN/act)
    h = sage(h, Wl2, Wr2, bl2)
    feats.append(h)

    rep = jnp.concatenate(feats, axis=-1)
    return rep @ Wc + bc

if __name__ == "__main__":
    import jax
    _d = setup_inputs()
    print(jax.jit(kernel)(*tuple(_d.values())))

</pallas_src>

<mosaic_0001>
#map = affine_map<(d0, d1) -> (0, 0)>
#map1 = affine_map<(d0, d1) -> (0, 0, 0)>
module attributes {stable_mosaic.version = 14 : i64} {
  func.func @_sc_segsum_body(%arg0: i32, %arg1: i32, %arg2: memref<10240x128xf32, #tpu.memory_space<hbm>>, %arg3: memref<32x80x128xi32, #tpu.memory_space<hbm>>, %arg4: memref<32x80x128xi32, #tpu.memory_space<hbm>>, %arg5: memref<10240x128xf32, #tpu.memory_space<hbm>>, %arg6: memref<2x10240x128xf32, #tpu.memory_space<hbm>>, %arg7: memref<40x128xi32, #tpu.memory_space<vmem>>, %arg8: memref<40x128xi32, #tpu.memory_space<vmem>>, %arg9: memref<128x128xf32, #tpu.memory_space<vmem>>, %arg10: memref<128x128xf32, #tpu.memory_space<vmem>>, %arg11: memref<!tpu.dma_semaphore, #tpu.memory_space<semaphore_mem>>, %arg12: memref<!tpu.dma_semaphore, #tpu.memory_space<semaphore_mem>>, %arg13: memref<10240x128xf32, #tpu.memory_space<vmem_shared>>) attributes {dimension_semantics = [#tpu.dimension_semantics<core_parallel>, #tpu.dimension_semantics<subcore_parallel>], iteration_bounds = array<i64: 2, 16>, scalar_prefetch = 0 : i64, scratch_operands = 7 : i64, tpu.core_type = #tpu.core_type<sc_vector_subcore>, window_params = [{transform_indices = #map}, {transform_indices = #map1}, {transform_indices = #map1}, {transform_indices = #map}, {transform_indices = #map1}]} {
    %mul3A = arith.constant 16 : i32
    %mul3A_0 = arith.muli %arg0, %mul3A : i32
    %add3A = arith.addi %mul3A_0, %arg1 : i32
    %mul3A_1 = arith.constant 640 : i32
    %mul3A_2 = arith.muli %arg1, %mul3A_1 : i32
    "tpu.region"() ({
      %run_scoped3A_72 = tpu.sem_alloc : memref<!tpu.dma_semaphore, #tpu.memory_space<semaphore_mem>>
      %dma_start3A_73 = arith.constant 0 : i32
      %dma_start3A_74 = tpu.memref_slice %arg13[%mul3A_2, %dma_start3A_73] : memref<10240x128xf32, #tpu.memory_space<vmem_shared>> -> memref<640x128xf32, #tpu.memory_space<vmem_shared>>
      %dma_start3A_75 = arith.constant 0 : i32
      %dma_start3A_76 = tpu.memref_slice %arg5[%mul3A_2, %dma_start3A_75] : memref<10240x128xf32, #tpu.memory_space<hbm>> -> memref<640x128xf32, #tpu.memory_space<hbm>>
      tpu.enqueue_dma source(%dma_start3A_76 : memref<640x128xf32, #tpu.memory_space<hbm>>) target(%dma_start3A_74 : memref<640x128xf32, #tpu.memory_space<vmem_shared>>) target_semaphore(%run_scoped3A_72 : memref<!tpu.dma_semaphore, #tpu.memory_space<semaphore_mem>>)
      %dma_wait3A_77 = arith.constant 0 : i32
      %dma_wait3A_78 = tpu.memref_slice %arg13[%mul3A_2, %dma_wait3A_77] : memref<10240x128xf32, #tpu.memory_space<vmem_shared>> -> memref<640x128xf32, #tpu.memory_space<vmem_shared>>
      %dma_wait3A_79 = arith.constant 0 : i32
      %dma_wait3A_80 = tpu.memref_slice %arg5[%mul3A_2, %dma_wait3A_79] : memref<10240x128xf32, #tpu.memory_space<hbm>> -> memref<640x128xf32, #tpu.memory_space<hbm>>
      tpu.wait_dma2 semaphore(%run_scoped3A_72 : memref<!tpu.dma_semaphore, #tpu.memory_space<semaphore_mem>>) src(%dma_wait3A_80 : memref<640x128xf32, #tpu.memory_space<hbm>>) dst(%dma_wait3A_78 : memref<640x128xf32, #tpu.memory_space<vmem_shared>>)
      tpu.yield
    }) : () -> ()
    %barrier3A = arith.constant 0 : index
    tpu.barrier barrier_id(%barrier3A)
    "tpu.region"() ({
      %run_scoped3A_72 = tpu.sem_alloc : memref<!tpu.dma_semaphore, #tpu.memory_space<semaphore_mem>>
      %dma_start3A_73 = arith.constant 0 : i32
      %dma_start3A_74 = arith.constant 0 : i32
      %dma_start3A_75 = tpu.memref_slice %arg3[%add3A, %dma_start3A_73, %dma_start3A_74] : memref<32x80x128xi32, #tpu.memory_space<hbm>> -> memref<1x40x128xi32, #tpu.memory_space<hbm>>
      %dma_start3A_76 = tpu.memref_squeeze %dma_start3A_75 : memref<1x40x128xi32, #tpu.memory_space<hbm>> -> memref<40x128xi32, #tpu.memory_space<hbm>>
      %dma_start3A_77 = arith.constant 0 : i32
      %dma_start3A_78 = arith.constant 0 : i32
      %dma_start3A_79 = tpu.memref_slice %arg3[%add3A, %dma_start3A_77, %dma_start3A_78] : memref<32x80x128xi32, #tpu.memory_space<hbm>> -> memref<1x40x128xi32, #tpu.memory_space<hbm>>
      %dma_start3A_80 = tpu.memref_squeeze %dma_start3A_79 : memref<1x40x128xi32, #tpu.memory_space<hbm>> -> memref<40x128xi32, #tpu.memory_space<hbm>>
      tpu.enqueue_dma source(%dma_start3A_80 : memref<40x128xi32, #tpu.memory_space<hbm>>) target(%arg7 : memref<40x128xi32, #tpu.memory_space<vmem>>) target_semaphore(%run_scoped3A_72 : memref<!tpu.dma_semaphore, #tpu.memory_space<semaphore_mem>>)
      %dma_wait3A_81 = arith.constant 0 : i32
      %dma_wait3A_82 = arith.constant 0 : i32
      %dma_wait3A_83 = tpu.memref_slice %arg3[%add3A, %dma_wait3A_81, %dma_wait3A_82] : memref<32x80x128xi32, #tpu.memory_space<hbm>> -> memref<1x40x128xi32, #tpu.memory_space<hbm>>
      %dma_wait3A_84 = tpu.memref_squeeze %dma_wait3A_83 : memref<1x40x128xi32, #tpu.memory_space<hbm>> -> memref<40x128xi32, #tpu.memory_space<hbm>>
      %dma_wait3A_85 = arith.constant 0 : i32
      %dma_wait3A_86 = arith.constant 0 : i32
      %dma_wait3A_87 = tpu.memref_slice %arg3[%add3A, %dma_wait3A_85, %dma_wait3A_86] : memref<32x80x128xi32, #tpu.memory_space<hbm>> -> memref<1x40x128xi32, #tpu.memory_space<hbm>>
      %dma_wait3A_88 = tpu.memref_squeeze %dma_wait3A_87 : memref<1x40x128xi32, #tpu.memory_space<hbm>> -> memref<40x128xi32, #tpu.memory_space<hbm>>
      tpu.wait_dma2 semaphore(%run_scoped3A_72 : memref<!tpu.dma_semaphore, #tpu.memory_space<semaphore_mem>>) src(%dma_wait3A_88 : memref<40x128xi32, #tpu.memory_space<hbm>>) dst(%arg7 : memref<40x128xi32, #tpu.memory_space<vmem>>)
      tpu.yield
    }) : () -> ()
    "tpu.region"() ({
      %run_scoped3A_72 = tpu.sem_alloc : memref<!tpu.dma_semaphore, #tpu.memory_space<semaphore_mem>>
      %dma_start3A_73 = arith.constant 0 : i32
      %dma_start3A_74 = arith.constant 0 : i32
      %dma_start3A_75 = tpu.memref_slice %arg4[%add3A, %dma_start3A_73, %dma_start3A_74] : memref<32x80x128xi32, #tpu.memory_space<hbm>> -> memref<1x40x128xi32, #tpu.memory_space<hbm>>
      %dma_start3A_76 = tpu.memref_squeeze %dma_start3A_75 : memref<1x40x128xi32, #tpu.memory_space<hbm>> -> memref<40x128xi32, #tpu.memory_space<hbm>>
      %dma_start3A_77 = arith.constant 0 : i32
      %dma_start3A_78 = arith.constant 0 : i32
      %dma_start3A_79 = tpu.memref_slice %arg4[%add3A, %dma_start3A_77, %dma_start3A_78] : memref<32x80x128xi32, #tpu.memory_space<hbm>> -> memref<1x40x128xi32, #tpu.memory_space<hbm>>
      %dma_start3A_80 = tpu.memref_squeeze %dma_start3A_79 : memref<1x40x128xi32, #tpu.memory_space<hbm>> -> memref<40x128xi32, #tpu.memory_space<hbm>>
      tpu.enqueue_dma source(%dma_start3A_80 : memref<40x128xi32, #tpu.memory_space<hbm>>) target(%arg8 : memref<40x128xi32, #tpu.memory_space<vmem>>) target_semaphore(%run_scoped3A_72 : memref<!tpu.dma_semaphore, #tpu.memory_space<semaphore_mem>>)
      %dma_wait3A_81 = arith.constant 0 : i32
      %dma_wait3A_82 = arith.constant 0 : i32
      %dma_wait3A_83 = tpu.memref_slice %arg4[%add3A, %dma_wait3A_81, %dma_wait3A_82] : memref<32x80x128xi32, #tpu.memory_space<hbm>> -> memref<1x40x128xi32, #tpu.memory_space<hbm>>
      %dma_wait3A_84 = tpu.memref_squeeze %dma_wait3A_83 : memref<1x40x128xi32, #tpu.memory_space<hbm>> -> memref<40x128xi32, #tpu.memory_space<hbm>>
      %dma_wait3A_85 = arith.constant 0 : i32
      %dma_wait3A_86 = arith.constant 0 : i32
      %dma_wait3A_87 = tpu.memref_slice %arg4[%add3A, %dma_wait3A_85, %dma_wait3A_86] : memref<32x80x128xi32, #tpu.memory_space<hbm>> -> memref<1x40x128xi32, #tpu.memory_space<hbm>>
      %dma_wait3A_88 = tpu.memref_squeeze %dma_wait3A_87 : memref<1x40x128xi32, #tpu.memory_space<hbm>> -> memref<40x128xi32, #tpu.memory_space<hbm>>
      tpu.wait_dma2 semaphore(%run_scoped3A_72 : memref<!tpu.dma_semaphore, #tpu.memory_space<semaphore_mem>>) src(%dma_wait3A_88 : memref<40x128xi32, #tpu.memory_space<hbm>>) dst(%arg8 : memref<40x128xi32, #tpu.memory_space<vmem>>)
      tpu.yield
    }) : () -> ()
    %dma_start3A = arith.constant 0 : i32
    %dma_start3A_3 = arith.constant 0 : i32
    %dma_start3A_4 = tpu.memref_slice %arg7[%dma_start3A, %dma_start3A_3] : memref<40x128xi32, #tpu.memory_space<vmem>> -> memref<1x128xi32, #tpu.memory_space<vmem>>
    %dma_start3A_5 = tpu.memref_squeeze %dma_start3A_4 : memref<1x128xi32, #tpu.memory_space<vmem>> -> memref<128xi32, #tpu.memory_space<vmem>>
    %dma_start3A_6 = arith.constant 0 : i32
    %dma_start3A_7 = arith.constant 0 : i32
    %dma_start3A_8 = tpu.memref_slice %arg2[%dma_start3A_6, %dma_start3A_7] : memref<10240x128xf32, #tpu.memory_space<hbm>> -> memref<10240x128xf32, #tpu.memory_space<hbm>>
    tpu.enqueue_indirect_dma source(%dma_start3A_8 : memref<10240x128xf32, #tpu.memory_space<hbm>>) target(%arg9 : memref<128x128xf32, #tpu.memory_space<vmem>>) offsets(%dma_start3A_5 : memref<128xi32, #tpu.memory_space<vmem>>) semaphore(%arg11 : memref<!tpu.dma_semaphore, #tpu.memory_space<semaphore_mem>>)
    %dma_start3A_9 = arith.constant 1 : i32
    %dma_start3A_10 = arith.constant 0 : i32
    %dma_start3A_11 = tpu.memref_slice %arg7[%dma_start3A_9, %dma_start3A_10] : memref<40x128xi32, #tpu.memory_space<vmem>> -> memref<1x128xi32, #tpu.memory_space<vmem>>
    %dma_start3A_12 = tpu.memref_squeeze %dma_start3A_11 : memref<1x128xi32, #tpu.memory_space<vmem>> -> memref<128xi32, #tpu.memory_space<vmem>>
    %dma_start3A_13 = arith.constant 0 : i32
    %dma_start3A_14 = arith.constant 0 : i32
    %dma_start3A_15 = tpu.memref_slice %arg2[%dma_start3A_13, %dma_start3A_14] : memref<10240x128xf32, #tpu.memory_space<hbm>> -> memref<10240x128xf32, #tpu.memory_space<hbm>>
    tpu.enqueue_indirect_dma source(%dma_start3A_15 : memref<10240x128xf32, #tpu.memory_space<hbm>>) target(%arg10 : memref<128x128xf32, #tpu.memory_space<vmem>>) offsets(%dma_start3A_12 : memref<128xi32, #tpu.memory_space<vmem>>) semaphore(%arg12 : memref<!tpu.dma_semaphore, #tpu.memory_space<semaphore_mem>>)
    %scan3A = arith.constant 0 : i32
    %scan3A_16 = arith.constant 0 : i32
    %scan3A_17 = arith.constant 19 : i32
    %scan3A_18 = arith.addi %scan3A_16, %scan3A_17 : i32
    %scan3A_19 = arith.constant 1 : i32
    scf.for %scan3A_72 = %scan3A_16 to %scan3A_18 step %scan3A_19  : i32 {
      %mul3A_73 = arith.constant 2 : i32
      %mul3A_74 = arith.muli %scan3A_72, %mul3A_73 : i32
      %add3A_75 = arith.constant 0 : i32
      %add3A_76 = arith.addi %mul3A_74, %add3A_75 : i32
      %dma_wait3A_77 = arith.constant 0 : i32
      %dma_wait3A_78 = tpu.memref_slice %arg7[%add3A_76, %dma_wait3A_77] : memref<40x128xi32, #tpu.memory_space<vmem>> -> memref<1x128xi32, #tpu.memory_space<vmem>>
      %dma_wait3A_79 = tpu.memref_squeeze %dma_wait3A_78 : memref<1x128xi32, #tpu.memory_space<vmem>> -> memref<128xi32, #tpu.memory_space<vmem>>
      %dma_wait3A_80 = arith.constant 0 : i32
      %dma_wait3A_81 = arith.constant 0 : i32
      %dma_wait3A_82 = tpu.memref_slice %arg2[%dma_wait3A_80, %dma_wait3A_81] : memref<10240x128xf32, #tpu.memory_space<hbm>> -> memref<10240x128xf32, #tpu.memory_space<hbm>>
      tpu.wait_indirect_dma semaphore(%arg11 : memref<!tpu.dma_semaphore, #tpu.memory_space<semaphore_mem>>) src(%dma_wait3A_82 : memref<10240x128xf32, #tpu.memory_space<hbm>>) dst(%arg9 : memref<128x128xf32, #tpu.memory_space<vmem>>)
      %add3A_83 = arith.constant 0 : i32
      %add3A_84 = arith.addi %mul3A_74, %add3A_83 : i32
      "tpu.region"() ({
        %run_scoped3A_115 = tpu.sem_alloc : memref<!tpu.dma_semaphore, #tpu.memory_space<semaphore_mem>>
        %dma_start3A_116 = arith.constant 0 : i32
        %dma_start3A_117 = tpu.memref_slice %arg8[%add3A_84, %dma_start3A_116] : memref<40x128xi32, #tpu.memory_space<vmem>> -> memref<1x128xi32, #tpu.memory_space<vmem>>
        %dma_start3A_118 = tpu.memref_squeeze %dma_start3A_117 : memref<1x128xi32, #tpu.memory_space<vmem>> -> memref<128xi32, #tpu.memory_space<vmem>>
        %dma_start3A_119 = arith.constant 0 : i32
        %dma_start3A_120 = arith.constant 0 : i32
        %dma_start3A_121 = tpu.memref_slice %arg13[%dma_start3A_119, %dma_start3A_120] : memref<10240x128xf32, #tpu.memory_space<vmem_shared>> -> memref<10240x128xf32, #tpu.memory_space<vmem_shared>>
        tpu.enqueue_indirect_dma source(%arg9 : memref<128x128xf32, #tpu.memory_space<vmem>>) target(%dma_start3A_121 : memref<10240x128xf32, #tpu.memory_space<vmem_shared>>) offsets(%dma_start3A_118 : memref<128xi32, #tpu.memory_space<vmem>>) semaphore(%run_scoped3A_115 : memref<!tpu.dma_semaphore, #tpu.memory_space<semaphore_mem>>) {add = true}
        %dma_wait3A_122 = arith.constant 0 : i32
        %dma_wait3A_123 = tpu.memref_slice %arg8[%add3A_84, %dma_wait3A_122] : memref<40x128xi32, #tpu.memory_space<vmem>> -> memref<1x128xi32, #tpu.memory_space<vmem>>
        %dma_wait3A_124 = tpu.memref_squeeze %dma_wait3A_123 : memref<1x128xi32, #tpu.memory_space<vmem>> -> memref<128xi32, #tpu.memory_space<vmem>>
        %dma_wait3A_125 = arith.constant 0 : i32
        %dma_wait3A_126 = arith.constant 0 : i32
        %dma_wait3A_127 = tpu.memref_slice %arg13[%dma_wait3A_125, %dma_wait3A_126] : memref<10240x128xf32, #tpu.memory_space<vmem_shared>> -> memref<10240x128xf32, #tpu.memory_space<vmem_shared>>
        tpu.wait_indirect_dma semaphore(%run_scoped3A_115 : memref<!tpu.dma_semaphore, #tpu.memory_space<semaphore_mem>>) src(%arg9 : memref<128x128xf32, #tpu.memory_space<vmem>>) dst(%dma_wait3A_127 : memref<10240x128xf32, #tpu.memory_space<vmem_shared>>)
        tpu.yield
      }) : () -> ()
      %add3A_85 = arith.constant 0 : i32
      %add3A_86 = arith.addi %mul3A_74, %add3A_85 : i32
      %add3A_87 = arith.constant 2 : i32
      %add3A_88 = arith.addi %add3A_86, %add3A_87 : i32
      %dma_start3A_89 = arith.constant 0 : i32
      %dma_start3A_90 = tpu.memref_slice %arg7[%add3A_88, %dma_start3A_89] : memref<40x128xi32, #tpu.memory_space<vmem>> -> memref<1x128xi32, #tpu.memory_space<vmem>>
      %dma_start3A_91 = tpu.memref_squeeze %dma_start3A_90 : memref<1x128xi32, #tpu.memory_space<vmem>> -> memref<128xi32, #tpu.memory_space<vmem>>
      %dma_start3A_92 = arith.constant 0 : i32
      %dma_start3A_93 = arith.constant 0 : i32
      %dma_start3A_94 = tpu.memref_slice %arg2[%dma_start3A_92, %dma_start3A_93] : memref<10240x128xf32, #tpu.memory_space<hbm>> -> memref<10240x128xf32, #tpu.memory_space<hbm>>
      tpu.enqueue_indirect_dma source(%dma_start3A_94 : memref<10240x128xf32, #tpu.memory_space<hbm>>) target(%arg9 : memref<128x128xf32, #tpu.memory_space<vmem>>) offsets(%dma_start3A_91 : memref<128xi32, #tpu.memory_space<vmem>>) semaphore(%arg11 : memref<!tpu.dma_semaphore, #tpu.memory_space<semaphore_mem>>)
      %add3A_95 = arith.constant 1 : i32
      %add3A_96 = arith.addi %mul3A_74, %add3A_95 : i32
      %dma_wait3A_97 = arith.constant 0 : i32
      %dma_wait3A_98 = tpu.memref_slice %arg7[%add3A_96, %dma_wait3A_97] : memref<40x128xi32, #tpu.memory_space<vmem>> -> memref<1x128xi32, #tpu.memory_space<vmem>>
      %dma_wait3A_99 = tpu.memref_squeeze %dma_wait3A_98 : memref<1x128xi32, #tpu.memory_space<vmem>> -> memref<128xi32, #tpu.memory_space<vmem>>
      %dma_wait3A_100 = arith.constant 0 : i32
      %dma_wait3A_101 = arith.constant 0 : i32
      %dma_wait3A_102 = tpu.memref_slice %arg2[%dma_wait3A_100, %dma_wait3A_101] : memref<10240x128xf32, #tpu.memory_space<hbm>> -> memref<10240x128xf32, #tpu.memory_space<hbm>>
      tpu.wait_indirect_dma semaphore(%arg12 : memref<!tpu.dma_semaphore, #tpu.memory_space<semaphore_mem>>) src(%dma_wait3A_102 : memref<10240x128xf32, #tpu.memory_space<hbm>>) dst(%arg10 : memref<128x128xf32, #tpu.memory_space<vmem>>)
      %add3A_103 = arith.constant 1 : i32
      %add3A_104 = arith.addi %mul3A_74, %add3A_103 : i32
      "tpu.region"() ({
        %run_scoped3A_115 = tpu.sem_alloc : memref<!tpu.dma_semaphore, #tpu.memory_space<semaphore_mem>>
        %dma_start3A_116 = arith.constant 0 : i32
        %dma_start3A_117 = tpu.memref_slice %arg8[%add3A_104, %dma_start3A_116] : memref<40x128xi32, #tpu.memory_space<vmem>> -> memref<1x128xi32, #tpu.memory_space<vmem>>
        %dma_start3A_118 = tpu.memref_squeeze %dma_start3A_117 : memref<1x128xi32, #tpu.memory_space<vmem>> -> memref<128xi32, #tpu.memory_space<vmem>>
        %dma_start3A_119 = arith.constant 0 : i32
        %dma_start3A_120 = arith.constant 0 : i32
        %dma_start3A_121 = tpu.memref_slice %arg13[%dma_start3A_119, %dma_start3A_120] : memref<10240x128xf32, #tpu.memory_space<vmem_shared>> -> memref<10240x128xf32, #tpu.memory_space<vmem_shared>>
        tpu.enqueue_indirect_dma source(%arg10 : memref<128x128xf32, #tpu.memory_space<vmem>>) target(%dma_start3A_121 : memref<10240x128xf32, #tpu.memory_space<vmem_shared>>) offsets(%dma_start3A_118 : memref<128xi32, #tpu.memory_space<vmem>>) semaphore(%run_scoped3A_115 : memref<!tpu.dma_semaphore, #tpu.memory_space<semaphore_mem>>) {add = true}
        %dma_wait3A_122 = arith.constant 0 : i32
        %dma_wait3A_123 = tpu.memref_slice %arg8[%add3A_104, %dma_wait3A_122] : memref<40x128xi32, #tpu.memory_space<vmem>> -> memref<1x128xi32, #tpu.memory_space<vmem>>
        %dma_wait3A_124 = tpu.memref_squeeze %dma_wait3A_123 : memref<1x128xi32, #tpu.memory_space<vmem>> -> memref<128xi32, #tpu.memory_space<vmem>>
        %dma_wait3A_125 = arith.constant 0 : i32
        %dma_wait3A_126 = arith.constant 0 : i32
        %dma_wait3A_127 = tpu.memref_slice %arg13[%dma_wait3A_125, %dma_wait3A_126] : memref<10240x128xf32, #tpu.memory_space<vmem_shared>> -> memref<10240x128xf32, #tpu.memory_space<vmem_shared>>
        tpu.wait_indirect_dma semaphore(%run_scoped3A_115 : memref<!tpu.dma_semaphore, #tpu.memory_space<semaphore_mem>>) src(%arg10 : memref<128x128xf32, #tpu.memory_space<vmem>>) dst(%dma_wait3A_127 : memref<10240x128xf32, #tpu.memory_space<vmem_shared>>)
        tpu.yield
      }) : () -> ()
      %add3A_105 = arith.constant 1 : i32
      %add3A_106 = arith.addi %mul3A_74, %add3A_105 : i32
      %add3A_107 = arith.constant 2 : i32
      %add3A_108 = arith.addi %add3A_106, %add3A_107 : i32
      %dma_start3A_109 = arith.constant 0 : i32
      %dma_start3A_110 = tpu.memref_slice %arg7[%add3A_108, %dma_start3A_109] : memref<40x128xi32, #tpu.memory_space<vmem>> -> memref<1x128xi32, #tpu.memory_space<vmem>>
      %dma_start3A_111 = tpu.memref_squeeze %dma_start3A_110 : memref<1x128xi32, #tpu.memory_space<vmem>> -> memref<128xi32, #tpu.memory_space<vmem>>
      %dma_start3A_112 = arith.constant 0 : i32
      %dma_start3A_113 = arith.constant 0 : i32
      %dma_start3A_114 = tpu.memref_slice %arg2[%dma_start3A_112, %dma_start3A_113] : memref<10240x128xf32, #tpu.memory_space<hbm>> -> memref<10240x128xf32, #tpu.memory_space<hbm>>
      tpu.enqueue_indirect_dma source(%dma_start3A_114 : memref<10240x128xf32, #tpu.memory_space<hbm>>) target(%arg10 : memref<128x128xf32, #tpu.memory_space<vmem>>) offsets(%dma_start3A_111 : memref<128xi32, #tpu.memory_space<vmem>>) semaphore(%arg12 : memref<!tpu.dma_semaphore, #tpu.memory_space<semaphore_mem>>)
    }
    %scan3A_20 = arith.constant 19 : i32
    %dma_wait3A = arith.constant 38 : i32
    %dma_wait3A_21 = arith.constant 0 : i32
    %dma_wait3A_22 = tpu.memref_slice %arg7[%dma_wait3A, %dma_wait3A_21] : memref<40x128xi32, #tpu.memory_space<vmem>> -> memref<1x128xi32, #tpu.memory_space<vmem>>
    %dma_wait3A_23 = tpu.memref_squeeze %dma_wait3A_22 : memref<1x128xi32, #tpu.memory_space<vmem>> -> memref<128xi32, #tpu.memory_space<vmem>>
    %dma_wait3A_24 = arith.constant 0 : i32
    %dma_wait3A_25 = arith.constant 0 : i32
    %dma_wait3A_26 = tpu.memref_slice %arg2[%dma_wait3A_24, %dma_wait3A_25] : memref<10240x128xf32, #tpu.memory_space<hbm>> -> memref<10240x128xf32, #tpu.memory_space<hbm>>
    tpu.wait_indirect_dma semaphore(%arg11 : memref<!tpu.dma_semaphore, #tpu.memory_space<semaphore_mem>>) src(%dma_wait3A_26 : memref<10240x128xf32, #tpu.memory_space<hbm>>) dst(%arg9 : memref<128x128xf32, #tpu.memory_space<vmem>>)
    %run_scoped3A = arith.constant 38 : i32
    "tpu.region"() ({
      %run_scoped3A_72 = tpu.sem_alloc : memref<!tpu.dma_semaphore, #tpu.memory_space<semaphore_mem>>
      %dma_start3A_73 = arith.constant 0 : i32
      %dma_start3A_74 = tpu.memref_slice %arg8[%run_scoped3A, %dma_start3A_73] : memref<40x128xi32, #tpu.memory_space<vmem>> -> memref<1x128xi32, #tpu.memory_space<vmem>>
      %dma_start3A_75 = tpu.memref_squeeze %dma_start3A_74 : memref<1x128xi32, #tpu.memory_space<vmem>> -> memref<128xi32, #tpu.memory_space<vmem>>
      %dma_start3A_76 = arith.constant 0 : i32
      %dma_start3A_77 = arith.constant 0 : i32
      %dma_start3A_78 = tpu.memref_slice %arg13[%dma_start3A_76, %dma_start3A_77] : memref<10240x128xf32, #tpu.memory_space<vmem_shared>> -> memref<10240x128xf32, #tpu.memory_space<vmem_shared>>
      tpu.enqueue_indirect_dma source(%arg9 : memref<128x128xf32, #tpu.memory_space<vmem>>) target(%dma_start3A_78 : memref<10240x128xf32, #tpu.memory_space<vmem_shared>>) offsets(%dma_start3A_75 : memref<128xi32, #tpu.memory_space<vmem>>) semaphore(%run_scoped3A_72 : memref<!tpu.dma_semaphore, #tpu.memory_space<semaphore_mem>>) {add = true}
      %dma_wait3A_79 = arith.constant 0 : i32
      %dma_wait3A_80 = tpu.memref_slice %arg8[%run_scoped3A, %dma_wait3A_79] : memref<40x128xi32, #tpu.memory_space<vmem>> -> memref<1x128xi32, #tpu.memory_space<vmem>>
      %dma_wait3A_81 = tpu.memref_squeeze %dma_wait3A_80 : memref<1x128xi32, #tpu.memory_space<vmem>> -> memref<128xi32, #tpu.memory_space<vmem>>
      %dma_wait3A_82 = arith.constant 0 : i32
      %dma_wait3A_83 = arith.constant 0 : i32
      %dma_wait3A_84 = tpu.memref_slice %arg13[%dma_wait3A_82, %dma_wait3A_83] : memref<10240x128xf32, #tpu.memory_space<vmem_shared>> -> memref<10240x128xf32, #tpu.memory_space<vmem_shared>>
      tpu.wait_indirect_dma semaphore(%run_scoped3A_72 : memref<!tpu.dma_semaphore, #tpu.memory_space<semaphore_mem>>) src(%arg9 : memref<128x128xf32, #tpu.memory_space<vmem>>) dst(%dma_wait3A_84 : memref<10240x128xf32, #tpu.memory_space<vmem_shared>>)
      tpu.yield
    }) : () -> ()
    %dma_wait3A_27 = arith.constant 39 : i32
    %dma_wait3A_28 = arith.constant 0 : i32
    %dma_wait3A_29 = tpu.memref_slice %arg7[%dma_wait3A_27, %dma_wait3A_28] : memref<40x128xi32, #tpu.memory_space<vmem>> -> memref<1x128xi32, #tpu.memory_space<vmem>>
    %dma_wait3A_30 = tpu.memref_squeeze %dma_wait3A_29 : memref<1x128xi32, #tpu.memory_space<vmem>> -> memref<128xi32, #tpu.memory_space<vmem>>
    %dma_wait3A_31 = arith.constant 0 : i32
    %dma_wait3A_32 = arith.constant 0 : i32
    %dma_wait3A_33 = tpu.memref_slice %arg2[%dma_wait3A_31, %dma_wait3A_32] : memref<10240x128xf32, #tpu.memory_space<hbm>> -> memref<10240x128xf32, #tpu.memory_space<hbm>>
    tpu.wait_indirect_dma semaphore(%arg12 : memref<!tpu.dma_semaphore, #tpu.memory_space<semaphore_mem>>) src(%dma_wait3A_33 : memref<10240x128xf32, #tpu.memory_space<hbm>>) dst(%arg10 : memref<128x128xf32, #tpu.memory_space<vmem>>)
    %run_scoped3A_34 = arith.constant 39 : i32
    "tpu.region"() ({
      %run_scoped3A_72 = tpu.sem_alloc : memref<!tpu.dma_semaphore, #tpu.memory_space<semaphore_mem>>
      %dma_start3A_73 = arith.constant 0 : i32
      %dma_start3A_74 = tpu.memref_slice %arg8[%run_scoped3A_34, %dma_start3A_73] : memref<40x128xi32, #tpu.memory_space<vmem>> -> memref<1x128xi32, #tpu.memory_space<vmem>>
      %dma_start3A_75 = tpu.memref_squeeze %dma_start3A_74 : memref<1x128xi32, #tpu.memory_space<vmem>> -> memref<128xi32, #tpu.memory_space<vmem>>
      %dma_start3A_76 = arith.constant 0 : i32
      %dma_start3A_77 = arith.constant 0 : i32
      %dma_start3A_78 = tpu.memref_slice %arg13[%dma_start3A_76, %dma_start3A_77] : memref<10240x128xf32, #tpu.memory_space<vmem_shared>> -> memref<10240x128xf32, #tpu.memory_space<vmem_shared>>
      tpu.enqueue_indirect_dma source(%arg10 : memref<128x128xf32, #tpu.memory_space<vmem>>) target(%dma_start3A_78 : memref<10240x128xf32, #tpu.memory_space<vmem_shared>>) offsets(%dma_start3A_75 : memref<128xi32, #tpu.memory_space<vmem>>) semaphore(%run_scoped3A_72 : memref<!tpu.dma_semaphore, #tpu.memory_space<semaphore_mem>>) {add = true}
      %dma_wait3A_79 = arith.constant 0 : i32
      %dma_wait3A_80 = tpu.memref_slice %arg8[%run_scoped3A_34, %dma_wait3A_79] : memref<40x128xi32, #tpu.memory_space<vmem>> -> memref<1x128xi32, #tpu.memory_space<vmem>>
      %dma_wait3A_81 = tpu.memref_squeeze %dma_wait3A_80 : memref<1x128xi32, #tpu.memory_space<vmem>> -> memref<128xi32, #tpu.memory_space<vmem>>
      %dma_wait3A_82 = arith.constant 0 : i32
      %dma_wait3A_83 = arith.constant 0 : i32
      %dma_wait3A_84 = tpu.memref_slice %arg13[%dma_wait3A_82, %dma_wait3A_83] : memref<10240x128xf32, #tpu.memory_space<vmem_shared>> -> memref<10240x128xf32, #tpu.memory_space<vmem_shared>>
      tpu.wait_indirect_dma semaphore(%run_scoped3A_72 : memref<!tpu.dma_semaphore, #tpu.memory_space<semaphore_mem>>) src(%arg10 : memref<128x128xf32, #tpu.memory_space<vmem>>) dst(%dma_wait3A_84 : memref<10240x128xf32, #tpu.memory_space<vmem_shared>>)
      tpu.yield
    }) : () -> ()
    "tpu.region"() ({
      %run_scoped3A_72 = tpu.sem_alloc : memref<!tpu.dma_semaphore, #tpu.memory_space<semaphore_mem>>
      %dma_start3A_73 = arith.constant 40 : i32
      %dma_start3A_74 = arith.constant 0 : i32
      %dma_start3A_75 = tpu.memref_slice %arg3[%add3A, %dma_start3A_73, %dma_start3A_74] : memref<32x80x128xi32, #tpu.memory_space<hbm>> -> memref<1x40x128xi32, #tpu.memory_space<hbm>>
      %dma_start3A_76 = tpu.memref_squeeze %dma_start3A_75 : memref<1x40x128xi32, #tpu.memory_space<hbm>> -> memref<40x128xi32, #tpu.memory_space<hbm>>
      %dma_start3A_77 = arith.constant 40 : i32
      %dma_start3A_78 = arith.constant 0 : i32
      %dma_start3A_79 = tpu.memref_slice %arg3[%add3A, %dma_start3A_77, %dma_start3A_78] : memref<32x80x128xi32, #tpu.memory_space<hbm>> -> memref<1x40x128xi32, #tpu.memory_space<hbm>>
      %dma_start3A_80 = tpu.memref_squeeze %dma_start3A_79 : memref<1x40x128xi32, #tpu.memory_space<hbm>> -> memref<40x128xi32, #tpu.memory_space<hbm>>
      tpu.enqueue_dma source(%dma_start3A_80 : memref<40x128xi32, #tpu.memory_space<hbm>>) target(%arg7 : memref<40x128xi32, #tpu.memory_space<vmem>>) target_semaphore(%run_scoped3A_72 : memref<!tpu.dma_semaphore, #tpu.memory_space<semaphore_mem>>)
      %dma_wait3A_81 = arith.constant 40 : i32
      %dma_wait3A_82 = arith.constant 0 : i32
      %dma_wait3A_83 = tpu.memref_slice %arg3[%add3A, %dma_wait3A_81, %dma_wait3A_82] : memref<32x80x128xi32, #tpu.memory_space<hbm>> -> memref<1x40x128xi32, #tpu.memory_space<hbm>>
      %dma_wait3A_84 = tpu.memref_squeeze %dma_wait3A_83 : memref<1x40x128xi32, #tpu.memory_space<hbm>> -> memref<40x128xi32, #tpu.memory_space<hbm>>
      %dma_wait3A_85 = arith.constant 40 : i32
      %dma_wait3A_86 = arith.constant 0 : i32
      %dma_wait3A_87 = tpu.memref_slice %arg3[%add3A, %dma_wait3A_85, %dma_wait3A_86] : memref<32x80x128xi32, #tpu.memory_space<hbm>> -> memref<1x40x128xi32, #tpu.memory_space<hbm>>
      %dma_wait3A_88 = tpu.memref_squeeze %dma_wait3A_87 : memref<1x40x128xi32, #tpu.memory_space<hbm>> -> memref<40x128xi32, #tpu.memory_space<hbm>>
      tpu.wait_dma2 semaphore(%run_scoped3A_72 : memref<!tpu.dma_semaphore, #tpu.memory_space<semaphore_mem>>) src(%dma_wait3A_88 : memref<40x128xi32, #tpu.memory_space<hbm>>) dst(%arg7 : memref<40x128xi32, #tpu.memory_space<vmem>>)
      tpu.yield
    }) : () -> ()
    "tpu.region"() ({
      %run_scoped3A_72 = tpu.sem_alloc : memref<!tpu.dma_semaphore, #tpu.memory_space<semaphore_mem>>
      %dma_start3A_73 = arith.constant 40 : i32
      %dma_start3A_74 = arith.constant 0 : i32
      %dma_start3A_75 = tpu.memref_slice %arg4[%add3A, %dma_start3A_73, %dma_start3A_74] : memref<32x80x128xi32, #tpu.memory_space<hbm>> -> memref<1x40x128xi32, #tpu.memory_space<hbm>>
      %dma_start3A_76 = tpu.memref_squeeze %dma_start3A_75 : memref<1x40x128xi32, #tpu.memory_space<hbm>> -> memref<40x128xi32, #tpu.memory_space<hbm>>
      %dma_start3A_77 = arith.constant 40 : i32
      %dma_start3A_78 = arith.constant 0 : i32
      %dma_start3A_79 = tpu.memref_slice %arg4[%add3A, %dma_start3A_77, %dma_start3A_78] : memref<32x80x128xi32, #tpu.memory_space<hbm>> -> memref<1x40x128xi32, #tpu.memory_space<hbm>>
      %dma_start3A_80 = tpu.memref_squeeze %dma_start3A_79 : memref<1x40x128xi32, #tpu.memory_space<hbm>> -> memref<40x128xi32, #tpu.memory_space<hbm>>
      tpu.enqueue_dma source(%dma_start3A_80 : memref<40x128xi32, #tpu.memory_space<hbm>>) target(%arg8 : memref<40x128xi32, #tpu.memory_space<vmem>>) target_semaphore(%run_scoped3A_72 : memref<!tpu.dma_semaphore, #tpu.memory_space<semaphore_mem>>)
      %dma_wait3A_81 = arith.constant 40 : i32
      %dma_wait3A_82 = arith.constant 0 : i32
      %dma_wait3A_83 = tpu.memref_slice %arg4[%add3A, %dma_wait3A_81, %dma_wait3A_82] : memref<32x80x128xi32, #tpu.memory_space<hbm>> -> memref<1x40x128xi32, #tpu.memory_space<hbm>>
      %dma_wait3A_84 = tpu.memref_squeeze %dma_wait3A_83 : memref<1x40x128xi32, #tpu.memory_space<hbm>> -> memref<40x128xi32, #tpu.memory_space<hbm>>
      %dma_wait3A_85 = arith.constant 40 : i32
      %dma_wait3A_86 = arith.constant 0 : i32
      %dma_wait3A_87 = tpu.memref_slice %arg4[%add3A, %dma_wait3A_85, %dma_wait3A_86] : memref<32x80x128xi32, #tpu.memory_space<hbm>> -> memref<1x40x128xi32, #tpu.memory_space<hbm>>
      %dma_wait3A_88 = tpu.memref_squeeze %dma_wait3A_87 : memref<1x40x128xi32, #tpu.memory_space<hbm>> -> memref<40x128xi32, #tpu.memory_space<hbm>>
      tpu.wait_dma2 semaphore(%run_scoped3A_72 : memref<!tpu.dma_semaphore, #tpu.memory_space<semaphore_mem>>) src(%dma_wait3A_88 : memref<40x128xi32, #tpu.memory_space<hbm>>) dst(%arg8 : memref<40x128xi32, #tpu.memory_space<vmem>>)
      tpu.yield
    }) : () -> ()
    %dma_start3A_35 = arith.constant 0 : i32
    %dma_start3A_36 = arith.constant 0 : i32
    %dma_start3A_37 = tpu.memref_slice %arg7[%dma_start3A_35, %dma_start3A_36] : memref<40x128xi32, #tpu.memory_space<vmem>> -> memref<1x128xi32, #tpu.memory_space<vmem>>
    %dma_start3A_38 = tpu.memref_squeeze %dma_start3A_37 : memref<1x128xi32, #tpu.memory_space<vmem>> -> memref<128xi32, #tpu.memory_space<vmem>>
    %dma_start3A_39 = arith.constant 0 : i32
    %dma_start3A_40 = arith.constant 0 : i32
    %dma_start3A_41 = tpu.memref_slice %arg2[%dma_start3A_39, %dma_start3A_40] : memref<10240x128xf32, #tpu.memory_space<hbm>> -> memref<10240x128xf32, #tpu.memory_space<hbm>>
    tpu.enqueue_indirect_dma source(%dma_start3A_41 : memref<10240x128xf32, #tpu.memory_space<hbm>>) target(%arg9 : memref<128x128xf32, #tpu.memory_space<vmem>>) offsets(%dma_start3A_38 : memref<128xi32, #tpu.memory_space<vmem>>) semaphore(%arg11 : memref<!tpu.dma_semaphore, #tpu.memory_space<semaphore_mem>>)
    %dma_start3A_42 = arith.constant 1 : i32
    %dma_start3A_43 = arith.constant 0 : i32
    %dma_start3A_44 = tpu.memref_slice %arg7[%dma_start3A_42, %dma_start3A_43] : memref<40x128xi32, #tpu.memory_space<vmem>> -> memref<1x128xi32, #tpu.memory_space<vmem>>
    %dma_start3A_45 = tpu.memref_squeeze %dma_start3A_44 : memref<1x128xi32, #tpu.memory_space<vmem>> -> memref<128xi32, #tpu.memory_space<vmem>>
    %dma_start3A_46 = arith.constant 0 : i32
    %dma_start3A_47 = arith.constant 0 : i32
    %dma_start3A_48 = tpu.memref_slice %arg2[%dma_start3A_46, %dma_start3A_47] : memref<10240x128xf32, #tpu.memory_space<hbm>> -> memref<10240x128xf32, #tpu.memory_space<hbm>>
    tpu.enqueue_indirect_dma source(%dma_start3A_48 : memref<10240x128xf32, #tpu.memory_space<hbm>>) target(%arg10 : memref<128x128xf32, #tpu.memory_space<vmem>>) offsets(%dma_start3A_45 : memref<128xi32, #tpu.memory_space<vmem>>) semaphore(%arg12 : memref<!tpu.dma_semaphore, #tpu.memory_space<semaphore_mem>>)
    %scan3A_49 = arith.constant 0 : i32
    %scan3A_50 = arith.constant 0 : i32
    %scan3A_51 = arith.constant 19 : i32
    %scan3A_52 = arith.addi %scan3A_50, %scan3A_51 : i32
    %scan3A_53 = arith.constant 1 : i32
    scf.for %scan3A_72 = %scan3A_50 to %scan3A_52 step %scan3A_53  : i32 {
      %mul3A_73 = arith.constant 2 : i32
      %mul3A_74 = arith.muli %scan3A_72, %mul3A_73 : i32
      %add3A_75 = arith.constant 0 : i32
      %add3A_76 = arith.addi %mul3A_74, %add3A_75 : i32
      %dma_wait3A_77 = arith.constant 0 : i32
      %dma_wait3A_78 = tpu.memref_slice %arg7[%add3A_76, %dma_wait3A_77] : memref<40x128xi32, #tpu.memory_space<vmem>> -> memref<1x128xi32, #tpu.memory_space<vmem>>
      %dma_wait3A_79 = tpu.memref_squeeze %dma_wait3A_78 : memref<1x128xi32, #tpu.memory_space<vmem>> -> memref<128xi32, #tpu.memory_space<vmem>>
      %dma_wait3A_80 = arith.constant 0 : i32
      %dma_wait3A_81 = arith.constant 0 : i32
      %dma_wait3A_82 = tpu.memref_slice %arg2[%dma_wait3A_80, %dma_wait3A_81] : memref<10240x128xf32, #tpu.memory_space<hbm>> -> memref<10240x128xf32, #tpu.memory_space<hbm>>
      tpu.wait_indirect_dma semaphore(%arg11 : memref<!tpu.dma_semaphore, #tpu.memory_space<semaphore_mem>>) src(%dma_wait3A_82 : memref<10240x128xf32, #tpu.memory_space<hbm>>) dst(%arg9 : memref<128x128xf32, #tpu.memory_space<vmem>>)
      %add3A_83 = arith.constant 0 : i32
      %add3A_84 = arith.addi %mul3A_74, %add3A_83 : i32
      "tpu.region"() ({
        %run_scoped3A_115 = tpu.sem_alloc : memref<!tpu.dma_semaphore, #tpu.memory_space<semaphore_mem>>
        %dma_start3A_116 = arith.constant 0 : i32
        %dma_start3A_117 = tpu.memref_slice %arg8[%add3A_84, %dma_start3A_116] : memref<40x128xi32, #tpu.memory_space<vmem>> -> memref<1x128xi32, #tpu.memory_space<vmem>>
        %dma_start3A_118 = tpu.memref_squeeze %dma_start3A_117 : memref<1x128xi32, #tpu.memory_space<vmem>> -> memref<128xi32, #tpu.memory_space<vmem>>
        %dma_start3A_119 = arith.constant 0 : i32
        %dma_start3A_120 = arith.constant 0 : i32
        %dma_start3A_121 = tpu.memref_slice %arg13[%dma_start3A_119, %dma_start3A_120] : memref<10240x128xf32, #tpu.memory_space<vmem_shared>> -> memref<10240x128xf32, #tpu.memory_space<vmem_shared>>
        tpu.enqueue_indirect_dma source(%arg9 : memref<128x128xf32, #tpu.memory_space<vmem>>) target(%dma_start3A_121 : memref<10240x128xf32, #tpu.memory_space<vmem_shared>>) offsets(%dma_start3A_118 : memref<128xi32, #tpu.memory_space<vmem>>) semaphore(%run_scoped3A_115 : memref<!tpu.dma_semaphore, #tpu.memory_space<semaphore_mem>>) {add = true}
        %dma_wait3A_122 = arith.constant 0 : i32
        %dma_wait3A_123 = tpu.memref_slice %arg8[%add3A_84, %dma_wait3A_122] : memref<40x128xi32, #tpu.memory_space<vmem>> -> memref<1x128xi32, #tpu.memory_space<vmem>>
        %dma_wait3A_124 = tpu.memref_squeeze %dma_wait3A_123 : memref<1x128xi32, #tpu.memory_space<vmem>> -> memref<128xi32, #tpu.memory_space<vmem>>
        %dma_wait3A_125 = arith.constant 0 : i32
        %dma_wait3A_126 = arith.constant 0 : i32
        %dma_wait3A_127 = tpu.memref_slice %arg13[%dma_wait3A_125, %dma_wait3A_126] : memref<10240x128xf32, #tpu.memory_space<vmem_shared>> -> memref<10240x128xf32, #tpu.memory_space<vmem_shared>>
        tpu.wait_indirect_dma semaphore(%run_scoped3A_115 : memref<!tpu.dma_semaphore, #tpu.memory_space<semaphore_mem>>) src(%arg9 : memref<128x128xf32, #tpu.memory_space<vmem>>) dst(%dma_wait3A_127 : memref<10240x128xf32, #tpu.memory_space<vmem_shared>>)
        tpu.yield
      }) : () -> ()
      %add3A_85 = arith.constant 0 : i32
      %add3A_86 = arith.addi %mul3A_74, %add3A_85 : i32
      %add3A_87 = arith.constant 2 : i32
      %add3A_88 = arith.addi %add3A_86, %add3A_87 : i32
      %dma_start3A_89 = arith.constant 0 : i32
      %dma_start3A_90 = tpu.memref_slice %arg7[%add3A_88, %dma_start3A_89] : memref<40x128xi32, #tpu.memory_space<vmem>> -> memref<1x128xi32, #tpu.memory_space<vmem>>
      %dma_start3A_91 = tpu.memref_squeeze %dma_start3A_90 : memref<1x128xi32, #tpu.memory_space<vmem>> -> memref<128xi32, #tpu.memory_space<vmem>>
      %dma_start3A_92 = arith.constant 0 : i32
      %dma_start3A_93 = arith.constant 0 : i32
      %dma_start3A_94 = tpu.memref_slice %arg2[%dma_start3A_92, %dma_start3A_93] : memref<10240x128xf32, #tpu.memory_space<hbm>> -> memref<10240x128xf32, #tpu.memory_space<hbm>>
      tpu.enqueue_indirect_dma source(%dma_start3A_94 : memref<10240x128xf32, #tpu.memory_space<hbm>>) target(%arg9 : memref<128x128xf32, #tpu.memory_space<vmem>>) offsets(%dma_start3A_91 : memref<128xi32, #tpu.memory_space<vmem>>) semaphore(%arg11 : memref<!tpu.dma_semaphore, #tpu.memory_space<semaphore_mem>>)
      %add3A_95 = arith.constant 1 : i32
      %add3A_96 = arith.addi %mul3A_74, %add3A_95 : i32
      %dma_wait3A_97 = arith.constant 0 : i32
      %dma_wait3A_98 = tpu.memref_slice %arg7[%add3A_96, %dma_wait3A_97] : memref<40x128xi32, #tpu.memory_space<vmem>> -> memref<1x128xi32, #tpu.memory_space<vmem>>
      %dma_wait3A_99 = tpu.memref_squeeze %dma_wait3A_98 : memref<1x128xi32, #tpu.memory_space<vmem>> -> memref<128xi32, #tpu.memory_space<vmem>>
      %dma_wait3A_100 = arith.constant 0 : i32
      %dma_wait3A_101 = arith.constant 0 : i32
      %dma_wait3A_102 = tpu.memref_slice %arg2[%dma_wait3A_100, %dma_wait3A_101] : memref<10240x128xf32, #tpu.memory_space<hbm>> -> memref<10240x128xf32, #tpu.memory_space<hbm>>
      tpu.wait_indirect_dma semaphore(%arg12 : memref<!tpu.dma_semaphore, #tpu.memory_space<semaphore_mem>>) src(%dma_wait3A_102 : memref<10240x128xf32, #tpu.memory_space<hbm>>) dst(%arg10 : memref<128x128xf32, #tpu.memory_space<vmem>>)
      %add3A_103 = arith.constant 1 : i32
      %add3A_104 = arith.addi %mul3A_74, %add3A_103 : i32
      "tpu.region"() ({
        %run_scoped3A_115 = tpu.sem_alloc : memref<!tpu.dma_semaphore, #tpu.memory_space<semaphore_mem>>
        %dma_start3A_116 = arith.constant 0 : i32
        %dma_start3A_117 = tpu.memref_slice %arg8[%add3A_104, %dma_start3A_116] : memref<40x128xi32, #tpu.memory_space<vmem>> -> memref<1x128xi32, #tpu.memory_space<vmem>>
        %dma_start3A_118 = tpu.memref_squeeze %dma_start3A_117 : memref<1x128xi32, #tpu.memory_space<vmem>> -> memref<128xi32, #tpu.memory_space<vmem>>
        %dma_start3A_119 = arith.constant 0 : i32
        %dma_start3A_120 = arith.constant 0 : i32
        %dma_start3A_121 = tpu.memref_slice %arg13[%dma_start3A_119, %dma_start3A_120] : memref<10240x128xf32, #tpu.memory_space<vmem_shared>> -> memref<10240x128xf32, #tpu.memory_space<vmem_shared>>
        tpu.enqueue_indirect_dma source(%arg10 : memref<128x128xf32, #tpu.memory_space<vmem>>) target(%dma_start3A_121 : memref<10240x128xf32, #tpu.memory_space<vmem_shared>>) offsets(%dma_start3A_118 : memref<128xi32, #tpu.memory_space<vmem>>) semaphore(%run_scoped3A_115 : memref<!tpu.dma_semaphore, #tpu.memory_space<semaphore_mem>>) {add = true}
        %dma_wait3A_122 = arith.constant 0 : i32
        %dma_wait3A_123 = tpu.memref_slice %arg8[%add3A_104, %dma_wait3A_122] : memref<40x128xi32, #tpu.memory_space<vmem>> -> memref<1x128xi32, #tpu.memory_space<vmem>>
        %dma_wait3A_124 = tpu.memref_squeeze %dma_wait3A_123 : memref<1x128xi32, #tpu.memory_space<vmem>> -> memref<128xi32, #tpu.memory_space<vmem>>
        %dma_wait3A_125 = arith.constant 0 : i32
        %dma_wait3A_126 = arith.constant 0 : i32
        %dma_wait3A_127 = tpu.memref_slice %arg13[%dma_wait3A_125, %dma_wait3A_126] : memref<10240x128xf32, #tpu.memory_space<vmem_shared>> -> memref<10240x128xf32, #tpu.memory_space<vmem_shared>>
        tpu.wait_indirect_dma semaphore(%run_scoped3A_115 : memref<!tpu.dma_semaphore, #tpu.memory_space<semaphore_mem>>) src(%arg10 : memref<128x128xf32, #tpu.memory_space<vmem>>) dst(%dma_wait3A_127 : memref<10240x128xf32, #tpu.memory_space<vmem_shared>>)
        tpu.yield
      }) : () -> ()
      %add3A_105 = arith.constant 1 : i32
      %add3A_106 = arith.addi %mul3A_74, %add3A_105 : i32
      %add3A_107 = arith.constant 2 : i32
      %add3A_108 = arith.addi %add3A_106, %add3A_107 : i32
      %dma_start3A_109 = arith.constant 0 : i32
      %dma_start3A_110 = tpu.memref_slice %arg7[%add3A_108, %dma_start3A_109] : memref<40x128xi32, #tpu.memory_space<vmem>> -> memref<1x128xi32, #tpu.memory_space<vmem>>
      %dma_start3A_111 = tpu.memref_squeeze %dma_start3A_110 : memref<1x128xi32, #tpu.memory_space<vmem>> -> memref<128xi32, #tpu.memory_space<vmem>>
      %dma_start3A_112 = arith.constant 0 : i32
      %dma_start3A_113 = arith.constant 0 : i32
      %dma_start3A_114 = tpu.memref_slice %arg2[%dma_start3A_112, %dma_start3A_113] : memref<10240x128xf32, #tpu.memory_space<hbm>> -> memref<10240x128xf32, #tpu.memory_space<hbm>>
      tpu.enqueue_indirect_dma source(%dma_start3A_114 : memref<10240x128xf32, #tpu.memory_space<hbm>>) target(%arg10 : memref<128x128xf32, #tpu.memory_space<vmem>>) offsets(%dma_start3A_111 : memref<128xi32, #tpu.memory_space<vmem>>) semaphore(%arg12 : memref<!tpu.dma_semaphore, #tpu.memory_space<semaphore_mem>>)
    }
    %scan3A_54 = arith.constant 19 : i32
    %dma_wait3A_55 = arith.constant 38 : i32
    %dma_wait3A_56 = arith.constant 0 : i32
    %dma_wait3A_57 = tpu.memref_slice %arg7[%dma_wait3A_55, %dma_wait3A_56] : memref<40x128xi32, #tpu.memory_space<vmem>> -> memref<1x128xi32, #tpu.memory_space<vmem>>
    %dma_wait3A_58 = tpu.memref_squeeze %dma_wait3A_57 : memref<1x128xi32, #tpu.memory_space<vmem>> -> memref<128xi32, #tpu.memory_space<vmem>>
    %dma_wait3A_59 = arith.constant 0 : i32
    %dma_wait3A_60 = arith.constant 0 : i32
    %dma_wait3A_61 = tpu.memref_slice %arg2[%dma_wait3A_59, %dma_wait3A_60] : memref<10240x128xf32, #tpu.memory_space<hbm>> -> memref<10240x128xf32, #tpu.memory_space<hbm>>
    tpu.wait_indirect_dma semaphore(%arg11 : memref<!tpu.dma_semaphore, #tpu.memory_space<semaphore_mem>>) src(%dma_wait3A_61 : memref<10240x128xf32, #tpu.memory_space<hbm>>) dst(%arg9 : memref<128x128xf32, #tpu.memory_space<vmem>>)
    %run_scoped3A_62 = arith.constant 38 : i32
    "tpu.region"() ({
      %run_scoped3A_72 = tpu.sem_alloc : memref<!tpu.dma_semaphore, #tpu.memory_space<semaphore_mem>>
      %dma_start3A_73 = arith.constant 0 : i32
      %dma_start3A_74 = tpu.memref_slice %arg8[%run_scoped3A_62, %dma_start3A_73] : memref<40x128xi32, #tpu.memory_space<vmem>> -> memref<1x128xi32, #tpu.memory_space<vmem>>
      %dma_start3A_75 = tpu.memref_squeeze %dma_start3A_74 : memref<1x128xi32, #tpu.memory_space<vmem>> -> memref<128xi32, #tpu.memory_space<vmem>>
      %dma_start3A_76 = arith.constant 0 : i32
      %dma_start3A_77 = arith.constant 0 : i32
      %dma_start3A_78 = tpu.memref_slice %arg13[%dma_start3A_76, %dma_start3A_77] : memref<10240x128xf32, #tpu.memory_space<vmem_shared>> -> memref<10240x128xf32, #tpu.memory_space<vmem_shared>>
      tpu.enqueue_indirect_dma source(%arg9 : memref<128x128xf32, #tpu.memory_space<vmem>>) target(%dma_start3A_78 : memref<10240x128xf32, #tpu.memory_space<vmem_shared>>) offsets(%dma_start3A_75 : memref<128xi32, #tpu.memory_space<vmem>>) semaphore(%run_scoped3A_72 : memref<!tpu.dma_semaphore, #tpu.memory_space<semaphore_mem>>) {add = true}
      %dma_wait3A_79 = arith.constant 0 : i32
      %dma_wait3A_80 = tpu.memref_slice %arg8[%run_scoped3A_62, %dma_wait3A_79] : memref<40x128xi32, #tpu.memory_space<vmem>> -> memref<1x128xi32, #tpu.memory_space<vmem>>
      %dma_wait3A_81 = tpu.memref_squeeze %dma_wait3A_80 : memref<1x128xi32, #tpu.memory_space<vmem>> -> memref<128xi32, #tpu.memory_space<vmem>>
      %dma_wait3A_82 = arith.constant 0 : i32
      %dma_wait3A_83 = arith.constant 0 : i32
      %dma_wait3A_84 = tpu.memref_slice %arg13[%dma_wait3A_82, %dma_wait3A_83] : memref<10240x128xf32, #tpu.memory_space<vmem_shared>> -> memref<10240x128xf32, #tpu.memory_space<vmem_shared>>
      tpu.wait_indirect_dma semaphore(%run_scoped3A_72 : memref<!tpu.dma_semaphore, #tpu.memory_space<semaphore_mem>>) src(%arg9 : memref<128x128xf32, #tpu.memory_space<vmem>>) dst(%dma_wait3A_84 : memref<10240x128xf32, #tpu.memory_space<vmem_shared>>)
      tpu.yield
    }) : () -> ()
    %dma_wait3A_63 = arith.constant 39 : i32
    %dma_wait3A_64 = arith.constant 0 : i32
    %dma_wait3A_65 = tpu.memref_slice %arg7[%dma_wait3A_63, %dma_wait3A_64] : memref<40x128xi32, #tpu.memory_space<vmem>> -> memref<1x128xi32, #tpu.memory_space<vmem>>
    %dma_wait3A_66 = tpu.memref_squeeze %dma_wait3A_65 : memref<1x128xi32, #tpu.memory_space<vmem>> -> memref<128xi32, #tpu.memory_space<vmem>>
    %dma_wait3A_67 = arith.constant 0 : i32
    %dma_wait3A_68 = arith.constant 0 : i32
    %dma_wait3A_69 = tpu.memref_slice %arg2[%dma_wait3A_67, %dma_wait3A_68] : memref<10240x128xf32, #tpu.memory_space<hbm>> -> memref<10240x128xf32, #tpu.memory_space<hbm>>
    tpu.wait_indirect_dma semaphore(%arg12 : memref<!tpu.dma_semaphore, #tpu.memory_space<semaphore_mem>>) src(%dma_wait3A_69 : memref<10240x128xf32, #tpu.memory_space<hbm>>) dst(%arg10 : memref<128x128xf32, #tpu.memory_space<vmem>>)
    %run_scoped3A_70 = arith.constant 39 : i32
    "tpu.region"() ({
      %run_scoped3A_72 = tpu.sem_alloc : memref<!tpu.dma_semaphore, #tpu.memory_space<semaphore_mem>>
      %dma_start3A_73 = arith.constant 0 : i32
      %dma_start3A_74 = tpu.memref_slice %arg8[%run_scoped3A_70, %dma_start3A_73] : memref<40x128xi32, #tpu.memory_space<vmem>> -> memref<1x128xi32, #tpu.memory_space<vmem>>
      %dma_start3A_75 = tpu.memref_squeeze %dma_start3A_74 : memref<1x128xi32, #tpu.memory_space<vmem>> -> memref<128xi32, #tpu.memory_space<vmem>>
      %dma_start3A_76 = arith.constant 0 : i32
      %dma_start3A_77 = arith.constant 0 : i32
      %dma_start3A_78 = tpu.memref_slice %arg13[%dma_start3A_76, %dma_start3A_77] : memref<10240x128xf32, #tpu.memory_space<vmem_shared>> -> memref<10240x128xf32, #tpu.memory_space<vmem_shared>>
      tpu.enqueue_indirect_dma source(%arg10 : memref<128x128xf32, #tpu.memory_space<vmem>>) target(%dma_start3A_78 : memref<10240x128xf32, #tpu.memory_space<vmem_shared>>) offsets(%dma_start3A_75 : memref<128xi32, #tpu.memory_space<vmem>>) semaphore(%run_scoped3A_72 : memref<!tpu.dma_semaphore, #tpu.memory_space<semaphore_mem>>) {add = true}
      %dma_wait3A_79 = arith.constant 0 : i32
      %dma_wait3A_80 = tpu.memref_slice %arg8[%run_scoped3A_70, %dma_wait3A_79] : memref<40x128xi32, #tpu.memory_space<vmem>> -> memref<1x128xi32, #tpu.memory_space<vmem>>
      %dma_wait3A_81 = tpu.memref_squeeze %dma_wait3A_80 : memref<1x128xi32, #tpu.memory_space<vmem>> -> memref<128xi32, #tpu.memory_space<vmem>>
      %dma_wait3A_82 = arith.constant 0 : i32
      %dma_wait3A_83 = arith.constant 0 : i32
      %dma_wait3A_84 = tpu.memref_slice %arg13[%dma_wait3A_82, %dma_wait3A_83] : memref<10240x128xf32, #tpu.memory_space<vmem_shared>> -> memref<10240x128xf32, #tpu.memory_space<vmem_shared>>
      tpu.wait_indirect_dma semaphore(%run_scoped3A_72 : memref<!tpu.dma_semaphore, #tpu.memory_space<semaphore_mem>>) src(%arg10 : memref<128x128xf32, #tpu.memory_space<vmem>>) dst(%dma_wait3A_84 : memref<10240x128xf32, #tpu.memory_space<vmem_shared>>)
      tpu.yield
    }) : () -> ()
    %barrier3A_71 = arith.constant 0 : index
    tpu.barrier barrier_id(%barrier3A_71)
    "tpu.region"() ({
      %run_scoped3A_72 = tpu.sem_alloc : memref<!tpu.dma_semaphore, #tpu.memory_space<semaphore_mem>>
      %dma_start3A_73 = arith.constant 0 : i32
      %dma_start3A_74 = tpu.memref_slice %arg6[%arg0, %mul3A_2, %dma_start3A_73] : memref<2x10240x128xf32, #tpu.memory_space<hbm>> -> memref<1x640x128xf32, #tpu.memory_space<hbm>>
      %dma_start3A_75 = tpu.memref_squeeze %dma_start3A_74 : memref<1x640x128xf32, #tpu.memory_space<hbm>> -> memref<640x128xf32, #tpu.memory_space<hbm>>
      %dma_start3A_76 = arith.constant 0 : i32
      %dma_start3A_77 = tpu.memref_slice %arg13[%mul3A_2, %dma_start3A_76] : memref<10240x128xf32, #tpu.memory_space<vmem_shared>> -> memref<640x128xf32, #tpu.memory_space<vmem_shared>>
      tpu.enqueue_dma source(%dma_start3A_77 : memref<640x128xf32, #tpu.memory_space<vmem_shared>>) target(%dma_start3A_75 : memref<640x128xf32, #tpu.memory_space<hbm>>) target_semaphore(%run_scoped3A_72 : memref<!tpu.dma_semaphore, #tpu.memory_space<semaphore_mem>>)
      %dma_wait3A_78 = arith.constant 0 : i32
      %dma_wait3A_79 = tpu.memref_slice %arg6[%arg0, %mul3A_2, %dma_wait3A_78] : memref<2x10240x128xf32, #tpu.memory_space<hbm>> -> memref<1x640x128xf32, #tpu.memory_space<hbm>>
      %dma_wait3A_80 = tpu.memref_squeeze %dma_wait3A_79 : memref<1x640x128xf32, #tpu.memory_space<hbm>> -> memref<640x128xf32, #tpu.memory_space<hbm>>
      %dma_wait3A_81 = arith.constant 0 : i32
      %dma_wait3A_82 = tpu.memref_slice %arg13[%mul3A_2, %dma_wait3A_81] : memref<10240x128xf32, #tpu.memory_space<vmem_shared>> -> memref<640x128xf32, #tpu.memory_space<vmem_shared>>
      tpu.wait_dma2 semaphore(%run_scoped3A_72 : memref<!tpu.dma_semaphore, #tpu.memory_space<semaphore_mem>>) src(%dma_wait3A_82 : memref<640x128xf32, #tpu.memory_space<vmem_shared>>) dst(%dma_wait3A_80 : memref<640x128xf32, #tpu.memory_space<hbm>>)
      tpu.yield
    }) : () -> ()
    return
  }
}

#map = affine_map<(d0, d1) -> (0, 0)>
#map1 = affine_map<(d0, d1) -> (0, 0, 0)>
module attributes {stable_mosaic.version = 14 : i64} {
  func.func @_sc_segsum_body(%arg0: i32, %arg1: i32, %arg2: memref<10240x128xf32, #tpu.memory_space<hbm>>, %arg3: memref<32x80x128xi32, #tpu.memory_space<hbm>>, %arg4: memref<32x80x128xi32, #tpu.memory_space<hbm>>, %arg5: memref<10240x128xf32, #tpu.memory_space<hbm>>, %arg6: memref<2x10240x128xf32, #tpu.memory_space<hbm>>, %arg7: memref<40x128xi32, #tpu.memory_space<vmem>>, %arg8: memref<40x128xi32, #tpu.memory_space<vmem>>, %arg9: memref<128x128xf32, #tpu.memory_space<vmem>>, %arg10: memref<128x128xf32, #tpu.memory_space<vmem>>, %arg11: memref<!tpu.dma_semaphore, #tpu.memory_space<semaphore_mem>>, %arg12: memref<!tpu.dma_semaphore, #tpu.memory_space<semaphore_mem>>, %arg13: memref<10240x128xf32, #tpu.memory_space<vmem_shared>>) attributes {dimension_semantics = [#tpu.dimension_semantics<core_parallel>, #tpu.dimension_semantics<subcore_parallel>], iteration_bounds = array<i64: 2, 16>, scalar_prefetch = 0 : i64, scratch_operands = 7 : i64, tpu.core_type = #tpu.core_type<sc_vector_subcore>, window_params = [{transform_indices = #map}, {transform_indices = #map1}, {transform_indices = #map1}, {transform_indices = #map}, {transform_indices = #map1}]} {
    %mul3A = arith.constant 16 : i32
    %mul3A_0 = arith.muli %arg0, %mul3A : i32
    %add3A = arith.addi %mul3A_0, %arg1 : i32
    %mul3A_1 = arith.constant 640 : i32
    %mul3A_2 = arith.muli %arg1, %mul3A_1 : i32
    "tpu.region"() ({
      %run_scoped3A_72 = tpu.sem_alloc : memref<!tpu.dma_semaphore, #tpu.memory_space<semaphore_mem>>
      %dma_start3A_73 = arith.constant 0 : i32
      %dma_start3A_74 = tpu.memref_slice %arg13[%mul3A_2, %dma_start3A_73] : memref<10240x128xf32, #tpu.memory_space<vmem_shared>> -> memref<640x128xf32, #tpu.memory_space<vmem_shared>>
      %dma_start3A_75 = arith.constant 0 : i32
      %dma_start3A_76 = tpu.memref_slice %arg5[%mul3A_2, %dma_start3A_75] : memref<10240x128xf32, #tpu.memory_space<hbm>> -> memref<640x128xf32, #tpu.memory_space<hbm>>
      tpu.enqueue_dma source(%dma_start3A_76 : memref<640x128xf32, #tpu.memory_space<hbm>>) target(%dma_start3A_74 : memref<640x128xf32, #tpu.memory_space<vmem_shared>>) target_semaphore(%run_scoped3A_72 : memref<!tpu.dma_semaphore, #tpu.memory_space<semaphore_mem>>)
      %dma_wait3A_77 = arith.constant 0 : i32
      %dma_wait3A_78 = tpu.memref_slice %arg13[%mul3A_2, %dma_wait3A_77] : memref<10240x128xf32, #tpu.memory_space<vmem_shared>> -> memref<640x128xf32, #tpu.memory_space<vmem_shared>>
      %dma_wait3A_79 = arith.constant 0 : i32
      %dma_wait3A_80 = tpu.memref_slice %arg5[%mul3A_2, %dma_wait3A_79] : memref<10240x128xf32, #tpu.memory_space<hbm>> -> memref<640x128xf32, #tpu.memory_space<hbm>>
      tpu.wait_dma2 semaphore(%run_scoped3A_72 : memref<!tpu.dma_semaphore, #tpu.memory_space<semaphore_mem>>) src(%dma_wait3A_80 : memref<640x128xf32, #tpu.memory_space<hbm>>) dst(%dma_wait3A_78 : memref<640x128xf32, #tpu.memory_space<vmem_shared>>)
      tpu.yield
    }) : () -> ()
    %barrier3A = arith.constant 0 : index
    tpu.barrier barrier_id(%barrier3A)
    "tpu.region"() ({
      %run_scoped3A_72 = tpu.sem_alloc : memref<!tpu.dma_semaphore, #tpu.memory_space<semaphore_mem>>
      %dma_start3A_73 = arith.constant 0 : i32
      %dma_start3A_74 = arith.constant 0 : i32
      %dma_start3A_75 = tpu.memref_slice %arg3[%add3A, %dma_start3A_73, %dma_start3A_74] : memref<32x80x128xi32, #tpu.memory_space<hbm>> -> memref<1x40x128xi32, #tpu.memory_space<hbm>>
      %dma_start3A_76 = tpu.memref_squeeze %dma_start3A_75 : memref<1x40x128xi32, #tpu.memory_space<hbm>> -> memref<40x128xi32, #tpu.memory_space<hbm>>
      %dma_start3A_77 = arith.constant 0 : i32
      %dma_start3A_78 = arith.constant 0 : i32
      %dma_start3A_79 = tpu.memref_slice %arg3[%add3A, %dma_start3A_77, %dma_start3A_78] : memref<32x80x128xi32, #tpu.memory_space<hbm>> -> memref<1x40x128xi32, #tpu.memory_space<hbm>>
      %dma_start3A_80 = tpu.memref_squeeze %dma_start3A_79 : memref<1x40x128xi32, #tpu.memory_space<hbm>> -> memref<40x128xi32, #tpu.memory_space<hbm>>
      tpu.enqueue_dma source(%dma_start3A_80 : memref<40x128xi32, #tpu.memory_space<hbm>>) target(%arg7 : memref<40x128xi32, #tpu.memory_space<vmem>>) target_semaphore(%run_scoped3A_72 : memref<!tpu.dma_semaphore, #tpu.memory_space<semaphore_mem>>)
      %dma_wait3A_81 = arith.constant 0 : i32
      %dma_wait3A_82 = arith.constant 0 : i32
      %dma_wait3A_83 = tpu.memref_slice %arg3[%add3A, %dma_wait3A_81, %dma_wait3A_82] : memref<32x80x128xi32, #tpu.memory_space<hbm>> -> memref<1x40x128xi32, #tpu.memory_space<hbm>>
      %dma_wait3A_84 = tpu.memref_squeeze %dma_wait3A_83 : memref<1x40x128xi32, #tpu.memory_space<hbm>> -> memref<40x128xi32, #tpu.memory_space<hbm>>
      %dma_wait3A_85 = arith.constant 0 : i32
      %dma_wait3A_86 = arith.constant 0 : i32
      %dma_wait3A_87 = tpu.memref_slice %arg3[%add3A, %dma_wait3A_85, %dma_wait3A_86] : memref<32x80x128xi32, #tpu.memory_space<hbm>> -> memref<1x40x128xi32, #tpu.memory_space<hbm>>
      %dma_wait3A_88 = tpu.memref_squeeze %dma_wait3A_87 : memref<1x40x128xi32, #tpu.memory_space<hbm>> -> memref<40x128xi32, #tpu.memory_space<hbm>>
      tpu.wait_dma2 semaphore(%run_scoped3A_72 : memref<!tpu.dma_semaphore, #tpu.memory_space<semaphore_mem>>) src(%dma_wait3A_88 : memref<40x128xi32, #tpu.memory_space<hbm>>) dst(%arg7 : memref<40x128xi32, #tpu.memory_space<vmem>>)
      tpu.yield
    }) : () -> ()
    "tpu.region"() ({
      %run_scoped3A_72 = tpu.sem_alloc : memref<!tpu.dma_semaphore, #tpu.memory_space<semaphore_mem>>
      %dma_start3A_73 = arith.constant 0 : i32
      %dma_start3A_74 = arith.constant 0 : i32
      %dma_start3A_75 = tpu.memref_slice %arg4[%add3A, %dma_start3A_73, %dma_start3A_74] : memref<32x80x128xi32, #tpu.memory_space<hbm>> -> memref<1x40x128xi32, #tpu.memory_space<hbm>>
      %dma_start3A_76 = tpu.memref_squeeze %dma_start3A_75 : memref<1x40x128xi32, #tpu.memory_space<hbm>> -> memref<40x128xi32, #tpu.memory_space<hbm>>
      %dma_start3A_77 = arith.constant 0 : i32
      %dma_start3A_78 = arith.constant 0 : i32
      %dma_start3A_79 = tpu.memref_slice %arg4[%add3A, %dma_start3A_77, %dma_start3A_78] : memref<32x80x128xi32, #tpu.memory_space<hbm>> -> memref<1x40x128xi32, #tpu.memory_space<hbm>>
      %dma_start3A_80 = tpu.memref_squeeze %dma_start3A_79 : memref<1x40x128xi32, #tpu.memory_space<hbm>> -> memref<40x128xi32, #tpu.memory_space<hbm>>
      tpu.enqueue_dma source(%dma_start3A_80 : memref<40x128xi32, #tpu.memory_space<hbm>>) target(%arg8 : memref<40x128xi32, #tpu.memory_space<vmem>>) target_semaphore(%run_scoped3A_72 : memref<!tpu.dma_semaphore, #tpu.memory_space<semaphore_mem>>)
      %dma_wait3A_81 = arith.constant 0 : i32
      %dma_wait3A_82 = arith.constant 0 : i32
      %dma_wait3A_83 = tpu.memref_slice %arg4[%add3A, %dma_wait3A_81, %dma_wait3A_82] : memref<32x80x128xi32, #tpu.memory_space<hbm>> -> memref<1x40x128xi32, #tpu.memory_space<hbm>>
      %dma_wait3A_84 = tpu.memref_squeeze %dma_wait3A_83 : memref<1x40x128xi32, #tpu.memory_space<hbm>> -> memref<40x128xi32, #tpu.memory_space<hbm>>
      %dma_wait3A_85 = arith.constant 0 : i32
      %dma_wait3A_86 = arith.constant 0 : i32
      %dma_wait3A_87 = tpu.memref_slice %arg4[%add3A, %dma_wait3A_85, %dma_wait3A_86] : memref<32x80x128xi32, #tpu.memory_space<hbm>> -> memref<1x40x128xi32, #tpu.memory_space<hbm>>
      %dma_wait3A_88 = tpu.memref_squeeze %dma_wait3A_87 : memref<1x40x128xi32, #tpu.memory_space<hbm>> -> memref<40x128xi32, #tpu.memory_space<hbm>>
      tpu.wait_dma2 semaphore(%run_scoped3A_72 : memref<!tpu.dma_semaphore, #tpu.memory_space<semaphore_mem>>) src(%dma_wait3A_88 : memref<40x128xi32, #tpu.memory_space<hbm>>) dst(%arg8 : memref<40x128xi32, #tpu.memory_space<vmem>>)
      tpu.yield
    }) : () -> ()
    %dma_start3A = arith.constant 0 : i32
    %dma_start3A_3 = arith.constant 0 : i32
    %dma_start3A_4 = tpu.memref_slice %arg7[%dma_start3A, %dma_start3A_3] : memref<40x128xi32, #tpu.memory_space<vmem>> -> memref<1x128xi32, #tpu.memory_space<vmem>>
    %dma_start3A_5 = tpu.memref_squeeze %dma_start3A_4 : memref<1x128xi32, #tpu.memory_space<vmem>> -> memref<128xi32, #tpu.memory_space<vmem>>
    %dma_start3A_6 = arith.constant 0 : i32
    %dma_start3A_7 = arith.constant 0 : i32
    %dma_start3A_8 = tpu.memref_slice %arg2[%dma_start3A_6, %dma_start3A_7] : memref<10240x128xf32, #tpu.memory_space<hbm>> -> memref<10240x128xf32, #tpu.memory_space<hbm>>
    tpu.enqueue_indirect_dma source(%dma_start3A_8 : memref<10240x128xf32, #tpu.memory_space<hbm>>) target(%arg9 : memref<128x128xf32, #tpu.memory_space<vmem>>) offsets(%dma_start3A_5 : memref<128xi32, #tpu.memory_space<vmem>>) semaphore(%arg11 : memref<!tpu.dma_semaphore, #tpu.memory_space<semaphore_mem>>)
    %dma_start3A_9 = arith.constant 1 : i32
    %dma_start3A_10 = arith.constant 0 : i32
    %dma_start3A_11 = tpu.memref_slice %arg7[%dma_start3A_9, %dma_start3A_10] : memref<40x128xi32, #tpu.memory_space<vmem>> -> memref<1x128xi32, #tpu.memory_space<vmem>>
    %dma_start3A_12 = tpu.memref_squeeze %dma_start3A_11 : memref<1x128xi32, #tpu.memory_space<vmem>> -> memref<128xi32, #tpu.memory_space<vmem>>
    %dma_start3A_13 = arith.constant 0 : i32
    %dma_start3A_14 = arith.constant 0 : i32
    %dma_start3A_15 = tpu.memref_slice %arg2[%dma_start3A_13, %dma_start3A_14] : memref<10240x128xf32, #tpu.memory_space<hbm>> -> memref<10240x128xf32, #tpu.memory_space<hbm>>
    tpu.enqueue_indirect_dma source(%dma_start3A_15 : memref<10240x128xf32, #tpu.memory_space<hbm>>) target(%arg10 : memref<128x128xf32, #tpu.memory_space<vmem>>) offsets(%dma_start3A_12 : memref<128xi32, #tpu.memory_space<vmem>>) semaphore(%arg12 : memref<!tpu.dma_semaphore, #tpu.memory_space<semaphore_mem>>)
    %scan3A = arith.constant 0 : i32
    %scan3A_16 = arith.constant 0 : i32
    %scan3A_17 = arith.constant 19 : i32
    %scan3A_18 = arith.addi %scan3A_16, %scan3A_17 : i32
    %scan3A_19 = arith.constant 1 : i32
    scf.for %scan3A_72 = %scan3A_16 to %scan3A_18 step %scan3A_19  : i32 {
      %mul3A_73 = arith.constant 2 : i32
      %mul3A_74 = arith.muli %scan3A_72, %mul3A_73 : i32
      %add3A_75 = arith.constant 0 : i32
      %add3A_76 = arith.addi %mul3A_74, %add3A_75 : i32
      %dma_wait3A_77 = arith.constant 0 : i32
      %dma_wait3A_78 = tpu.memref_slice %arg7[%add3A_76, %dma_wait3A_77] : memref<40x128xi32, #tpu.memory_space<vmem>> -> memref<1x128xi32, #tpu.memory_space<vmem>>
      %dma_wait3A_79 = tpu.memref_squeeze %dma_wait3A_78 : memref<1x128xi32, #tpu.memory_space<vmem>> -> memref<128xi32, #tpu.memory_space<vmem>>
      %dma_wait3A_80 = arith.constant 0 : i32
      %dma_wait3A_81 = arith.constant 0 : i32
      %dma_wait3A_82 = tpu.memref_slice %arg2[%dma_wait3A_80, %dma_wait3A_81] : memref<10240x128xf32, #tpu.memory_space<hbm>> -> memref<10240x128xf32, #tpu.memory_space<hbm>>
      tpu.wait_indirect_dma semaphore(%arg11 : memref<!tpu.dma_semaphore, #tpu.memory_space<semaphore_mem>>) src(%dma_wait3A_82 : memref<10240x128xf32, #tpu.memory_space<hbm>>) dst(%arg9 : memref<128x128xf32, #tpu.memory_space<vmem>>)
      %add3A_83 = arith.constant 0 : i32
      %add3A_84 = arith.addi %mul3A_74, %add3A_83 : i32
      "tpu.region"() ({
        %run_scoped3A_115 = tpu.sem_alloc : memref<!tpu.dma_semaphore, #tpu.memory_space<semaphore_mem>>
        %dma_start3A_116 = arith.constant 0 : i32
        %dma_start3A_117 = tpu.memref_slice %arg8[%add3A_84, %dma_start3A_116] : memref<40x128xi32, #tpu.memory_space<vmem>> -> memref<1x128xi32, #tpu.memory_space<vmem>>
        %dma_start3A_118 = tpu.memref_squeeze %dma_start3A_117 : memref<1x128xi32, #tpu.memory_space<vmem>> -> memref<128xi32, #tpu.memory_space<vmem>>
        %dma_start3A_119 = arith.constant 0 : i32
        %dma_start3A_120 = arith.constant 0 : i32
        %dma_start3A_121 = tpu.memref_slice %arg13[%dma_start3A_119, %dma_start3A_120] : memref<10240x128xf32, #tpu.memory_space<vmem_shared>> -> memref<10240x128xf32, #tpu.memory_space<vmem_shared>>
        tpu.enqueue_indirect_dma source(%arg9 : memref<128x128xf32, #tpu.memory_space<vmem>>) target(%dma_start3A_121 : memref<10240x128xf32, #tpu.memory_space<vmem_shared>>) offsets(%dma_start3A_118 : memref<128xi32, #tpu.memory_space<vmem>>) semaphore(%run_scoped3A_115 : memref<!tpu.dma_semaphore, #tpu.memory_space<semaphore_mem>>) {add = true}
        %dma_wait3A_122 = arith.constant 0 : i32
        %dma_wait3A_123 = tpu.memref_slice %arg8[%add3A_84, %dma_wait3A_122] : memref<40x128xi32, #tpu.memory_space<vmem>> -> memref<1x128xi32, #tpu.memory_space<vmem>>
        %dma_wait3A_124 = tpu.memref_squeeze %dma_wait3A_123 : memref<1x128xi32, #tpu.memory_space<vmem>> -> memref<128xi32, #tpu.memory_space<vmem>>
        %dma_wait3A_125 = arith.constant 0 : i32
        %dma_wait3A_126 = arith.constant 0 : i32
        %dma_wait3A_127 = tpu.memref_slice %arg13[%dma_wait3A_125, %dma_wait3A_126] : memref<10240x128xf32, #tpu.memory_space<vmem_shared>> -> memref<10240x128xf32, #tpu.memory_space<vmem_shared>>
        tpu.wait_indirect_dma semaphore(%run_scoped3A_115 : memref<!tpu.dma_semaphore, #tpu.memory_space<semaphore_mem>>) src(%arg9 : memref<128x128xf32, #tpu.memory_space<vmem>>) dst(%dma_wait3A_127 : memref<10240x128xf32, #tpu.memory_space<vmem_shared>>)
        tpu.yield
      }) : () -> ()
      %add3A_85 = arith.constant 0 : i32
      %add3A_86 = arith.addi %mul3A_74, %add3A_85 : i32
      %add3A_87 = arith.constant 2 : i32
      %add3A_88 = arith.addi %add3A_86, %add3A_87 : i32
      %dma_start3A_89 = arith.constant 0 : i32
      %dma_start3A_90 = tpu.memref_slice %arg7[%add3A_88, %dma_start3A_89] : memref<40x128xi32, #tpu.memory_space<vmem>> -> memref<1x128xi32, #tpu.memory_space<vmem>>
      %dma_start3A_91 = tpu.memref_squeeze %dma_start3A_90 : memref<1x128xi32, #tpu.memory_space<vmem>> -> memref<128xi32, #tpu.memory_space<vmem>>
      %dma_start3A_92 = arith.constant 0 : i32
      %dma_start3A_93 = arith.constant 0 : i32
      %dma_start3A_94 = tpu.memref_slice %arg2[%dma_start3A_92, %dma_start3A_93] : memref<10240x128xf32, #tpu.memory_space<hbm>> -> memref<10240x128xf32, #tpu.memory_space<hbm>>
      tpu.enqueue_indirect_dma source(%dma_start3A_94 : memref<10240x128xf32, #tpu.memory_space<hbm>>) target(%arg9 : memref<128x128xf32, #tpu.memory_space<vmem>>) offsets(%dma_start3A_91 : memref<128xi32, #tpu.memory_space<vmem>>) semaphore(%arg11 : memref<!tpu.dma_semaphore, #tpu.memory_space<semaphore_mem>>)
      %add3A_95 = arith.constant 1 : i32
      %add3A_96 = arith.addi %mul3A_74, %add3A_95 : i32
      %dma_wait3A_97 = arith.constant 0 : i32
      %dma_wait3A_98 = tpu.memref_slice %arg7[%add3A_96, %dma_wait3A_97] : memref<40x128xi32, #tpu.memory_space<vmem>> -> memref<1x128xi32, #tpu.memory_space<vmem>>
      %dma_wait3A_99 = tpu.memref_squeeze %dma_wait3A_98 : memref<1x128xi32, #tpu.memory_space<vmem>> -> memref<128xi32, #tpu.memory_space<vmem>>
      %dma_wait3A_100 = arith.constant 0 : i32
      %dma_wait3A_101 = arith.constant 0 : i32
      %dma_wait3A_102 = tpu.memref_slice %arg2[%dma_wait3A_100, %dma_wait3A_101] : memref<10240x128xf32, #tpu.memory_space<hbm>> -> memref<10240x128xf32, #tpu.memory_space<hbm>>
      tpu.wait_indirect_dma semaphore(%arg12 : memref<!tpu.dma_semaphore, #tpu.memory_space<semaphore_mem>>) src(%dma_wait3A_102 : memref<10240x128xf32, #tpu.memory_space<hbm>>) dst(%arg10 : memref<128x128xf32, #tpu.memory_space<vmem>>)
      %add3A_103 = arith.constant 1 : i32
      %add3A_104 = arith.addi %mul3A_74, %add3A_103 : i32
      "tpu.region"() ({
        %run_scoped3A_115 = tpu.sem_alloc : memref<!tpu.dma_semaphore, #tpu.memory_space<semaphore_mem>>
        %dma_start3A_116 = arith.constant 0 : i32
        %dma_start3A_117 = tpu.memref_slice %arg8[%add3A_104, %dma_start3A_116] : memref<40x128xi32, #tpu.memory_space<vmem>> -> memref<1x128xi32, #tpu.memory_space<vmem>>
        %dma_start3A_118 = tpu.memref_squeeze %dma_start3A_117 : memref<1x128xi32, #tpu.memory_space<vmem>> -> memref<128xi32, #tpu.memory_space<vmem>>
        %dma_start3A_119 = arith.constant 0 : i32
        %dma_start3A_120 = arith.constant 0 : i32
        %dma_start3A_121 = tpu.memref_slice %arg13[%dma_start3A_119, %dma_start3A_120] : memref<10240x128xf32, #tpu.memory_space<vmem_shared>> -> memref<10240x128xf32, #tpu.memory_space<vmem_shared>>
        tpu.enqueue_indirect_dma source(%arg10 : memref<128x128xf32, #tpu.memory_space<vmem>>) target(%dma_start3A_121 : memref<10240x128xf32, #tpu.memory_space<vmem_shared>>) offsets(%dma_start3A_118 : memref<128xi32, #tpu.memory_space<vmem>>) semaphore(%run_scoped3A_115 : memref<!tpu.dma_semaphore, #tpu.memory_space<semaphore_mem>>) {add = true}
        %dma_wait3A_122 = arith.constant 0 : i32
        %dma_wait3A_123 = tpu.memref_slice %arg8[%add3A_104, %dma_wait3A_122] : memref<40x128xi32, #tpu.memory_space<vmem>> -> memref<1x128xi32, #tpu.memory_space<vmem>>
        %dma_wait3A_124 = tpu.memref_squeeze %dma_wait3A_123 : memref<1x128xi32, #tpu.memory_space<vmem>> -> memref<128xi32, #tpu.memory_space<vmem>>
        %dma_wait3A_125 = arith.constant 0 : i32
        %dma_wait3A_126 = arith.constant 0 : i32
        %dma_wait3A_127 = tpu.memref_slice %arg13[%dma_wait3A_125, %dma_wait3A_126] : memref<10240x128xf32, #tpu.memory_space<vmem_shared>> -> memref<10240x128xf32, #tpu.memory_space<vmem_shared>>
        tpu.wait_indirect_dma semaphore(%run_scoped3A_115 : memref<!tpu.dma_semaphore, #tpu.memory_space<semaphore_mem>>) src(%arg10 : memref<128x128xf32, #tpu.memory_space<vmem>>) dst(%dma_wait3A_127 : memref<10240x128xf32, #tpu.memory_space<vmem_shared>>)
        tpu.yield
      }) : () -> ()
      %add3A_105 = arith.constant 1 : i32
      %add3A_106 = arith.addi %mul3A_74, %add3A_105 : i32
      %add3A_107 = arith.constant 2 : i32
      %add3A_108 = arith.addi %add3A_106, %add3A_107 : i32
      %dma_start3A_109 = arith.constant 0 : i32
      %dma_start3A_110 = tpu.memref_slice %arg7[%add3A_108, %dma_start3A_109] : memref<40x128xi32, #tpu.memory_space<vmem>> -> memref<1x128xi32, #tpu.memory_space<vmem>>
      %dma_start3A_111 = tpu.memref_squeeze %dma_start3A_110 : memref<1x128xi32, #tpu.memory_space<vmem>> -> memref<128xi32, #tpu.memory_space<vmem>>
      %dma_start3A_112 = arith.constant 0 : i32
      %dma_start3A_113 = arith.constant 0 : i32
      %dma_start3A_114 = tpu.memref_slice %arg2[%dma_start3A_112, %dma_start3A_113] : memref<10240x128xf32, #tpu.memory_space<hbm>> -> memref<10240x128xf32, #tpu.memory_space<hbm>>
      tpu.enqueue_indirect_dma source(%dma_start3A_114 : memref<10240x128xf32, #tpu.memory_space<hbm>>) target(%arg10 : memref<128x128xf32, #tpu.memory_space<vmem>>) offsets(%dma_start3A_111 : memref<128xi32, #tpu.memory_space<vmem>>) semaphore(%arg12 : memref<!tpu.dma_semaphore, #tpu.memory_space<semaphore_mem>>)
    }
    %scan3A_20 = arith.constant 19 : i32
    %dma_wait3A = arith.constant 38 : i32
    %dma_wait3A_21 = arith.constant 0 : i32
    %dma_wait3A_22 = tpu.memref_slice %arg7[%dma_wait3A, %dma_wait3A_21] : memref<40x128xi32, #tpu.memory_space<vmem>> -> memref<1x128xi32, #tpu.memory_space<vmem>>
    %dma_wait3A_23 = tpu.memref_squeeze %dma_wait3A_22 : memref<1x128xi32, #tpu.memory_space<vmem>> -> memref<128xi32, #tpu.memory_space<vmem>>
    %dma_wait3A_24 = arith.constant 0 : i32
    %dma_wait3A_25 = arith.constant 0 : i32
    %dma_wait3A_26 = tpu.memref_slice %arg2[%dma_wait3A_24, %dma_wait3A_25] : memref<10240x128xf32, #tpu.memory_space<hbm>> -> memref<10240x128xf32, #tpu.memory_space<hbm>>
    tpu.wait_indirect_dma semaphore(%arg11 : memref<!tpu.dma_semaphore, #tpu.memory_space<semaphore_mem>>) src(%dma_wait3A_26 : memref<10240x128xf32, #tpu.memory_space<hbm>>) dst(%arg9 : memref<128x128xf32, #tpu.memory_space<vmem>>)
    %run_scoped3A = arith.constant 38 : i32
    "tpu.region"() ({
      %run_scoped3A_72 = tpu.sem_alloc : memref<!tpu.dma_semaphore, #tpu.memory_space<semaphore_mem>>
      %dma_start3A_73 = arith.constant 0 : i32
      %dma_start3A_74 = tpu.memref_slice %arg8[%run_scoped3A, %dma_start3A_73] : memref<40x128xi32, #tpu.memory_space<vmem>> -> memref<1x128xi32, #tpu.memory_space<vmem>>
      %dma_start3A_75 = tpu.memref_squeeze %dma_start3A_74 : memref<1x128xi32, #tpu.memory_space<vmem>> -> memref<128xi32, #tpu.memory_space<vmem>>
      %dma_start3A_76 = arith.constant 0 : i32
      %dma_start3A_77 = arith.constant 0 : i32
      %dma_start3A_78 = tpu.memref_slice %arg13[%dma_start3A_76, %dma_start3A_77] : memref<10240x128xf32, #tpu.memory_space<vmem_shared>> -> memref<10240x128xf32, #tpu.memory_space<vmem_shared>>
      tpu.enqueue_indirect_dma source(%arg9 : memref<128x128xf32, #tpu.memory_space<vmem>>) target(%dma_start3A_78 : memref<10240x128xf32, #tpu.memory_space<vmem_shared>>) offsets(%dma_start3A_75 : memref<128xi32, #tpu.memory_space<vmem>>) semaphore(%run_scoped3A_72 : memref<!tpu.dma_semaphore, #tpu.memory_space<semaphore_mem>>) {add = true}
      %dma_wait3A_79 = arith.constant 0 : i32
      %dma_wait3A_80 = tpu.memref_slice %arg8[%run_scoped3A, %dma_wait3A_79] : memref<40x128xi32, #tpu.memory_space<vmem>> -> memref<1x128xi32, #tpu.memory_space<vmem>>
      %dma_wait3A_81 = tpu.memref_squeeze %dma_wait3A_80 : memref<1x128xi32, #tpu.memory_space<vmem>> -> memref<128xi32, #tpu.memory_space<vmem>>
      %dma_wait3A_82 = arith.constant 0 : i32
      %dma_wait3A_83 = arith.constant 0 : i32
      %dma_wait3A_84 = tpu.memref_slice %arg13[%dma_wait3A_82, %dma_wait3A_83] : memref<10240x128xf32, #tpu.memory_space<vmem_shared>> -> memref<10240x128xf32, #tpu.memory_space<vmem_shared>>
      tpu.wait_indirect_dma semaphore(%run_scoped3A_72 : memref<!tpu.dma_semaphore, #tpu.memory_space<semaphore_mem>>) src(%arg9 : memref<128x128xf32, #tpu.memory_space<vmem>>) dst(%dma_wait3A_84 : memref<10240x128xf32, #tpu.memory_space<vmem_shared>>)
      tpu.yield
    }) : () -> ()
    %dma_wait3A_27 = arith.constant 39 : i32
    %dma_wait3A_28 = arith.constant 0 : i32
    %dma_wait3A_29 = tpu.memref_slice %arg7[%dma_wait3A_27, %dma_wait3A_28] : memref<40x128xi32, #tpu.memory_space<vmem>> -> memref<1x128xi32, #tpu.memory_space<vmem>>
    %dma_wait3A_30 = tpu.memref_squeeze %dma_wait3A_29 : memref<1x128xi32, #tpu.memory_space<vmem>> -> memref<128xi32, #tpu.memory_space<vmem>>
    %dma_wait3A_31 = arith.constant 0 : i32
    %dma_wait3A_32 = arith.constant 0 : i32
    %dma_wait3A_33 = tpu.memref_slice %arg2[%dma_wait3A_31, %dma_wait3A_32] : memref<10240x128xf32, #tpu.memory_space<hbm>> -> memref<10240x128xf32, #tpu.memory_space<hbm>>
    tpu.wait_indirect_dma semaphore(%arg12 : memref<!tpu.dma_semaphore, #tpu.memory_space<semaphore_mem>>) src(%dma_wait3A_33 : memref<10240x128xf32, #tpu.memory_space<hbm>>) dst(%arg10 : memref<128x128xf32, #tpu.memory_space<vmem>>)
    %run_scoped3A_34 = arith.constant 39 : i32
    "tpu.region"() ({
      %run_scoped3A_72 = tpu.sem_alloc : memref<!tpu.dma_semaphore, #tpu.memory_space<semaphore_mem>>
      %dma_start3A_73 = arith.constant 0 : i32
      %dma_start3A_74 = tpu.memref_slice %arg8[%run_scoped3A_34, %dma_start3A_73] : memref<40x128xi32, #tpu.memory_space<vmem>> -> memref<1x128xi32, #tpu.memory_space<vmem>>
      %dma_start3A_75 = tpu.memref_squeeze %dma_start3A_74 : memref<1x128xi32, #tpu.memory_space<vmem>> -> memref<128xi32, #tpu.memory_space<vmem>>
      %dma_start3A_76 = arith.constant 0 : i32
      %dma_start3A_77 = arith.constant 0 : i32
      %dma_start3A_78 = tpu.memref_slice %arg13[%dma_start3A_76, %dma_start3A_77] : memref<10240x128xf32, #tpu.memory_space<vmem_shared>> -> memref<10240x128xf32, #tpu.memory_space<vmem_shared>>
      tpu.enqueue_indirect_dma source(%arg10 : memref<128x128xf32, #tpu.memory_space<vmem>>) target(%dma_start3A_78 : memref<10240x128xf32, #tpu.memory_space<vmem_shared>>) offsets(%dma_start3A_75 : memref<128xi32, #tpu.memory_space<vmem>>) semaphore(%run_scoped3A_72 : memref<!tpu.dma_semaphore, #tpu.memory_space<semaphore_mem>>) {add = true}
      %dma_wait3A_79 = arith.constant 0 : i32
      %dma_wait3A_80 = tpu.memref_slice %arg8[%run_scoped3A_34, %dma_wait3A_79] : memref<40x128xi32, #tpu.memory_space<vmem>> -> memref<1x128xi32, #tpu.memory_space<vmem>>
      %dma_wait3A_81 = tpu.memref_squeeze %dma_wait3A_80 : memref<1x128xi32, #tpu.memory_space<vmem>> -> memref<128xi32, #tpu.memory_space<vmem>>
      %dma_wait3A_82 = arith.constant 0 : i32
      %dma_wait3A_83 = arith.constant 0 : i32
      %dma_wait3A_84 = tpu.memref_slice %arg13[%dma_wait3A_82, %dma_wait3A_83] : memref<10240x128xf32, #tpu.memory_space<vmem_shared>> -> memref<10240x128xf32, #tpu.memory_space<vmem_shared>>
      tpu.wait_indirect_dma semaphore(%run_scoped3A_72 : memref<!tpu.dma_semaphore, #tpu.memory_space<semaphore_mem>>) src(%arg10 : memref<128x128xf32, #tpu.memory_space<vmem>>) dst(%dma_wait3A_84 : memref<10240x128xf32, #tpu.memory_space<vmem_shared>>)
      tpu.yield
    }) : () -> ()
    "tpu.region"() ({
      %run_scoped3A_72 = tpu.sem_alloc : memref<!tpu.dma_semaphore, #tpu.memory_space<semaphore_mem>>
      %dma_start3A_73 = arith.constant 40 : i32
      %dma_start3A_74 = arith.constant 0 : i32
      %dma_start3A_75 = tpu.memref_slice %arg3[%add3A, %dma_start3A_73, %dma_start3A_74] : memref<32x80x128xi32, #tpu.memory_space<hbm>> -> memref<1x40x128xi32, #tpu.memory_space<hbm>>
      %dma_start3A_76 = tpu.memref_squeeze %dma_start3A_75 : memref<1x40x128xi32, #tpu.memory_space<hbm>> -> memref<40x128xi32, #tpu.memory_space<hbm>>
      %dma_start3A_77 = arith.constant 40 : i32
      %dma_start3A_78 = arith.constant 0 : i32
      %dma_start3A_79 = tpu.memref_slice %arg3[%add3A, %dma_start3A_77, %dma_start3A_78] : memref<32x80x128xi32, #tpu.memory_space<hbm>> -> memref<1x40x128xi32, #tpu.memory_space<hbm>>
      %dma_start3A_80 = tpu.memref_squeeze %dma_start3A_79 : memref<1x40x128xi32, #tpu.memory_space<hbm>> -> memref<40x128xi32, #tpu.memory_space<hbm>>
      tpu.enqueue_dma source(%dma_start3A_80 : memref<40x128xi32, #tpu.memory_space<hbm>>) target(%arg7 : memref<40x128xi32, #tpu.memory_space<vmem>>) target_semaphore(%run_scoped3A_72 : memref<!tpu.dma_semaphore, #tpu.memory_space<semaphore_mem>>)
      %dma_wait3A_81 = arith.constant 40 : i32
      %dma_wait3A_82 = arith.constant 0 : i32
      %dma_wait3A_83 = tpu.memref_slice %arg3[%add3A, %dma_wait3A_81, %dma_wait3A_82] : memref<32x80x128xi32, #tpu.memory_space<hbm>> -> memref<1x40x128xi32, #tpu.memory_space<hbm>>
      %dma_wait3A_84 = tpu.memref_squeeze %dma_wait3A_83 : memref<1x40x128xi32, #tpu.memory_space<hbm>> -> memref<40x128xi32, #tpu.memory_space<hbm>>
      %dma_wait3A_85 = arith.constant 40 : i32
      %dma_wait3A_86 = arith.constant 0 : i32
      %dma_wait3A_87 = tpu.memref_slice %arg3[%add3A, %dma_wait3A_85, %dma_wait3A_86] : memref<32x80x128xi32, #tpu.memory_space<hbm>> -> memref<1x40x128xi32, #tpu.memory_space<hbm>>
      %dma_wait3A_88 = tpu.memref_squeeze %dma_wait3A_87 : memref<1x40x128xi32, #tpu.memory_space<hbm>> -> memref<40x128xi32, #tpu.memory_space<hbm>>
      tpu.wait_dma2 semaphore(%run_scoped3A_72 : memref<!tpu.dma_semaphore, #tpu.memory_space<semaphore_mem>>) src(%dma_wait3A_88 : memref<40x128xi32, #tpu.memory_space<hbm>>) dst(%arg7 : memref<40x128xi32, #tpu.memory_space<vmem>>)
      tpu.yield
    }) : () -> ()
    "tpu.region"() ({
      %run_scoped3A_72 = tpu.sem_alloc : memref<!tpu.dma_semaphore, #tpu.memory_space<semaphore_mem>>
      %dma_start3A_73 = arith.constant 40 : i32
      %dma_start3A_74 = arith.constant 0 : i32
      %dma_start3A_75 = tpu.memref_slice %arg4[%add3A, %dma_start3A_73, %dma_start3A_74] : memref<32x80x128xi32, #tpu.memory_space<hbm>> -> memref<1x40x128xi32, #tpu.memory_space<hbm>>
      %dma_start3A_76 = tpu.memref_squeeze %dma_start3A_75 : memref<1x40x128xi32, #tpu.memory_space<hbm>> -> memref<40x128xi32, #tpu.memory_space<hbm>>
      %dma_start3A_77 = arith.constant 40 : i32
      %dma_start3A_78 = arith.constant 0 : i32
      %dma_start3A_79 = tpu.memref_slice %arg4[%add3A, %dma_start3A_77, %dma_start3A_78] : memref<32x80x128xi32, #tpu.memory_space<hbm>> -> memref<1x40x128xi32, #tpu.memory_space<hbm>>
      %dma_start3A_80 = tpu.memref_squeeze %dma_start3A_79 : memref<1x40x128xi32, #tpu.memory_space<hbm>> -> memref<40x128xi32, #tpu.memory_space<hbm>>
      tpu.enqueue_dma source(%dma_start3A_80 : memref<40x128xi32, #tpu.memory_space<hbm>>) target(%arg8 : memref<40x128xi32, #tpu.memory_space<vmem>>) target_semaphore(%run_scoped3A_72 : memref<!tpu.dma_semaphore, #tpu.memory_space<semaphore_mem>>)
      %dma_wait3A_81 = arith.constant 40 : i32
      %dma_wait3A_82 = arith.constant 0 : i32
      %dma_wait3A_83 = tpu.memref_slice %arg4[%add3A, %dma_wait3A_81, %dma_wait3A_82] : memref<32x80x128xi32, #tpu.memory_space<hbm>> -> memref<1x40x128xi32, #tpu.memory_space<hbm>>
      %dma_wait3A_84 = tpu.memref_squeeze %dma_wait3A_83 : memref<1x40x128xi32, #tpu.memory_space<hbm>> -> memref<40x128xi32, #tpu.memory_space<hbm>>
      %dma_wait3A_85 = arith.constant 40 : i32
      %dma_wait3A_86 = arith.constant 0 : i32
      %dma_wait3A_87 = tpu.memref_slice %arg4[%add3A, %dma_wait3A_85, %dma_wait3A_86] : memref<32x80x128xi32, #tpu.memory_space<hbm>> -> memref<1x40x128xi32, #tpu.memory_space<hbm>>
      %dma_wait3A_88 = tpu.memref_squeeze %dma_wait3A_87 : memref<1x40x128xi32, #tpu.memory_space<hbm>> -> memref<40x128xi32, #tpu.memory_space<hbm>>
      tpu.wait_dma2 semaphore(%run_scoped3A_72 : memref<!tpu.dma_semaphore, #tpu.memory_space<semaphore_mem>>) src(%dma_wait3A_88 : memref<40x128xi32, #tpu.memory_space<hbm>>) dst(%arg8 : memref<40x128xi32, #tpu.memory_space<vmem>>)
      tpu.yield
    }) : () -> ()
    %dma_start3A_35 = arith.constant 0 : i32
    %dma_start3A_36 = arith.constant 0 : i32
    %dma_start3A_37 = tpu.memref_slice %arg7[%dma_start3A_35, %dma_start3A_36] : memref<40x128xi32, #tpu.memory_space<vmem>> -> memref<1x128xi32, #tpu.memory_space<vmem>>
    %dma_start3A_38 = tpu.memref_squeeze %dma_start3A_37 : memref<1x128xi32, #tpu.memory_space<vmem>> -> memref<128xi32, #tpu.memory_space<vmem>>
    %dma_start3A_39 = arith.constant 0 : i32
    %dma_start3A_40 = arith.constant 0 : i32
    %dma_start3A_41 = tpu.memref_slice %arg2[%dma_start3A_39, %dma_start3A_40] : memref<10240x128xf32, #tpu.memory_space<hbm>> -> memref<10240x128xf32, #tpu.memory_space<hbm>>
    tpu.enqueue_indirect_dma source(%dma_start3A_41 : memref<10240x128xf32, #tpu.memory_space<hbm>>) target(%arg9 : memref<128x128xf32, #tpu.memory_space<vmem>>) offsets(%dma_start3A_38 : memref<128xi32, #tpu.memory_space<vmem>>) semaphore(%arg11 : memref<!tpu.dma_semaphore, #tpu.memory_space<semaphore_mem>>)
    %dma_start3A_42 = arith.constant 1 : i32
    %dma_start3A_43 = arith.constant 0 : i32
    %dma_start3A_44 = tpu.memref_slice %arg7[%dma_start3A_42, %dma_start3A_43] : memref<40x128xi32, #tpu.memory_space<vmem>> -> memref<1x128xi32, #tpu.memory_space<vmem>>
    %dma_start3A_45 = tpu.memref_squeeze %dma_start3A_44 : memref<1x128xi32, #tpu.memory_space<vmem>> -> memref<128xi32, #tpu.memory_space<vmem>>
    %dma_start3A_46 = arith.constant 0 : i32
    %dma_start3A_47 = arith.constant 0 : i32
    %dma_start3A_48 = tpu.memref_slice %arg2[%dma_start3A_46, %dma_start3A_47] : memref<10240x128xf32, #tpu.memory_space<hbm>> -> memref<10240x128xf32, #tpu.memory_space<hbm>>
    tpu.enqueue_indirect_dma source(%dma_start3A_48 : memref<10240x128xf32, #tpu.memory_space<hbm>>) target(%arg10 : memref<128x128xf32, #tpu.memory_space<vmem>>) offsets(%dma_start3A_45 : memref<128xi32, #tpu.memory_space<vmem>>) semaphore(%arg12 : memref<!tpu.dma_semaphore, #tpu.memory_space<semaphore_mem>>)
    %scan3A_49 = arith.constant 0 : i32
    %scan3A_50 = arith.constant 0 : i32
    %scan3A_51 = arith.constant 19 : i32
    %scan3A_52 = arith.addi %scan3A_50, %scan3A_51 : i32
    %scan3A_53 = arith.constant 1 : i32
    scf.for %scan3A_72 = %scan3A_50 to %scan3A_52 step %scan3A_53  : i32 {
      %mul3A_73 = arith.constant 2 : i32
      %mul3A_74 = arith.muli %scan3A_72, %mul3A_73 : i32
      %add3A_75 = arith.constant 0 : i32
      %add3A_76 = arith.addi %mul3A_74, %add3A_75 : i32
      %dma_wait3A_77 = arith.constant 0 : i32
      %dma_wait3A_78 = tpu.memref_slice %arg7[%add3A_76, %dma_wait3A_77] : memref<40x128xi32, #tpu.memory_space<vmem>> -> memref<1x128xi32, #tpu.memory_space<vmem>>
      %dma_wait3A_79 = tpu.memref_squeeze %dma_wait3A_78 : memref<1x128xi32, #tpu.memory_space<vmem>> -> memref<128xi32, #tpu.memory_space<vmem>>
      %dma_wait3A_80 = arith.constant 0 : i32
      %dma_wait3A_81 = arith.constant 0 : i32
      %dma_wait3A_82 = tpu.memref_slice %arg2[%dma_wait3A_80, %dma_wait3A_81] : memref<10240x128xf32, #tpu.memory_space<hbm>> -> memref<10240x128xf32, #tpu.memory_space<hbm>>
      tpu.wait_indirect_dma semaphore(%arg11 : memref<!tpu.dma_semaphore, #tpu.memory_space<semaphore_mem>>) src(%dma_wait3A_82 : memref<10240x128xf32, #tpu.memory_space<hbm>>) dst(%arg9 : memref<128x128xf32, #tpu.memory_space<vmem>>)
      %add3A_83 = arith.constant 0 : i32
      %add3A_84 = arith.addi %mul3A_74, %add3A_83 : i32
      "tpu.region"() ({
        %run_scoped3A_115 = tpu.sem_alloc : memref<!tpu.dma_semaphore, #tpu.memory_space<semaphore_mem>>
        %dma_start3A_116 = arith.constant 0 : i32
        %dma_start3A_117 = tpu.memref_slice %arg8[%add3A_84, %dma_start3A_116] : memref<40x128xi32, #tpu.memory_space<vmem>> -> memref<1x128xi32, #tpu.memory_space<vmem>>
        %dma_start3A_118 = tpu.memref_squeeze %dma_start3A_117 : memref<1x128xi32, #tpu.memory_space<vmem>> -> memref<128xi32, #tpu.memory_space<vmem>>
        %dma_start3A_119 = arith.constant 0 : i32
        %dma_start3A_120 = arith.constant 0 : i32
        %dma_start3A_121 = tpu.memref_slice %arg13[%dma_start3A_119, %dma_start3A_120] : memref<10240x128xf32, #tpu.memory_space<vmem_shared>> -> memref<10240x128xf32, #tpu.memory_space<vmem_shared>>
        tpu.enqueue_indirect_dma source(%arg9 : memref<128x128xf32, #tpu.memory_space<vmem>>) target(%dma_start3A_121 : memref<10240x128xf32, #tpu.memory_space<vmem_shared>>) offsets(%dma_start3A_118 : memref<128xi32, #tpu.memory_space<vmem>>) semaphore(%run_scoped3A_115 : memref<!tpu.dma_semaphore, #tpu.memory_space<semaphore_mem>>) {add = true}
        %dma_wait3A_122 = arith.constant 0 : i32
        %dma_wait3A_123 = tpu.memref_slice %arg8[%add3A_84, %dma_wait3A_122] : memref<40x128xi32, #tpu.memory_space<vmem>> -> memref<1x128xi32, #tpu.memory_space<vmem>>
        %dma_wait3A_124 = tpu.memref_squeeze %dma_wait3A_123 : memref<1x128xi32, #tpu.memory_space<vmem>> -> memref<128xi32, #tpu.memory_space<vmem>>
        %dma_wait3A_125 = arith.constant 0 : i32
        %dma_wait3A_126 = arith.constant 0 : i32
        %dma_wait3A_127 = tpu.memref_slice %arg13[%dma_wait3A_125, %dma_wait3A_126] : memref<10240x128xf32, #tpu.memory_space<vmem_shared>> -> memref<10240x128xf32, #tpu.memory_space<vmem_shared>>
        tpu.wait_indirect_dma semaphore(%run_scoped3A_115 : memref<!tpu.dma_semaphore, #tpu.memory_space<semaphore_mem>>) src(%arg9 : memref<128x128xf32, #tpu.memory_space<vmem>>) dst(%dma_wait3A_127 : memref<10240x128xf32, #tpu.memory_space<vmem_shared>>)
        tpu.yield
      }) : () -> ()
      %add3A_85 = arith.constant 0 : i32
      %add3A_86 = arith.addi %mul3A_74, %add3A_85 : i32
      %add3A_87 = arith.constant 2 : i32
      %add3A_88 = arith.addi %add3A_86, %add3A_87 : i32
      %dma_start3A_89 = arith.constant 0 : i32
      %dma_start3A_90 = tpu.memref_slice %arg7[%add3A_88, %dma_start3A_89] : memref<40x128xi32, #tpu.memory_space<vmem>> -> memref<1x128xi32, #tpu.memory_space<vmem>>
      %dma_start3A_91 = tpu.memref_squeeze %dma_start3A_90 : memref<1x128xi32, #tpu.memory_space<vmem>> -> memref<128xi32, #tpu.memory_space<vmem>>
      %dma_start3A_92 = arith.constant 0 : i32
      %dma_start3A_93 = arith.constant 0 : i32
      %dma_start3A_94 = tpu.memref_slice %arg2[%dma_start3A_92, %dma_start3A_93] : memref<10240x128xf32, #tpu.memory_space<hbm>> -> memref<10240x128xf32, #tpu.memory_space<hbm>>
      tpu.enqueue_indirect_dma source(%dma_start3A_94 : memref<10240x128xf32, #tpu.memory_space<hbm>>) target(%arg9 : memref<128x128xf32, #tpu.memory_space<vmem>>) offsets(%dma_start3A_91 : memref<128xi32, #tpu.memory_space<vmem>>) semaphore(%arg11 : memref<!tpu.dma_semaphore, #tpu.memory_space<semaphore_mem>>)
      %add3A_95 = arith.constant 1 : i32
      %add3A_96 = arith.addi %mul3A_74, %add3A_95 : i32
      %dma_wait3A_97 = arith.constant 0 : i32
      %dma_wait3A_98 = tpu.memref_slice %arg7[%add3A_96, %dma_wait3A_97] : memref<40x128xi32, #tpu.memory_space<vmem>> -> memref<1x128xi32, #tpu.memory_space<vmem>>
      %dma_wait3A_99 = tpu.memref_squeeze %dma_wait3A_98 : memref<1x128xi32, #tpu.memory_space<vmem>> -> memref<128xi32, #tpu.memory_space<vmem>>
      %dma_wait3A_100 = arith.constant 0 : i32
      %dma_wait3A_101 = arith.constant 0 : i32
      %dma_wait3A_102 = tpu.memref_slice %arg2[%dma_wait3A_100, %dma_wait3A_101] : memref<10240x128xf32, #tpu.memory_space<hbm>> -> memref<10240x128xf32, #tpu.memory_space<hbm>>
      tpu.wait_indirect_dma semaphore(%arg12 : memref<!tpu.dma_semaphore, #tpu.memory_space<semaphore_mem>>) src(%dma_wait3A_102 : memref<10240x128xf32, #tpu.memory_space<hbm>>) dst(%arg10 : memref<128x128xf32, #tpu.memory_space<vmem>>)
      %add3A_103 = arith.constant 1 : i32
      %add3A_104 = arith.addi %mul3A_74, %add3A_103 : i32
      "tpu.region"() ({
        %run_scoped3A_115 = tpu.sem_alloc : memref<!tpu.dma_semaphore, #tpu.memory_space<semaphore_mem>>
        %dma_start3A_116 = arith.constant 0 : i32
        %dma_start3A_117 = tpu.memref_slice %arg8[%add3A_104, %dma_start3A_116] : memref<40x128xi32, #tpu.memory_space<vmem>> -> memref<1x128xi32, #tpu.memory_space<vmem>>
        %dma_start3A_118 = tpu.memref_squeeze %dma_start3A_117 : memref<1x128xi32, #tpu.memory_space<vmem>> -> memref<128xi32, #tpu.memory_space<vmem>>
        %dma_start3A_119 = arith.constant 0 : i32
        %dma_start3A_120 = arith.constant 0 : i32
        %dma_start3A_121 = tpu.memref_slice %arg13[%dma_start3A_119, %dma_start3A_120] : memref<10240x128xf32, #tpu.memory_space<vmem_shared>> -> memref<10240x128xf32, #tpu.memory_space<vmem_shared>>
        tpu.enqueue_indirect_dma source(%arg10 : memref<128x128xf32, #tpu.memory_space<vmem>>) target(%dma_start3A_121 : memref<10240x128xf32, #tpu.memory_space<vmem_shared>>) offsets(%dma_start3A_118 : memref<128xi32, #tpu.memory_space<vmem>>) semaphore(%run_scoped3A_115 : memref<!tpu.dma_semaphore, #tpu.memory_space<semaphore_mem>>) {add = true}
        %dma_wait3A_122 = arith.constant 0 : i32
        %dma_wait3A_123 = tpu.memref_slice %arg8[%add3A_104, %dma_wait3A_122] : memref<40x128xi32, #tpu.memory_space<vmem>> -> memref<1x128xi32, #tpu.memory_space<vmem>>
        %dma_wait3A_124 = tpu.memref_squeeze %dma_wait3A_123 : memref<1x128xi32, #tpu.memory_space<vmem>> -> memref<128xi32, #tpu.memory_space<vmem>>
        %dma_wait3A_125 = arith.constant 0 : i32
        %dma_wait3A_126 = arith.constant 0 : i32
        %dma_wait3A_127 = tpu.memref_slice %arg13[%dma_wait3A_125, %dma_wait3A_126] : memref<10240x128xf32, #tpu.memory_space<vmem_shared>> -> memref<10240x128xf32, #tpu.memory_space<vmem_shared>>
        tpu.wait_indirect_dma semaphore(%run_scoped3A_115 : memref<!tpu.dma_semaphore, #tpu.memory_space<semaphore_mem>>) src(%arg10 : memref<128x128xf32, #tpu.memory_space<vmem>>) dst(%dma_wait3A_127 : memref<10240x128xf32, #tpu.memory_space<vmem_shared>>)
        tpu.yield
      }) : () -> ()
      %add3A_105 = arith.constant 1 : i32
      %add3A_106 = arith.addi %mul3A_74, %add3A_105 : i32
      %add3A_107 = arith.constant 2 : i32
      %add3A_108 = arith.addi %add3A_106, %add3A_107 : i32
      %dma_start3A_109 = arith.constant 0 : i32
      %dma_start3A_110 = tpu.memref_slice %arg7[%add3A_108, %dma_start3A_109] : memref<40x128xi32, #tpu.memory_space<vmem>> -> memref<1x128xi32, #tpu.memory_space<vmem>>
      %dma_start3A_111 = tpu.memref_squeeze %dma_start3A_110 : memref<1x128xi32, #tpu.memory_space<vmem>> -> memref<128xi32, #tpu.memory_space<vmem>>
      %dma_start3A_112 = arith.constant 0 : i32
      %dma_start3A_113 = arith.constant 0 : i32
      %dma_start3A_114 = tpu.memref_slice %arg2[%dma_start3A_112, %dma_start3A_113] : memref<10240x128xf32, #tpu.memory_space<hbm>> -> memref<10240x128xf32, #tpu.memory_space<hbm>>
      tpu.enqueue_indirect_dma source(%dma_start3A_114 : memref<10240x128xf32, #tpu.memory_space<hbm>>) target(%arg10 : memref<128x128xf32, #tpu.memory_space<vmem>>) offsets(%dma_start3A_111 : memref<128xi32, #tpu.memory_space<vmem>>) semaphore(%arg12 : memref<!tpu.dma_semaphore, #tpu.memory_space<semaphore_mem>>)
    }
    %scan3A_54 = arith.constant 19 : i32
    %dma_wait3A_55 = arith.constant 38 : i32
    %dma_wait3A_56 = arith.constant 0 : i32
    %dma_wait3A_57 = tpu.memref_slice %arg7[%dma_wait3A_55, %dma_wait3A_56] : memref<40x128xi32, #tpu.memory_space<vmem>> -> memref<1x128xi32, #tpu.memory_space<vmem>>
    %dma_wait3A_58 = tpu.memref_squeeze %dma_wait3A_57 : memref<1x128xi32, #tpu.memory_space<vmem>> -> memref<128xi32, #tpu.memory_space<vmem>>
    %dma_wait3A_59 = arith.constant 0 : i32
    %dma_wait3A_60 = arith.constant 0 : i32
    %dma_wait3A_61 = tpu.memref_slice %arg2[%dma_wait3A_59, %dma_wait3A_60] : memref<10240x128xf32, #tpu.memory_space<hbm>> -> memref<10240x128xf32, #tpu.memory_space<hbm>>
    tpu.wait_indirect_dma semaphore(%arg11 : memref<!tpu.dma_semaphore, #tpu.memory_space<semaphore_mem>>) src(%dma_wait3A_61 : memref<10240x128xf32, #tpu.memory_space<hbm>>) dst(%arg9 : memref<128x128xf32, #tpu.memory_space<vmem>>)
    %run_scoped3A_62 = arith.constant 38 : i32
    "tpu.region"() ({
      %run_scoped3A_72 = tpu.sem_alloc : memref<!tpu.dma_semaphore, #tpu.memory_space<semaphore_mem>>
      %dma_start3A_73 = arith.constant 0 : i32
      %dma_start3A_74 = tpu.memref_slice %arg8[%run_scoped3A_62, %dma_start3A_73] : memref<40x128xi32, #tpu.memory_space<vmem>> -> memref<1x128xi32, #tpu.memory_space<vmem>>
      %dma_start3A_75 = tpu.memref_squeeze %dma_start3A_74 : memref<1x128xi32, #tpu.memory_space<vmem>> -> memref<128xi32, #tpu.memory_space<vmem>>
      %dma_start3A_76 = arith.constant 0 : i32
      %dma_start3A_77 = arith.constant 0 : i32
      %dma_start3A_78 = tpu.memref_slice %arg13[%dma_start3A_76, %dma_start3A_77] : memref<10240x128xf32, #tpu.memory_space<vmem_shared>> -> memref<10240x128xf32, #tpu.memory_space<vmem_shared>>
      tpu.enqueue_indirect_dma source(%arg9 : memref<128x128xf32, #tpu.memory_space<vmem>>) target(%dma_start3A_78 : memref<10240x128xf32, #tpu.memory_space<vmem_shared>>) offsets(%dma_start3A_75 : memref<128xi32, #tpu.memory_space<vmem>>) semaphore(%run_scoped3A_72 : memref<!tpu.dma_semaphore, #tpu.memory_space<semaphore_mem>>) {add = true}
      %dma_wait3A_79 = arith.constant 0 : i32
      %dma_wait3A_80 = tpu.memref_slice %arg8[%run_scoped3A_62, %dma_wait3A_79] : memref<40x128xi32, #tpu.memory_space<vmem>> -> memref<1x128xi32, #tpu.memory_space<vmem>>
      %dma_wait3A_81 = tpu.memref_squeeze %dma_wait3A_80 : memref<1x128xi32, #tpu.memory_space<vmem>> -> memref<128xi32, #tpu.memory_space<vmem>>
      %dma_wait3A_82 = arith.constant 0 : i32
      %dma_wait3A_83 = arith.constant 0 : i32
      %dma_wait3A_84 = tpu.memref_slice %arg13[%dma_wait3A_82, %dma_wait3A_83] : memref<10240x128xf32, #tpu.memory_space<vmem_shared>> -> memref<10240x128xf32, #tpu.memory_space<vmem_shared>>
      tpu.wait_indirect_dma semaphore(%run_scoped3A_72 : memref<!tpu.dma_semaphore, #tpu.memory_space<semaphore_mem>>) src(%arg9 : memref<128x128xf32, #tpu.memory_space<vmem>>) dst(%dma_wait3A_84 : memref<10240x128xf32, #tpu.memory_space<vmem_shared>>)
      tpu.yield
    }) : () -> ()
    %dma_wait3A_63 = arith.constant 39 : i32
    %dma_wait3A_64 = arith.constant 0 : i32
    %dma_wait3A_65 = tpu.memref_slice %arg7[%dma_wait3A_63, %dma_wait3A_64] : memref<40x128xi32, #tpu.memory_space<vmem>> -> memref<1x128xi32, #tpu.memory_space<vmem>>
    %dma_wait3A_66 = tpu.memref_squeeze %dma_wait3A_65 : memref<1x128xi32, #tpu.memory_space<vmem>> -> memref<128xi32, #tpu.memory_space<vmem>>
    %dma_wait3A_67 = arith.constant 0 : i32
    %dma_wait3A_68 = arith.constant 0 : i32
    %dma_wait3A_69 = tpu.memref_slice %arg2[%dma_wait3A_67, %dma_wait3A_68] : memref<10240x128xf32, #tpu.memory_space<hbm>> -> memref<10240x128xf32, #tpu.memory_space<hbm>>
    tpu.wait_indirect_dma semaphore(%arg12 : memref<!tpu.dma_semaphore, #tpu.memory_space<semaphore_mem>>) src(%dma_wait3A_69 : memref<10240x128xf32, #tpu.memory_space<hbm>>) dst(%arg10 : memref<128x128xf32, #tpu.memory_space<vmem>>)
    %run_scoped3A_70 = arith.constant 39 : i32
    "tpu.region"() ({
      %run_scoped3A_72 = tpu.sem_alloc : memref<!tpu.dma_semaphore, #tpu.memory_space<semaphore_mem>>
      %dma_start3A_73 = arith.constant 0 : i32
      %dma_start3A_74 = tpu.memref_slice %arg8[%run_scoped3A_70, %dma_start3A_73] : memref<40x128xi32, #tpu.memory_space<vmem>> -> memref<1x128xi32, #tpu.memory_space<vmem>>
      %dma_start3A_75 = tpu.memref_squeeze %dma_start3A_74 : memref<1x128xi32, #tpu.memory_space<vmem>> -> memref<128xi32, #tpu.memory_space<vmem>>
      %dma_start3A_76 = arith.constant 0 : i32
      %dma_start3A_77 = arith.constant 0 : i32
      %dma_start3A_78 = tpu.memref_slice %arg13[%dma_start3A_76, %dma_start3A_77] : memref<10240x128xf32, #tpu.memory_space<vmem_shared>> -> memref<10240x128xf32, #tpu.memory_space<vmem_shared>>
      tpu.enqueue_indirect_dma source(%arg10 : memref<128x128xf32, #tpu.memory_space<vmem>>) target(%dma_start3A_78 : memref<10240x128xf32, #tpu.memory_space<vmem_shared>>) offsets(%dma_start3A_75 : memref<128xi32, #tpu.memory_space<vmem>>) semaphore(%run_scoped3A_72 : memref<!tpu.dma_semaphore, #tpu.memory_space<semaphore_mem>>) {add = true}
      %dma_wait3A_79 = arith.constant 0 : i32
      %dma_wait3A_80 = tpu.memref_slice %arg8[%run_scoped3A_70, %dma_wait3A_79] : memref<40x128xi32, #tpu.memory_space<vmem>> -> memref<1x128xi32, #tpu.memory_space<vmem>>
      %dma_wait3A_81 = tpu.memref_squeeze %dma_wait3A_80 : memref<1x128xi32, #tpu.memory_space<vmem>> -> memref<128xi32, #tpu.memory_space<vmem>>
      %dma_wait3A_82 = arith.constant 0 : i32
      %dma_wait3A_83 = arith.constant 0 : i32
      %dma_wait3A_84 = tpu.memref_slice %arg13[%dma_wait3A_82, %dma_wait3A_83] : memref<10240x128xf32, #tpu.memory_space<vmem_shared>> -> memref<10240x128xf32, #tpu.memory_space<vmem_shared>>
      tpu.wait_indirect_dma semaphore(%run_scoped3A_72 : memref<!tpu.dma_semaphore, #tpu.memory_space<semaphore_mem>>) src(%arg10 : memref<128x128xf32, #tpu.memory_space<vmem>>) dst(%dma_wait3A_84 : memref<10240x128xf32, #tpu.memory_space<vmem_shared>>)
      tpu.yield
    }) : () -> ()
    %barrier3A_71 = arith.constant 0 : index
    tpu.barrier barrier_id(%barrier3A_71)
    "tpu.region"() ({
      %run_scoped3A_72 = tpu.sem_alloc : memref<!tpu.dma_semaphore, #tpu.memory_space<semaphore_mem>>
      %dma_start3A_73 = arith.constant 0 : i32
      %dma_start3A_74 = tpu.memref_slice %arg6[%arg0, %mul3A_2, %dma_start3A_73] : memref<2x10240x128xf32, #tpu.memory_space<hbm>> -> memref<1x640x128xf32, #tpu.memory_space<hbm>>
      %dma_start3A_75 = tpu.memref_squeeze %dma_start3A_74 : memref<1x640x128xf32, #tpu.memory_space<hbm>> -> memref<640x128xf32, #tpu.memory_space<hbm>>
      %dma_start3A_76 = arith.constant 0 : i32
      %dma_start3A_77 = tpu.memref_slice %arg13[%mul3A_2, %dma_start3A_76] : memref<10240x128xf32, #tpu.memory_space<vmem_shared>> -> memref<640x128xf32, #tpu.memory_space<vmem_shared>>
      tpu.enqueue_dma source(%dma_start3A_77 : memref<640x128xf32, #tpu.memory_space<vmem_shared>>) target(%dma_start3A_75 : memref<640x128xf32, #tpu.memory_space<hbm>>) target_semaphore(%run_scoped3A_72 : memref<!tpu.dma_semaphore, #tpu.memory_space<semaphore_mem>>)
      %dma_wait3A_78 = arith.constant 0 : i32
      %dma_wait3A_79 = tpu.memref_slice %arg6[%arg0, %mul3A_2, %dma_wait3A_78] : memref<2x10240x128xf32, #tpu.memory_space<hbm>> -> memref<1x640x128xf32, #tpu.memory_space<hbm>>
      %dma_wait3A_80 = tpu.memref_squeeze %dma_wait3A_79 : memref<1x640x128xf32, #tpu.memory_space<hbm>> -> memref<640x128xf32, #tpu.memory_space<hbm>>
      %dma_wait3A_81 = arith.constant 0 : i32
      %dma_wait3A_82 = tpu.memref_slice %arg13[%mul3A_2, %dma_wait3A_81] : memref<10240x128xf32, #tpu.memory_space<vmem_shared>> -> memref<640x128xf32, #tpu.memory_space<vmem_shared>>
      tpu.wait_dma2 semaphore(%run_scoped3A_72 : memref<!tpu.dma_semaphore, #tpu.memory_space<semaphore_mem>>) src(%dma_wait3A_82 : memref<640x128xf32, #tpu.memory_space<vmem_shared>>) dst(%dma_wait3A_80 : memref<640x128xf32, #tpu.memory_space<hbm>>)
      tpu.yield
    }) : () -> ()
    return
  }
}

#map = affine_map<(d0, d1) -> (0, 0)>
#map1 = affine_map<(d0, d1) -> (0, 0, 0)>
module attributes {stable_mosaic.version = 14 : i64} {
  func.func @_sc_segsum_body(%arg0: i32, %arg1: i32, %arg2: memref<10240x128xf32, #tpu.memory_space<hbm>>, %arg3: memref<32x80x128xi32, #tpu.memory_space<hbm>>, %arg4: memref<32x80x128xi32, #tpu.memory_space<hbm>>, %arg5: memref<10240x128xf32, #tpu.memory_space<hbm>>, %arg6: memref<2x10240x128xf32, #tpu.memory_space<hbm>>, %arg7: memref<40x128xi32, #tpu.memory_space<vmem>>, %arg8: memref<40x128xi32, #tpu.memory_space<vmem>>, %arg9: memref<128x128xf32, #tpu.memory_space<vmem>>, %arg10: memref<128x128xf32, #tpu.memory_space<vmem>>, %arg11: memref<!tpu.dma_semaphore, #tpu.memory_space<semaphore_mem>>, %arg12: memref<!tpu.dma_semaphore, #tpu.memory_space<semaphore_mem>>, %arg13: memref<10240x128xf32, #tpu.memory_space<vmem_shared>>) attributes {dimension_semantics = [#tpu.dimension_semantics<core_parallel>, #tpu.dimension_semantics<subcore_parallel>], iteration_bounds = array<i64: 2, 16>, scalar_prefetch = 0 : i64, scratch_operands = 7 : i64, tpu.core_type = #tpu.core_type<sc_vector_subcore>, window_params = [{transform_indices = #map}, {transform_indices = #map1}, {transform_indices = #map1}, {transform_indices = #map}, {transform_indices = #map1}]} {
    %mul3A = arith.constant 16 : i32
    %mul3A_0 = arith.muli %arg0, %mul3A : i32
    %add3A = arith.addi %mul3A_0, %arg1 : i32
    %mul3A_1 = arith.constant 640 : i32
    %mul3A_2 = arith.muli %arg1, %mul3A_1 : i32
    "tpu.region"() ({
      %run_scoped3A_72 = tpu.sem_alloc : memref<!tpu.dma_semaphore, #tpu.memory_space<semaphore_mem>>
      %dma_start3A_73 = arith.constant 0 : i32
      %dma_start3A_74 = tpu.memref_slice %arg13[%mul3A_2, %dma_start3A_73] : memref<10240x128xf32, #tpu.memory_space<vmem_shared>> -> memref<640x128xf32, #tpu.memory_space<vmem_shared>>
      %dma_start3A_75 = arith.constant 0 : i32
      %dma_start3A_76 = tpu.memref_slice %arg5[%mul3A_2, %dma_start3A_75] : memref<10240x128xf32, #tpu.memory_space<hbm>> -> memref<640x128xf32, #tpu.memory_space<hbm>>
      tpu.enqueue_dma source(%dma_start3A_76 : memref<640x128xf32, #tpu.memory_space<hbm>>) target(%dma_start3A_74 : memref<640x128xf32, #tpu.memory_space<vmem_shared>>) target_semaphore(%run_scoped3A_72 : memref<!tpu.dma_semaphore, #tpu.memory_space<semaphore_mem>>)
      %dma_wait3A_77 = arith.constant 0 : i32
      %dma_wait3A_78 = tpu.memref_slice %arg13[%mul3A_2, %dma_wait3A_77] : memref<10240x128xf32, #tpu.memory_space<vmem_shared>> -> memref<640x128xf32, #tpu.memory_space<vmem_shared>>
      %dma_wait3A_79 = arith.constant 0 : i32
      %dma_wait3A_80 = tpu.memref_slice %arg5[%mul3A_2, %dma_wait3A_79] : memref<10240x128xf32, #tpu.memory_space<hbm>> -> memref<640x128xf32, #tpu.memory_space<hbm>>
      tpu.wait_dma2 semaphore(%run_scoped3A_72 : memref<!tpu.dma_semaphore, #tpu.memory_space<semaphore_mem>>) src(%dma_wait3A_80 : memref<640x128xf32, #tpu.memory_space<hbm>>) dst(%dma_wait3A_78 : memref<640x128xf32, #tpu.memory_space<vmem_shared>>)
      tpu.yield
    }) : () -> ()
    %barrier3A = arith.constant 0 : index
    tpu.barrier barrier_id(%barrier3A)
    "tpu.region"() ({
      %run_scoped3A_72 = tpu.sem_alloc : memref<!tpu.dma_semaphore, #tpu.memory_space<semaphore_mem>>
      %dma_start3A_73 = arith.constant 0 : i32
      %dma_start3A_74 = arith.constant 0 : i32
      %dma_start3A_75 = tpu.memref_slice %arg3[%add3A, %dma_start3A_73, %dma_start3A_74] : memref<32x80x128xi32, #tpu.memory_space<hbm>> -> memref<1x40x128xi32, #tpu.memory_space<hbm>>
      %dma_start3A_76 = tpu.memref_squeeze %dma_start3A_75 : memref<1x40x128xi32, #tpu.memory_space<hbm>> -> memref<40x128xi32, #tpu.memory_space<hbm>>
      %dma_start3A_77 = arith.constant 0 : i32
      %dma_start3A_78 = arith.constant 0 : i32
      %dma_start3A_79 = tpu.memref_slice %arg3[%add3A, %dma_start3A_77, %dma_start3A_78] : memref<32x80x128xi32, #tpu.memory_space<hbm>> -> memref<1x40x128xi32, #tpu.memory_space<hbm>>
      %dma_start3A_80 = tpu.memref_squeeze %dma_start3A_79 : memref<1x40x128xi32, #tpu.memory_space<hbm>> -> memref<40x128xi32, #tpu.memory_space<hbm>>
      tpu.enqueue_dma source(%dma_start3A_80 : memref<40x128xi32, #tpu.memory_space<hbm>>) target(%arg7 : memref<40x128xi32, #tpu.memory_space<vmem>>) target_semaphore(%run_scoped3A_72 : memref<!tpu.dma_semaphore, #tpu.memory_space<semaphore_mem>>)
      %dma_wait3A_81 = arith.constant 0 : i32
      %dma_wait3A_82 = arith.constant 0 : i32
      %dma_wait3A_83 = tpu.memref_slice %arg3[%add3A, %dma_wait3A_81, %dma_wait3A_82] : memref<32x80x128xi32, #tpu.memory_space<hbm>> -> memref<1x40x128xi32, #tpu.memory_space<hbm>>
      %dma_wait3A_84 = tpu.memref_squeeze %dma_wait3A_83 : memref<1x40x128xi32, #tpu.memory_space<hbm>> -> memref<40x128xi32, #tpu.memory_space<hbm>>
      %dma_wait3A_85 = arith.constant 0 : i32
      %dma_wait3A_86 = arith.constant 0 : i32
      %dma_wait3A_87 = tpu.memref_slice %arg3[%add3A, %dma_wait3A_85, %dma_wait3A_86] : memref<32x80x128xi32, #tpu.memory_space<hbm>> -> memref<1x40x128xi32, #tpu.memory_space<hbm>>
      %dma_wait3A_88 = tpu.memref_squeeze %dma_wait3A_87 : memref<1x40x128xi32, #tpu.memory_space<hbm>> -> memref<40x128xi32, #tpu.memory_space<hbm>>
      tpu.wait_dma2 semaphore(%run_scoped3A_72 : memref<!tpu.dma_semaphore, #tpu.memory_space<semaphore_mem>>) src(%dma_wait3A_88 : memref<40x128xi32, #tpu.memory_space<hbm>>) dst(%arg7 : memref<40x128xi32, #tpu.memory_space<vmem>>)
      tpu.yield
    }) : () -> ()
    "tpu.region"() ({
      %run_scoped3A_72 = tpu.sem_alloc : memref<!tpu.dma_semaphore, #tpu.memory_space<semaphore_mem>>
      %dma_start3A_73 = arith.constant 0 : i32
      %dma_start3A_74 = arith.constant 0 : i32
      %dma_start3A_75 = tpu.memref_slice %arg4[%add3A, %dma_start3A_73, %dma_start3A_74] : memref<32x80x128xi32, #tpu.memory_space<hbm>> -> memref<1x40x128xi32, #tpu.memory_space<hbm>>
      %dma_start3A_76 = tpu.memref_squeeze %dma_start3A_75 : memref<1x40x128xi32, #tpu.memory_space<hbm>> -> memref<40x128xi32, #tpu.memory_space<hbm>>
      %dma_start3A_77 = arith.constant 0 : i32
      %dma_start3A_78 = arith.constant 0 : i32
      %dma_start3A_79 = tpu.memref_slice %arg4[%add3A, %dma_start3A_77, %dma_start3A_78] : memref<32x80x128xi32, #tpu.memory_space<hbm>> -> memref<1x40x128xi32, #tpu.memory_space<hbm>>
      %dma_start3A_80 = tpu.memref_squeeze %dma_start3A_79 : memref<1x40x128xi32, #tpu.memory_space<hbm>> -> memref<40x128xi32, #tpu.memory_space<hbm>>
      tpu.enqueue_dma source(%dma_start3A_80 : memref<40x128xi32, #tpu.memory_space<hbm>>) target(%arg8 : memref<40x128xi32, #tpu.memory_space<vmem>>) target_semaphore(%run_scoped3A_72 : memref<!tpu.dma_semaphore, #tpu.memory_space<semaphore_mem>>)
      %dma_wait3A_81 = arith.constant 0 : i32
      %dma_wait3A_82 = arith.constant 0 : i32
      %dma_wait3A_83 = tpu.memref_slice %arg4[%add3A, %dma_wait3A_81, %dma_wait3A_82] : memref<32x80x128xi32, #tpu.memory_space<hbm>> -> memref<1x40x128xi32, #tpu.memory_space<hbm>>
      %dma_wait3A_84 = tpu.memref_squeeze %dma_wait3A_83 : memref<1x40x128xi32, #tpu.memory_space<hbm>> -> memref<40x128xi32, #tpu.memory_space<hbm>>
      %dma_wait3A_85 = arith.constant 0 : i32
      %dma_wait3A_86 = arith.constant 0 : i32
      %dma_wait3A_87 = tpu.memref_slice %arg4[%add3A, %dma_wait3A_85, %dma_wait3A_86] : memref<32x80x128xi32, #tpu.memory_space<hbm>> -> memref<1x40x128xi32, #tpu.memory_space<hbm>>
      %dma_wait3A_88 = tpu.memref_squeeze %dma_wait3A_87 : memref<1x40x128xi32, #tpu.memory_space<hbm>> -> memref<40x128xi32, #tpu.memory_space<hbm>>
      tpu.wait_dma2 semaphore(%run_scoped3A_72 : memref<!tpu.dma_semaphore, #tpu.memory_space<semaphore_mem>>) src(%dma_wait3A_88 : memref<40x128xi32, #tpu.memory_space<hbm>>) dst(%arg8 : memref<40x128xi32, #tpu.memory_space<vmem>>)
      tpu.yield
    }) : () -> ()
    %dma_start3A = arith.constant 0 : i32
    %dma_start3A_3 = arith.constant 0 : i32
    %dma_start3A_4 = tpu.memref_slice %arg7[%dma_start3A, %dma_start3A_3] : memref<40x128xi32, #tpu.memory_space<vmem>> -> memref<1x128xi32, #tpu.memory_space<vmem>>
    %dma_start3A_5 = tpu.memref_squeeze %dma_start3A_4 : memref<1x128xi32, #tpu.memory_space<vmem>> -> memref<128xi32, #tpu.memory_space<vmem>>
    %dma_start3A_6 = arith.constant 0 : i32
    %dma_start3A_7 = arith.constant 0 : i32
    %dma_start3A_8 = tpu.memref_slice %arg2[%dma_start3A_6, %dma_start3A_7] : memref<10240x128xf32, #tpu.memory_space<hbm>> -> memref<10240x128xf32, #tpu.memory_space<hbm>>
    tpu.enqueue_indirect_dma source(%dma_start3A_8 : memref<10240x128xf32, #tpu.memory_space<hbm>>) target(%arg9 : memref<128x128xf32, #tpu.memory_space<vmem>>) offsets(%dma_start3A_5 : memref<128xi32, #tpu.memory_space<vmem>>) semaphore(%arg11 : memref<!tpu.dma_semaphore, #tpu.memory_space<semaphore_mem>>)
    %dma_start3A_9 = arith.constant 1 : i32
    %dma_start3A_10 = arith.constant 0 : i32
    %dma_start3A_11 = tpu.memref_slice %arg7[%dma_start3A_9, %dma_start3A_10] : memref<40x128xi32, #tpu.memory_space<vmem>> -> memref<1x128xi32, #tpu.memory_space<vmem>>
    %dma_start3A_12 = tpu.memref_squeeze %dma_start3A_11 : memref<1x128xi32, #tpu.memory_space<vmem>> -> memref<128xi32, #tpu.memory_space<vmem>>
    %dma_start3A_13 = arith.constant 0 : i32
    %dma_start3A_14 = arith.constant 0 : i32
    %dma_start3A_15 = tpu.memref_slice %arg2[%dma_start3A_13, %dma_start3A_14] : memref<10240x128xf32, #tpu.memory_space<hbm>> -> memref<10240x128xf32, #tpu.memory_space<hbm>>
    tpu.enqueue_indirect_dma source(%dma_start3A_15 : memref<10240x128xf32, #tpu.memory_space<hbm>>) target(%arg10 : memref<128x128xf32, #tpu.memory_space<vmem>>) offsets(%dma_start3A_12 : memref<128xi32, #tpu.memory_space<vmem>>) semaphore(%arg12 : memref<!tpu.dma_semaphore, #tpu.memory_space<semaphore_mem>>)
    %scan3A = arith.constant 0 : i32
    %scan3A_16 = arith.constant 0 : i32
    %scan3A_17 = arith.constant 19 : i32
    %scan3A_18 = arith.addi %scan3A_16, %scan3A_17 : i32
    %scan3A_19 = arith.constant 1 : i32
    scf.for %scan3A_72 = %scan3A_16 to %scan3A_18 step %scan3A_19  : i32 {
      %mul3A_73 = arith.constant 2 : i32
      %mul3A_74 = arith.muli %scan3A_72, %mul3A_73 : i32
      %add3A_75 = arith.constant 0 : i32
      %add3A_76 = arith.addi %mul3A_74, %add3A_75 : i32
      %dma_wait3A_77 = arith.constant 0 : i32
      %dma_wait3A_78 = tpu.memref_slice %arg7[%add3A_76, %dma_wait3A_77] : memref<40x128xi32, #tpu.memory_space<vmem>> -> memref<1x128xi32, #tpu.memory_space<vmem>>
      %dma_wait3A_79 = tpu.memref_squeeze %dma_wait3A_78 : memref<1x128xi32, #tpu.memory_space<vmem>> -> memref<128xi32, #tpu.memory_space<vmem>>
      %dma_wait3A_80 = arith.constant 0 : i32
      %dma_wait3A_81 = arith.constant 0 : i32
      %dma_wait3A_82 = tpu.memref_slice %arg2[%dma_wait3A_80, %dma_wait3A_81] : memref<10240x128xf32, #tpu.memory_space<hbm>> -> memref<10240x128xf32, #tpu.memory_space<hbm>>
      tpu.wait_indirect_dma semaphore(%arg11 : memref<!tpu.dma_semaphore, #tpu.memory_space<semaphore_mem>>) src(%dma_wait3A_82 : memref<10240x128xf32, #tpu.memory_space<hbm>>) dst(%arg9 : memref<128x128xf32, #tpu.memory_space<vmem>>)
      %add3A_83 = arith.constant 0 : i32
      %add3A_84 = arith.addi %mul3A_74, %add3A_83 : i32
      "tpu.region"() ({
        %run_scoped3A_115 = tpu.sem_alloc : memref<!tpu.dma_semaphore, #tpu.memory_space<semaphore_mem>>
        %dma_start3A_116 = arith.constant 0 : i32
        %dma_start3A_117 = tpu.memref_slice %arg8[%add3A_84, %dma_start3A_116] : memref<40x128xi32, #tpu.memory_space<vmem>> -> memref<1x128xi32, #tpu.memory_space<vmem>>
        %dma_start3A_118 = tpu.memref_squeeze %dma_start3A_117 : memref<1x128xi32, #tpu.memory_space<vmem>> -> memref<128xi32, #tpu.memory_space<vmem>>
        %dma_start3A_119 = arith.constant 0 : i32
        %dma_start3A_120 = arith.constant 0 : i32
        %dma_start3A_121 = tpu.memref_slice %arg13[%dma_start3A_119, %dma_start3A_120] : memref<10240x128xf32, #tpu.memory_space<vmem_shared>> -> memref<10240x128xf32, #tpu.memory_space<vmem_shared>>
        tpu.enqueue_indirect_dma source(%arg9 : memref<128x128xf32, #tpu.memory_space<vmem>>) target(%dma_start3A_121 : memref<10240x128xf32, #tpu.memory_space<vmem_shared>>) offsets(%dma_start3A_118 : memref<128xi32, #tpu.memory_space<vmem>>) semaphore(%run_scoped3A_115 : memref<!tpu.dma_semaphore, #tpu.memory_space<semaphore_mem>>) {add = true}
        %dma_wait3A_122 = arith.constant 0 : i32
        %dma_wait3A_123 = tpu.memref_slice %arg8[%add3A_84, %dma_wait3A_122] : memref<40x128xi32, #tpu.memory_space<vmem>> -> memref<1x128xi32, #tpu.memory_space<vmem>>
        %dma_wait3A_124 = tpu.memref_squeeze %dma_wait3A_123 : memref<1x128xi32, #tpu.memory_space<vmem>> -> memref<128xi32, #tpu.memory_space<vmem>>
        %dma_wait3A_125 = arith.constant 0 : i32
        %dma_wait3A_126 = arith.constant 0 : i32
        %dma_wait3A_127 = tpu.memref_slice %arg13[%dma_wait3A_125, %dma_wait3A_126] : memref<10240x128xf32, #tpu.memory_space<vmem_shared>> -> memref<10240x128xf32, #tpu.memory_space<vmem_shared>>
        tpu.wait_indirect_dma semaphore(%run_scoped3A_115 : memref<!tpu.dma_semaphore, #tpu.memory_space<semaphore_mem>>) src(%arg9 : memref<128x128xf32, #tpu.memory_space<vmem>>) dst(%dma_wait3A_127 : memref<10240x128xf32, #tpu.memory_space<vmem_shared>>)
        tpu.yield
      }) : () -> ()
      %add3A_85 = arith.constant 0 : i32
      %add3A_86 = arith.addi %mul3A_74, %add3A_85 : i32
      %add3A_87 = arith.constant 2 : i32
      %add3A_88 = arith.addi %add3A_86, %add3A_87 : i32
      %dma_start3A_89 = arith.constant 0 : i32
      %dma_start3A_90 = tpu.memref_slice %arg7[%add3A_88, %dma_start3A_89] : memref<40x128xi32, #tpu.memory_space<vmem>> -> memref<1x128xi32, #tpu.memory_space<vmem>>
      %dma_start3A_91 = tpu.memref_squeeze %dma_start3A_90 : memref<1x128xi32, #tpu.memory_space<vmem>> -> memref<128xi32, #tpu.memory_space<vmem>>
      %dma_start3A_92 = arith.constant 0 : i32
      %dma_start3A_93 = arith.constant 0 : i32
      %dma_start3A_94 = tpu.memref_slice %arg2[%dma_start3A_92, %dma_start3A_93] : memref<10240x128xf32, #tpu.memory_space<hbm>> -> memref<10240x128xf32, #tpu.memory_space<hbm>>
      tpu.enqueue_indirect_dma source(%dma_start3A_94 : memref<10240x128xf32, #tpu.memory_space<hbm>>) target(%arg9 : memref<128x128xf32, #tpu.memory_space<vmem>>) offsets(%dma_start3A_91 : memref<128xi32, #tpu.memory_space<vmem>>) semaphore(%arg11 : memref<!tpu.dma_semaphore, #tpu.memory_space<semaphore_mem>>)
      %add3A_95 = arith.constant 1 : i32
      %add3A_96 = arith.addi %mul3A_74, %add3A_95 : i32
      %dma_wait3A_97 = arith.constant 0 : i32
      %dma_wait3A_98 = tpu.memref_slice %arg7[%add3A_96, %dma_wait3A_97] : memref<40x128xi32, #tpu.memory_space<vmem>> -> memref<1x128xi32, #tpu.memory_space<vmem>>
      %dma_wait3A_99 = tpu.memref_squeeze %dma_wait3A_98 : memref<1x128xi32, #tpu.memory_space<vmem>> -> memref<128xi32, #tpu.memory_space<vmem>>
      %dma_wait3A_100 = arith.constant 0 : i32
      %dma_wait3A_101 = arith.constant 0 : i32
      %dma_wait3A_102 = tpu.memref_slice %arg2[%dma_wait3A_100, %dma_wait3A_101] : memref<10240x128xf32, #tpu.memory_space<hbm>> -> memref<10240x128xf32, #tpu.memory_space<hbm>>
      tpu.wait_indirect_dma semaphore(%arg12 : memref<!tpu.dma_semaphore, #tpu.memory_space<semaphore_mem>>) src(%dma_wait3A_102 : memref<10240x128xf32, #tpu.memory_space<hbm>>) dst(%arg10 : memref<128x128xf32, #tpu.memory_space<vmem>>)
      %add3A_103 = arith.constant 1 : i32
      %add3A_104 = arith.addi %mul3A_74, %add3A_103 : i32
      "tpu.region"() ({
        %run_scoped3A_115 = tpu.sem_alloc : memref<!tpu.dma_semaphore, #tpu.memory_space<semaphore_mem>>
        %dma_start3A_116 = arith.constant 0 : i32
        %dma_start3A_117 = tpu.memref_slice %arg8[%add3A_104, %dma_start3A_116] : memref<40x128xi32, #tpu.memory_space<vmem>> -> memref<1x128xi32, #tpu.memory_space<vmem>>
        %dma_start3A_118 = tpu.memref_squeeze %dma_start3A_117 : memref<1x128xi32, #tpu.memory_space<vmem>> -> memref<128xi32, #tpu.memory_space<vmem>>
        %dma_start3A_119 = arith.constant 0 : i32
        %dma_start3A_120 = arith.constant 0 : i32
        %dma_start3A_121 = tpu.memref_slice %arg13[%dma_start3A_119, %dma_start3A_120] : memref<10240x128xf32, #tpu.memory_space<vmem_shared>> -> memref<10240x128xf32, #tpu.memory_space<vmem_shared>>
        tpu.enqueue_indirect_dma source(%arg10 : memref<128x128xf32, #tpu.memory_space<vmem>>) target(%dma_start3A_121 : memref<10240x128xf32, #tpu.memory_space<vmem_shared>>) offsets(%dma_start3A_118 : memref<128xi32, #tpu.memory_space<vmem>>) semaphore(%run_scoped3A_115 : memref<!tpu.dma_semaphore, #tpu.memory_space<semaphore_mem>>) {add = true}
        %dma_wait3A_122 = arith.constant 0 : i32
        %dma_wait3A_123 = tpu.memref_slice %arg8[%add3A_104, %dma_wait3A_122] : memref<40x128xi32, #tpu.memory_space<vmem>> -> memref<1x128xi32, #tpu.memory_space<vmem>>
        %dma_wait3A_124 = tpu.memref_squeeze %dma_wait3A_123 : memref<1x128xi32, #tpu.memory_space<vmem>> -> memref<128xi32, #tpu.memory_space<vmem>>
        %dma_wait3A_125 = arith.constant 0 : i32
        %dma_wait3A_126 = arith.constant 0 : i32
        %dma_wait3A_127 = tpu.memref_slice %arg13[%dma_wait3A_125, %dma_wait3A_126] : memref<10240x128xf32, #tpu.memory_space<vmem_shared>> -> memref<10240x128xf32, #tpu.memory_space<vmem_shared>>
        tpu.wait_indirect_dma semaphore(%run_scoped3A_115 : memref<!tpu.dma_semaphore, #tpu.memory_space<semaphore_mem>>) src(%arg10 : memref<128x128xf32, #tpu.memory_space<vmem>>) dst(%dma_wait3A_127 : memref<10240x128xf32, #tpu.memory_space<vmem_shared>>)
        tpu.yield
      }) : () -> ()
      %add3A_105 = arith.constant 1 : i32
      %add3A_106 = arith.addi %mul3A_74, %add3A_105 : i32
      %add3A_107 = arith.constant 2 : i32
      %add3A_108 = arith.addi %add3A_106, %add3A_107 : i32
      %dma_start3A_109 = arith.constant 0 : i32
      %dma_start3A_110 = tpu.memref_slice %arg7[%add3A_108, %dma_start3A_109] : memref<40x128xi32, #tpu.memory_space<vmem>> -> memref<1x128xi32, #tpu.memory_space<vmem>>
      %dma_start3A_111 = tpu.memref_squeeze %dma_start3A_110 : memref<1x128xi32, #tpu.memory_space<vmem>> -> memref<128xi32, #tpu.memory_space<vmem>>
      %dma_start3A_112 = arith.constant 0 : i32
      %dma_start3A_113 = arith.constant 0 : i32
      %dma_start3A_114 = tpu.memref_slice %arg2[%dma_start3A_112, %dma_start3A_113] : memref<10240x128xf32, #tpu.memory_space<hbm>> -> memref<10240x128xf32, #tpu.memory_space<hbm>>
      tpu.enqueue_indirect_dma source(%dma_start3A_114 : memref<10240x128xf32, #tpu.memory_space<hbm>>) target(%arg10 : memref<128x128xf32, #tpu.memory_space<vmem>>) offsets(%dma_start3A_111 : memref<128xi32, #tpu.memory_space<vmem>>) semaphore(%arg12 : memref<!tpu.dma_semaphore, #tpu.memory_space<semaphore_mem>>)
    }
    %scan3A_20 = arith.constant 19 : i32
    %dma_wait3A = arith.constant 38 : i32
    %dma_wait3A_21 = arith.constant 0 : i32
    %dma_wait3A_22 = tpu.memref_slice %arg7[%dma_wait3A, %dma_wait3A_21] : memref<40x128xi32, #tpu.memory_space<vmem>> -> memref<1x128xi32, #tpu.memory_space<vmem>>
    %dma_wait3A_23 = tpu.memref_squeeze %dma_wait3A_22 : memref<1x128xi32, #tpu.memory_space<vmem>> -> memref<128xi32, #tpu.memory_space<vmem>>
    %dma_wait3A_24 = arith.constant 0 : i32
    %dma_wait3A_25 = arith.constant 0 : i32
    %dma_wait3A_26 = tpu.memref_slice %arg2[%dma_wait3A_24, %dma_wait3A_25] : memref<10240x128xf32, #tpu.memory_space<hbm>> -> memref<10240x128xf32, #tpu.memory_space<hbm>>
    tpu.wait_indirect_dma semaphore(%arg11 : memref<!tpu.dma_semaphore, #tpu.memory_space<semaphore_mem>>) src(%dma_wait3A_26 : memref<10240x128xf32, #tpu.memory_space<hbm>>) dst(%arg9 : memref<128x128xf32, #tpu.memory_space<vmem>>)
    %run_scoped3A = arith.constant 38 : i32
    "tpu.region"() ({
      %run_scoped3A_72 = tpu.sem_alloc : memref<!tpu.dma_semaphore, #tpu.memory_space<semaphore_mem>>
      %dma_start3A_73 = arith.constant 0 : i32
      %dma_start3A_74 = tpu.memref_slice %arg8[%run_scoped3A, %dma_start3A_73] : memref<40x128xi32, #tpu.memory_space<vmem>> -> memref<1x128xi32, #tpu.memory_space<vmem>>
      %dma_start3A_75 = tpu.memref_squeeze %dma_start3A_74 : memref<1x128xi32, #tpu.memory_space<vmem>> -> memref<128xi32, #tpu.memory_space<vmem>>
      %dma_start3A_76 = arith.constant 0 : i32
      %dma_start3A_77 = arith.constant 0 : i32
      %dma_start3A_78 = tpu.memref_slice %arg13[%dma_start3A_76, %dma_start3A_77] : memref<10240x128xf32, #tpu.memory_space<vmem_shared>> -> memref<10240x128xf32, #tpu.memory_space<vmem_shared>>
      tpu.enqueue_indirect_dma source(%arg9 : memref<128x128xf32, #tpu.memory_space<vmem>>) target(%dma_start3A_78 : memref<10240x128xf32, #tpu.memory_space<vmem_shared>>) offsets(%dma_start3A_75 : memref<128xi32, #tpu.memory_space<vmem>>) semaphore(%run_scoped3A_72 : memref<!tpu.dma_semaphore, #tpu.memory_space<semaphore_mem>>) {add = true}
      %dma_wait3A_79 = arith.constant 0 : i32
      %dma_wait3A_80 = tpu.memref_slice %arg8[%run_scoped3A, %dma_wait3A_79] : memref<40x128xi32, #tpu.memory_space<vmem>> -> memref<1x128xi32, #tpu.memory_space<vmem>>
      %dma_wait3A_81 = tpu.memref_squeeze %dma_wait3A_80 : memref<1x128xi32, #tpu.memory_space<vmem>> -> memref<128xi32, #tpu.memory_space<vmem>>
      %dma_wait3A_82 = arith.constant 0 : i32
      %dma_wait3A_83 = arith.constant 0 : i32
      %dma_wait3A_84 = tpu.memref_slice %arg13[%dma_wait3A_82, %dma_wait3A_83] : memref<10240x128xf32, #tpu.memory_space<vmem_shared>> -> memref<10240x128xf32, #tpu.memory_space<vmem_shared>>
      tpu.wait_indirect_dma semaphore(%run_scoped3A_72 : memref<!tpu.dma_semaphore, #tpu.memory_space<semaphore_mem>>) src(%arg9 : memref<128x128xf32, #tpu.memory_space<vmem>>) dst(%dma_wait3A_84 : memref<10240x128xf32, #tpu.memory_space<vmem_shared>>)
      tpu.yield
    }) : () -> ()
    %dma_wait3A_27 = arith.constant 39 : i32
    %dma_wait3A_28 = arith.constant 0 : i32
    %dma_wait3A_29 = tpu.memref_slice %arg7[%dma_wait3A_27, %dma_wait3A_28] : memref<40x128xi32, #tpu.memory_space<vmem>> -> memref<1x128xi32, #tpu.memory_space<vmem>>
    %dma_wait3A_30 = tpu.memref_squeeze %dma_wait3A_29 : memref<1x128xi32, #tpu.memory_space<vmem>> -> memref<128xi32, #tpu.memory_space<vmem>>
    %dma_wait3A_31 = arith.constant 0 : i32
    %dma_wait3A_32 = arith.constant 0 : i32
    %dma_wait3A_33 = tpu.memref_slice %arg2[%dma_wait3A_31, %dma_wait3A_32] : memref<10240x128xf32, #tpu.memory_space<hbm>> -> memref<10240x128xf32, #tpu.memory_space<hbm>>
    tpu.wait_indirect_dma semaphore(%arg12 : memref<!tpu.dma_semaphore, #tpu.memory_space<semaphore_mem>>) src(%dma_wait3A_33 : memref<10240x128xf32, #tpu.memory_space<hbm>>) dst(%arg10 : memref<128x128xf32, #tpu.memory_space<vmem>>)
    %run_scoped3A_34 = arith.constant 39 : i32
    "tpu.region"() ({
      %run_scoped3A_72 = tpu.sem_alloc : memref<!tpu.dma_semaphore, #tpu.memory_space<semaphore_mem>>
      %dma_start3A_73 = arith.constant 0 : i32
      %dma_start3A_74 = tpu.memref_slice %arg8[%run_scoped3A_34, %dma_start3A_73] : memref<40x128xi32, #tpu.memory_space<vmem>> -> memref<1x128xi32, #tpu.memory_space<vmem>>
      %dma_start3A_75 = tpu.memref_squeeze %dma_start3A_74 : memref<1x128xi32, #tpu.memory_space<vmem>> -> memref<128xi32, #tpu.memory_space<vmem>>
      %dma_start3A_76 = arith.constant 0 : i32
      %dma_start3A_77 = arith.constant 0 : i32
      %dma_start3A_78 = tpu.memref_slice %arg13[%dma_start3A_76, %dma_start3A_77] : memref<10240x128xf32, #tpu.memory_space<vmem_shared>> -> memref<10240x128xf32, #tpu.memory_space<vmem_shared>>
      tpu.enqueue_indirect_dma source(%arg10 : memref<128x128xf32, #tpu.memory_space<vmem>>) target(%dma_start3A_78 : memref<10240x128xf32, #tpu.memory_space<vmem_shared>>) offsets(%dma_start3A_75 : memref<128xi32, #tpu.memory_space<vmem>>) semaphore(%run_scoped3A_72 : memref<!tpu.dma_semaphore, #tpu.memory_space<semaphore_mem>>) {add = true}
      %dma_wait3A_79 = arith.constant 0 : i32
      %dma_wait3A_80 = tpu.memref_slice %arg8[%run_scoped3A_34, %dma_wait3A_79] : memref<40x128xi32, #tpu.memory_space<vmem>> -> memref<1x128xi32, #tpu.memory_space<vmem>>
      %dma_wait3A_81 = tpu.memref_squeeze %dma_wait3A_80 : memref<1x128xi32, #tpu.memory_space<vmem>> -> memref<128xi32, #tpu.memory_space<vmem>>
      %dma_wait3A_82 = arith.constant 0 : i32
      %dma_wait3A_83 = arith.constant 0 : i32
      %dma_wait3A_84 = tpu.memref_slice %arg13[%dma_wait3A_82, %dma_wait3A_83] : memref<10240x128xf32, #tpu.memory_space<vmem_shared>> -> memref<10240x128xf32, #tpu.memory_space<vmem_shared>>
      tpu.wait_indirect_dma semaphore(%run_scoped3A_72 : memref<!tpu.dma_semaphore, #tpu.memory_space<semaphore_mem>>) src(%arg10 : memref<128x128xf32, #tpu.memory_space<vmem>>) dst(%dma_wait3A_84 : memref<10240x128xf32, #tpu.memory_space<vmem_shared>>)
      tpu.yield
    }) : () -> ()
    "tpu.region"() ({
      %run_scoped3A_72 = tpu.sem_alloc : memref<!tpu.dma_semaphore, #tpu.memory_space<semaphore_mem>>
      %dma_start3A_73 = arith.constant 40 : i32
      %dma_start3A_74 = arith.constant 0 : i32
      %dma_start3A_75 = tpu.memref_slice %arg3[%add3A, %dma_start3A_73, %dma_start3A_74] : memref<32x80x128xi32, #tpu.memory_space<hbm>> -> memref<1x40x128xi32, #tpu.memory_space<hbm>>
      %dma_start3A_76 = tpu.memref_squeeze %dma_start3A_75 : memref<1x40x128xi32, #tpu.memory_space<hbm>> -> memref<40x128xi32, #tpu.memory_space<hbm>>
      %dma_start3A_77 = arith.constant 40 : i32
      %dma_start3A_78 = arith.constant 0 : i32
      %dma_start3A_79 = tpu.memref_slice %arg3[%add3A, %dma_start3A_77, %dma_start3A_78] : memref<32x80x128xi32, #tpu.memory_space<hbm>> -> memref<1x40x128xi32, #tpu.memory_space<hbm>>
      %dma_start3A_80 = tpu.memref_squeeze %dma_start3A_79 : memref<1x40x128xi32, #tpu.memory_space<hbm>> -> memref<40x128xi32, #tpu.memory_space<hbm>>
      tpu.enqueue_dma source(%dma_start3A_80 : memref<40x128xi32, #tpu.memory_space<hbm>>) target(%arg7 : memref<40x128xi32, #tpu.memory_space<vmem>>) target_semaphore(%run_scoped3A_72 : memref<!tpu.dma_semaphore, #tpu.memory_space<semaphore_mem>>)
      %dma_wait3A_81 = arith.constant 40 : i32
      %dma_wait3A_82 = arith.constant 0 : i32
      %dma_wait3A_83 = tpu.memref_slice %arg3[%add3A, %dma_wait3A_81, %dma_wait3A_82] : memref<32x80x128xi32, #tpu.memory_space<hbm>> -> memref<1x40x128xi32, #tpu.memory_space<hbm>>
      %dma_wait3A_84 = tpu.memref_squeeze %dma_wait3A_83 : memref<1x40x128xi32, #tpu.memory_space<hbm>> -> memref<40x128xi32, #tpu.memory_space<hbm>>
      %dma_wait3A_85 = arith.constant 40 : i32
      %dma_wait3A_86 = arith.constant 0 : i32
      %dma_wait3A_87 = tpu.memref_slice %arg3[%add3A, %dma_wait3A_85, %dma_wait3A_86] : memref<32x80x128xi32, #tpu.memory_space<hbm>> -> memref<1x40x128xi32, #tpu.memory_space<hbm>>
      %dma_wait3A_88 = tpu.memref_squeeze %dma_wait3A_87 : memref<1x40x128xi32, #tpu.memory_space<hbm>> -> memref<40x128xi32, #tpu.memory_space<hbm>>
      tpu.wait_dma2 semaphore(%run_scoped3A_72 : memref<!tpu.dma_semaphore, #tpu.memory_space<semaphore_mem>>) src(%dma_wait3A_88 : memref<40x128xi32, #tpu.memory_space<hbm>>) dst(%arg7 : memref<40x128xi32, #tpu.memory_space<vmem>>)
      tpu.yield
    }) : () -> ()
    "tpu.region"() ({
      %run_scoped3A_72 = tpu.sem_alloc : memref<!tpu.dma_semaphore, #tpu.memory_space<semaphore_mem>>
      %dma_start3A_73 = arith.constant 40 : i32
      %dma_start3A_74 = arith.constant 0 : i32
      %dma_start3A_75 = tpu.memref_slice %arg4[%add3A, %dma_start3A_73, %dma_start3A_74] : memref<32x80x128xi32, #tpu.memory_space<hbm>> -> memref<1x40x128xi32, #tpu.memory_space<hbm>>
      %dma_start3A_76 = tpu.memref_squeeze %dma_start3A_75 : memref<1x40x128xi32, #tpu.memory_space<hbm>> -> memref<40x128xi32, #tpu.memory_space<hbm>>
      %dma_start3A_77 = arith.constant 40 : i32
      %dma_start3A_78 = arith.constant 0 : i32
      %dma_start3A_79 = tpu.memref_slice %arg4[%add3A, %dma_start3A_77, %dma_start3A_78] : memref<32x80x128xi32, #tpu.memory_space<hbm>> -> memref<1x40x128xi32, #tpu.memory_space<hbm>>
      %dma_start3A_80 = tpu.memref_squeeze %dma_start3A_79 : memref<1x40x128xi32, #tpu.memory_space<hbm>> -> memref<40x128xi32, #tpu.memory_space<hbm>>
      tpu.enqueue_dma source(%dma_start3A_80 : memref<40x128xi32, #tpu.memory_space<hbm>>) target(%arg8 : memref<40x128xi32, #tpu.memory_space<vmem>>) target_semaphore(%run_scoped3A_72 : memref<!tpu.dma_semaphore, #tpu.memory_space<semaphore_mem>>)
      %dma_wait3A_81 = arith.constant 40 : i32
      %dma_wait3A_82 = arith.constant 0 : i32
      %dma_wait3A_83 = tpu.memref_slice %arg4[%add3A, %dma_wait3A_81, %dma_wait3A_82] : memref<32x80x128xi32, #tpu.memory_space<hbm>> -> memref<1x40x128xi32, #tpu.memory_space<hbm>>
      %dma_wait3A_84 = tpu.memref_squeeze %dma_wait3A_83 : memref<1x40x128xi32, #tpu.memory_space<hbm>> -> memref<40x128xi32, #tpu.memory_space<hbm>>
      %dma_wait3A_85 = arith.constant 40 : i32
      %dma_wait3A_86 = arith.constant 0 : i32
      %dma_wait3A_87 = tpu.memref_slice %arg4[%add3A, %dma_wait3A_85, %dma_wait3A_86] : memref<32x80x128xi32, #tpu.memory_space<hbm>> -> memref<1x40x128xi32, #tpu.memory_space<hbm>>
      %dma_wait3A_88 = tpu.memref_squeeze %dma_wait3A_87 : memref<1x40x128xi32, #tpu.memory_space<hbm>> -> memref<40x128xi32, #tpu.memory_space<hbm>>
      tpu.wait_dma2 semaphore(%run_scoped3A_72 : memref<!tpu.dma_semaphore, #tpu.memory_space<semaphore_mem>>) src(%dma_wait3A_88 : memref<40x128xi32, #tpu.memory_space<hbm>>) dst(%arg8 : memref<40x128xi32, #tpu.memory_space<vmem>>)
      tpu.yield
    }) : () -> ()
    %dma_start3A_35 = arith.constant 0 : i32
    %dma_start3A_36 = arith.constant 0 : i32
    %dma_start3A_37 = tpu.memref_slice %arg7[%dma_start3A_35, %dma_start3A_36] : memref<40x128xi32, #tpu.memory_space<vmem>> -> memref<1x128xi32, #tpu.memory_space<vmem>>
    %dma_start3A_38 = tpu.memref_squeeze %dma_start3A_37 : memref<1x128xi32, #tpu.memory_space<vmem>> -> memref<128xi32, #tpu.memory_space<vmem>>
    %dma_start3A_39 = arith.constant 0 : i32
    %dma_start3A_40 = arith.constant 0 : i32
    %dma_start3A_41 = tpu.memref_slice %arg2[%dma_start3A_39, %dma_start3A_40] : memref<10240x128xf32, #tpu.memory_space<hbm>> -> memref<10240x128xf32, #tpu.memory_space<hbm>>
    tpu.enqueue_indirect_dma source(%dma_start3A_41 : memref<10240x128xf32, #tpu.memory_space<hbm>>) target(%arg9 : memref<128x128xf32, #tpu.memory_space<vmem>>) offsets(%dma_start3A_38 : memref<128xi32, #tpu.memory_space<vmem>>) semaphore(%arg11 : memref<!tpu.dma_semaphore, #tpu.memory_space<semaphore_mem>>)
    %dma_start3A_42 = arith.constant 1 : i32
    %dma_start3A_43 = arith.constant 0 : i32
    %dma_start3A_44 = tpu.memref_slice %arg7[%dma_start3A_42, %dma_start3A_43] : memref<40x128xi32, #tpu.memory_space<vmem>> -> memref<1x128xi32, #tpu.memory_space<vmem>>
    %dma_start3A_45 = tpu.memref_squeeze %dma_start3A_44 : memref<1x128xi32, #tpu.memory_space<vmem>> -> memref<128xi32, #tpu.memory_space<vmem>>
    %dma_start3A_46 = arith.constant 0 : i32
    %dma_start3A_47 = arith.constant 0 : i32
    %dma_start3A_48 = tpu.memref_slice %arg2[%dma_start3A_46, %dma_start3A_47] : memref<10240x128xf32, #tpu.memory_space<hbm>> -> memref<10240x128xf32, #tpu.memory_space<hbm>>
    tpu.enqueue_indirect_dma source(%dma_start3A_48 : memref<10240x128xf32, #tpu.memory_space<hbm>>) target(%arg10 : memref<128x128xf32, #tpu.memory_space<vmem>>) offsets(%dma_start3A_45 : memref<128xi32, #tpu.memory_space<vmem>>) semaphore(%arg12 : memref<!tpu.dma_semaphore, #tpu.memory_space<semaphore_mem>>)
    %scan3A_49 = arith.constant 0 : i32
    %scan3A_50 = arith.constant 0 : i32
    %scan3A_51 = arith.constant 19 : i32
    %scan3A_52 = arith.addi %scan3A_50, %scan3A_51 : i32
    %scan3A_53 = arith.constant 1 : i32
    scf.for %scan3A_72 = %scan3A_50 to %scan3A_52 step %scan3A_53  : i32 {
      %mul3A_73 = arith.constant 2 : i32
      %mul3A_74 = arith.muli %scan3A_72, %mul3A_73 : i32
      %add3A_75 = arith.constant 0 : i32
      %add3A_76 = arith.addi %mul3A_74, %add3A_75 : i32
      %dma_wait3A_77 = arith.constant 0 : i32
      %dma_wait3A_78 = tpu.memref_slice %arg7[%add3A_76, %dma_wait3A_77] : memref<40x128xi32, #tpu.memory_space<vmem>> -> memref<1x128xi32, #tpu.memory_space<vmem>>
      %dma_wait3A_79 = tpu.memref_squeeze %dma_wait3A_78 : memref<1x128xi32, #tpu.memory_space<vmem>> -> memref<128xi32, #tpu.memory_space<vmem>>
      %dma_wait3A_80 = arith.constant 0 : i32
      %dma_wait3A_81 = arith.constant 0 : i32
      %dma_wait3A_82 = tpu.memref_slice %arg2[%dma_wait3A_80, %dma_wait3A_81] : memref<10240x128xf32, #tpu.memory_space<hbm>> -> memref<10240x128xf32, #tpu.memory_space<hbm>>
      tpu.wait_indirect_dma semaphore(%arg11 : memref<!tpu.dma_semaphore, #tpu.memory_space<semaphore_mem>>) src(%dma_wait3A_82 : memref<10240x128xf32, #tpu.memory_space<hbm>>) dst(%arg9 : memref<128x128xf32, #tpu.memory_space<vmem>>)
      %add3A_83 = arith.constant 0 : i32
      %add3A_84 = arith.addi %mul3A_74, %add3A_83 : i32
      "tpu.region"() ({
        %run_scoped3A_115 = tpu.sem_alloc : memref<!tpu.dma_semaphore, #tpu.memory_space<semaphore_mem>>
        %dma_start3A_116 = arith.constant 0 : i32
        %dma_start3A_117 = tpu.memref_slice %arg8[%add3A_84, %dma_start3A_116] : memref<40x128xi32, #tpu.memory_space<vmem>> -> memref<1x128xi32, #tpu.memory_space<vmem>>
        %dma_start3A_118 = tpu.memref_squeeze %dma_start3A_117 : memref<1x128xi32, #tpu.memory_space<vmem>> -> memref<128xi32, #tpu.memory_space<vmem>>
        %dma_start3A_119 = arith.constant 0 : i32
        %dma_start3A_120 = arith.constant 0 : i32
        %dma_start3A_121 = tpu.memref_slice %arg13[%dma_start3A_119, %dma_start3A_120] : memref<10240x128xf32, #tpu.memory_space<vmem_shared>> -> memref<10240x128xf32, #tpu.memory_space<vmem_shared>>
        tpu.enqueue_indirect_dma source(%arg9 : memref<128x128xf32, #tpu.memory_space<vmem>>) target(%dma_start3A_121 : memref<10240x128xf32, #tpu.memory_space<vmem_shared>>) offsets(%dma_start3A_118 : memref<128xi32, #tpu.memory_space<vmem>>) semaphore(%run_scoped3A_115 : memref<!tpu.dma_semaphore, #tpu.memory_space<semaphore_mem>>) {add = true}
        %dma_wait3A_122 = arith.constant 0 : i32
        %dma_wait3A_123 = tpu.memref_slice %arg8[%add3A_84, %dma_wait3A_122] : memref<40x128xi32, #tpu.memory_space<vmem>> -> memref<1x128xi32, #tpu.memory_space<vmem>>
        %dma_wait3A_124 = tpu.memref_squeeze %dma_wait3A_123 : memref<1x128xi32, #tpu.memory_space<vmem>> -> memref<128xi32, #tpu.memory_space<vmem>>
        %dma_wait3A_125 = arith.constant 0 : i32
        %dma_wait3A_126 = arith.constant 0 : i32
        %dma_wait3A_127 = tpu.memref_slice %arg13[%dma_wait3A_125, %dma_wait3A_126] : memref<10240x128xf32, #tpu.memory_space<vmem_shared>> -> memref<10240x128xf32, #tpu.memory_space<vmem_shared>>
        tpu.wait_indirect_dma semaphore(%run_scoped3A_115 : memref<!tpu.dma_semaphore, #tpu.memory_space<semaphore_mem>>) src(%arg9 : memref<128x128xf32, #tpu.memory_space<vmem>>) dst(%dma_wait3A_127 : memref<10240x128xf32, #tpu.memory_space<vmem_shared>>)
        tpu.yield
      }) : () -> ()
      %add3A_85 = arith.constant 0 : i32
      %add3A_86 = arith.addi %mul3A_74, %add3A_85 : i32
      %add3A_87 = arith.constant 2 : i32
      %add3A_88 = arith.addi %add3A_86, %add3A_87 : i32
      %dma_start3A_89 = arith.constant 0 : i32
      %dma_start3A_90 = tpu.memref_slice %arg7[%add3A_88, %dma_start3A_89] : memref<40x128xi32, #tpu.memory_space<vmem>> -> memref<1x128xi32, #tpu.memory_space<vmem>>
      %dma_start3A_91 = tpu.memref_squeeze %dma_start3A_90 : memref<1x128xi32, #tpu.memory_space<vmem>> -> memref<128xi32, #tpu.memory_space<vmem>>
      %dma_start3A_92 = arith.constant 0 : i32
      %dma_start3A_93 = arith.constant 0 : i32
      %dma_start3A_94 = tpu.memref_slice %arg2[%dma_start3A_92, %dma_start3A_93] : memref<10240x128xf32, #tpu.memory_space<hbm>> -> memref<10240x128xf32, #tpu.memory_space<hbm>>
      tpu.enqueue_indirect_dma source(%dma_start3A_94 : memref<10240x128xf32, #tpu.memory_space<hbm>>) target(%arg9 : memref<128x128xf32, #tpu.memory_space<vmem>>) offsets(%dma_start3A_91 : memref<128xi32, #tpu.memory_space<vmem>>) semaphore(%arg11 : memref<!tpu.dma_semaphore, #tpu.memory_space<semaphore_mem>>)
      %add3A_95 = arith.constant 1 : i32
      %add3A_96 = arith.addi %mul3A_74, %add3A_95 : i32
      %dma_wait3A_97 = arith.constant 0 : i32
      %dma_wait3A_98 = tpu.memref_slice %arg7[%add3A_96, %dma_wait3A_97] : memref<40x128xi32, #tpu.memory_space<vmem>> -> memref<1x128xi32, #tpu.memory_space<vmem>>
      %dma_wait3A_99 = tpu.memref_squeeze %dma_wait3A_98 : memref<1x128xi32, #tpu.memory_space<vmem>> -> memref<128xi32, #tpu.memory_space<vmem>>
      %dma_wait3A_100 = arith.constant 0 : i32
      %dma_wait3A_101 = arith.constant 0 : i32
      %dma_wait3A_102 = tpu.memref_slice %arg2[%dma_wait3A_100, %dma_wait3A_101] : memref<10240x128xf32, #tpu.memory_space<hbm>> -> memref<10240x128xf32, #tpu.memory_space<hbm>>
      tpu.wait_indirect_dma semaphore(%arg12 : memref<!tpu.dma_semaphore, #tpu.memory_space<semaphore_mem>>) src(%dma_wait3A_102 : memref<10240x128xf32, #tpu.memory_space<hbm>>) dst(%arg10 : memref<128x128xf32, #tpu.memory_space<vmem>>)
      %add3A_103 = arith.constant 1 : i32
      %add3A_104 = arith.addi %mul3A_74, %add3A_103 : i32
      "tpu.region"() ({
        %run_scoped3A_115 = tpu.sem_alloc : memref<!tpu.dma_semaphore, #tpu.memory_space<semaphore_mem>>
        %dma_start3A_116 = arith.constant 0 : i32
        %dma_start3A_117 = tpu.memref_slice %arg8[%add3A_104, %dma_start3A_116] : memref<40x128xi32, #tpu.memory_space<vmem>> -> memref<1x128xi32, #tpu.memory_space<vmem>>
        %dma_start3A_118 = tpu.memref_squeeze %dma_start3A_117 : memref<1x128xi32, #tpu.memory_space<vmem>> -> memref<128xi32, #tpu.memory_space<vmem>>
        %dma_start3A_119 = arith.constant 0 : i32
        %dma_start3A_120 = arith.constant 0 : i32
        %dma_start3A_121 = tpu.memref_slice %arg13[%dma_start3A_119, %dma_start3A_120] : memref<10240x128xf32, #tpu.memory_space<vmem_shared>> -> memref<10240x128xf32, #tpu.memory_space<vmem_shared>>
        tpu.enqueue_indirect_dma source(%arg10 : memref<128x128xf32, #tpu.memory_space<vmem>>) target(%dma_start3A_121 : memref<10240x128xf32, #tpu.memory_space<vmem_shared>>) offsets(%dma_start3A_118 : memref<128xi32, #tpu.memory_space<vmem>>) semaphore(%run_scoped3A_115 : memref<!tpu.dma_semaphore, #tpu.memory_space<semaphore_mem>>) {add = true}
        %dma_wait3A_122 = arith.constant 0 : i32
        %dma_wait3A_123 = tpu.memref_slice %arg8[%add3A_104, %dma_wait3A_122] : memref<40x128xi32, #tpu.memory_space<vmem>> -> memref<1x128xi32, #tpu.memory_space<vmem>>
        %dma_wait3A_124 = tpu.memref_squeeze %dma_wait3A_123 : memref<1x128xi32, #tpu.memory_space<vmem>> -> memref<128xi32, #tpu.memory_space<vmem>>
        %dma_wait3A_125 = arith.constant 0 : i32
        %dma_wait3A_126 = arith.constant 0 : i32
        %dma_wait3A_127 = tpu.memref_slice %arg13[%dma_wait3A_125, %dma_wait3A_126] : memref<10240x128xf32, #tpu.memory_space<vmem_shared>> -> memref<10240x128xf32, #tpu.memory_space<vmem_shared>>
        tpu.wait_indirect_dma semaphore(%run_scoped3A_115 : memref<!tpu.dma_semaphore, #tpu.memory_space<semaphore_mem>>) src(%arg10 : memref<128x128xf32, #tpu.memory_space<vmem>>) dst(%dma_wait3A_127 : memref<10240x128xf32, #tpu.memory_space<vmem_shared>>)
        tpu.yield
      }) : () -> ()
      %add3A_105 = arith.constant 1 : i32
      %add3A_106 = arith.addi %mul3A_74, %add3A_105 : i32
      %add3A_107 = arith.constant 2 : i32
      %add3A_108 = arith.addi %add3A_106, %add3A_107 : i32
      %dma_start3A_109 = arith.constant 0 : i32
      %dma_start3A_110 = tpu.memref_slice %arg7[%add3A_108, %dma_start3A_109] : memref<40x128xi32, #tpu.memory_space<vmem>> -> memref<1x128xi32, #tpu.memory_space<vmem>>
      %dma_start3A_111 = tpu.memref_squeeze %dma_start3A_110 : memref<1x128xi32, #tpu.memory_space<vmem>> -> memref<128xi32, #tpu.memory_space<vmem>>
      %dma_start3A_112 = arith.constant 0 : i32
      %dma_start3A_113 = arith.constant 0 : i32
      %dma_start3A_114 = tpu.memref_slice %arg2[%dma_start3A_112, %dma_start3A_113] : memref<10240x128xf32, #tpu.memory_space<hbm>> -> memref<10240x128xf32, #tpu.memory_space<hbm>>
      tpu.enqueue_indirect_dma source(%dma_start3A_114 : memref<10240x128xf32, #tpu.memory_space<hbm>>) target(%arg10 : memref<128x128xf32, #tpu.memory_space<vmem>>) offsets(%dma_start3A_111 : memref<128xi32, #tpu.memory_space<vmem>>) semaphore(%arg12 : memref<!tpu.dma_semaphore, #tpu.memory_space<semaphore_mem>>)
    }
    %scan3A_54 = arith.constant 19 : i32
    %dma_wait3A_55 = arith.constant 38 : i32
    %dma_wait3A_56 = arith.constant 0 : i32
    %dma_wait3A_57 = tpu.memref_slice %arg7[%dma_wait3A_55, %dma_wait3A_56] : memref<40x128xi32, #tpu.memory_space<vmem>> -> memref<1x128xi32, #tpu.memory_space<vmem>>
    %dma_wait3A_58 = tpu.memref_squeeze %dma_wait3A_57 : memref<1x128xi32, #tpu.memory_space<vmem>> -> memref<128xi32, #tpu.memory_space<vmem>>
    %dma_wait3A_59 = arith.constant 0 : i32
    %dma_wait3A_60 = arith.constant 0 : i32
    %dma_wait3A_61 = tpu.memref_slice %arg2[%dma_wait3A_59, %dma_wait3A_60] : memref<10240x128xf32, #tpu.memory_space<hbm>> -> memref<10240x128xf32, #tpu.memory_space<hbm>>
    tpu.wait_indirect_dma semaphore(%arg11 : memref<!tpu.dma_semaphore, #tpu.memory_space<semaphore_mem>>) src(%dma_wait3A_61 : memref<10240x128xf32, #tpu.memory_space<hbm>>) dst(%arg9 : memref<128x128xf32, #tpu.memory_space<vmem>>)
    %run_scoped3A_62 = arith.constant 38 : i32
    "tpu.region"() ({
      %run_scoped3A_72 = tpu.sem_alloc : memref<!tpu.dma_semaphore, #tpu.memory_space<semaphore_mem>>
      %dma_start3A_73 = arith.constant 0 : i32
      %dma_start3A_74 = tpu.memref_slice %arg8[%run_scoped3A_62, %dma_start3A_73] : memref<40x128xi32, #tpu.memory_space<vmem>> -> memref<1x128xi32, #tpu.memory_space<vmem>>
      %dma_start3A_75 = tpu.memref_squeeze %dma_start3A_74 : memref<1x128xi32, #tpu.memory_space<vmem>> -> memref<128xi32, #tpu.memory_space<vmem>>
      %dma_start3A_76 = arith.constant 0 : i32
      %dma_start3A_77 = arith.constant 0 : i32
      %dma_start3A_78 = tpu.memref_slice %arg13[%dma_start3A_76, %dma_start3A_77] : memref<10240x128xf32, #tpu.memory_space<vmem_shared>> -> memref<10240x128xf32, #tpu.memory_space<vmem_shared>>
      tpu.enqueue_indirect_dma source(%arg9 : memref<128x128xf32, #tpu.memory_space<vmem>>) target(%dma_start3A_78 : memref<10240x128xf32, #tpu.memory_space<vmem_shared>>) offsets(%dma_start3A_75 : memref<128xi32, #tpu.memory_space<vmem>>) semaphore(%run_scoped3A_72 : memref<!tpu.dma_semaphore, #tpu.memory_space<semaphore_mem>>) {add = true}
      %dma_wait3A_79 = arith.constant 0 : i32
      %dma_wait3A_80 = tpu.memref_slice %arg8[%run_scoped3A_62, %dma_wait3A_79] : memref<40x128xi32, #tpu.memory_space<vmem>> -> memref<1x128xi32, #tpu.memory_space<vmem>>
      %dma_wait3A_81 = tpu.memref_squeeze %dma_wait3A_80 : memref<1x128xi32, #tpu.memory_space<vmem>> -> memref<128xi32, #tpu.memory_space<vmem>>
      %dma_wait3A_82 = arith.constant 0 : i32
      %dma_wait3A_83 = arith.constant 0 : i32
      %dma_wait3A_84 = tpu.memref_slice %arg13[%dma_wait3A_82, %dma_wait3A_83] : memref<10240x128xf32, #tpu.memory_space<vmem_shared>> -> memref<10240x128xf32, #tpu.memory_space<vmem_shared>>
      tpu.wait_indirect_dma semaphore(%run_scoped3A_72 : memref<!tpu.dma_semaphore, #tpu.memory_space<semaphore_mem>>) src(%arg9 : memref<128x128xf32, #tpu.memory_space<vmem>>) dst(%dma_wait3A_84 : memref<10240x128xf32, #tpu.memory_space<vmem_shared>>)
      tpu.yield
    }) : () -> ()
    %dma_wait3A_63 = arith.constant 39 : i32
    %dma_wait3A_64 = arith.constant 0 : i32
    %dma_wait3A_65 = tpu.memref_slice %arg7[%dma_wait3A_63, %dma_wait3A_64] : memref<40x128xi32, #tpu.memory_space<vmem>> -> memref<1x128xi32, #tpu.memory_space<vmem>>
    %dma_wait3A_66 = tpu.memref_squeeze %dma_wait3A_65 : memref<1x128xi32, #tpu.memory_space<vmem>> -> memref<128xi32, #tpu.memory_space<vmem>>
    %dma_wait3A_67 = arith.constant 0 : i32
    %dma_wait3A_68 = arith.constant 0 : i32
    %dma_wait3A_69 = tpu.memref_slice %arg2[%dma_wait3A_67, %dma_wait3A_68] : memref<10240x128xf32, #tpu.memory_space<hbm>> -> memref<10240x128xf32, #tpu.memory_space<hbm>>
    tpu.wait_indirect_dma semaphore(%arg12 : memref<!tpu.dma_semaphore, #tpu.memory_space<semaphore_mem>>) src(%dma_wait3A_69 : memref<10240x128xf32, #tpu.memory_space<hbm>>) dst(%arg10 : memref<128x128xf32, #tpu.memory_space<vmem>>)
    %run_scoped3A_70 = arith.constant 39 : i32
    "tpu.region"() ({
      %run_scoped3A_72 = tpu.sem_alloc : memref<!tpu.dma_semaphore, #tpu.memory_space<semaphore_mem>>
      %dma_start3A_73 = arith.constant 0 : i32
      %dma_start3A_74 = tpu.memref_slice %arg8[%run_scoped3A_70, %dma_start3A_73] : memref<40x128xi32, #tpu.memory_space<vmem>> -> memref<1x128xi32, #tpu.memory_space<vmem>>
      %dma_start3A_75 = tpu.memref_squeeze %dma_start3A_74 : memref<1x128xi32, #tpu.memory_space<vmem>> -> memref<128xi32, #tpu.memory_space<vmem>>
      %dma_start3A_76 = arith.constant 0 : i32
      %dma_start3A_77 = arith.constant 0 : i32
      %dma_start3A_78 = tpu.memref_slice %arg13[%dma_start3A_76, %dma_start3A_77] : memref<10240x128xf32, #tpu.memory_space<vmem_shared>> -> memref<10240x128xf32, #tpu.memory_space<vmem_shared>>
      tpu.enqueue_indirect_dma source(%arg10 : memref<128x128xf32, #tpu.memory_space<vmem>>) target(%dma_start3A_78 : memref<10240x128xf32, #tpu.memory_space<vmem_shared>>) offsets(%dma_start3A_75 : memref<128xi32, #tpu.memory_space<vmem>>) semaphore(%run_scoped3A_72 : memref<!tpu.dma_semaphore, #tpu.memory_space<semaphore_mem>>) {add = true}
      %dma_wait3A_79 = arith.constant 0 : i32
      %dma_wait3A_80 = tpu.memref_slice %arg8[%run_scoped3A_70, %dma_wait3A_79] : memref<40x128xi32, #tpu.memory_space<vmem>> -> memref<1x128xi32, #tpu.memory_space<vmem>>
      %dma_wait3A_81 = tpu.memref_squeeze %dma_wait3A_80 : memref<1x128xi32, #tpu.memory_space<vmem>> -> memref<128xi32, #tpu.memory_space<vmem>>
      %dma_wait3A_82 = arith.constant 0 : i32
      %dma_wait3A_83 = arith.constant 0 : i32
      %dma_wait3A_84 = tpu.memref_slice %arg13[%dma_wait3A_82, %dma_wait3A_83] : memref<10240x128xf32, #tpu.memory_space<vmem_shared>> -> memref<10240x128xf32, #tpu.memory_space<vmem_shared>>
      tpu.wait_indirect_dma semaphore(%run_scoped3A_72 : memref<!tpu.dma_semaphore, #tpu.memory_space<semaphore_mem>>) src(%arg10 : memref<128x128xf32, #tpu.memory_space<vmem>>) dst(%dma_wait3A_84 : memref<10240x128xf32, #tpu.memory_space<vmem_shared>>)
      tpu.yield
    }) : () -> ()
    %barrier3A_71 = arith.constant 0 : index
    tpu.barrier barrier_id(%barrier3A_71)
    "tpu.region"() ({
      %run_scoped3A_72 = tpu.sem_alloc : memref<!tpu.dma_semaphore, #tpu.memory_space<semaphore_mem>>
      %dma_start3A_73 = arith.constant 0 : i32
      %dma_start3A_74 = tpu.memref_slice %arg6[%arg0, %mul3A_2, %dma_start3A_73] : memref<2x10240x128xf32, #tpu.memory_space<hbm>> -> memref<1x640x128xf32, #tpu.memory_space<hbm>>
      %dma_start3A_75 = tpu.memref_squeeze %dma_start3A_74 : memref<1x640x128xf32, #tpu.memory_space<hbm>> -> memref<640x128xf32, #tpu.memory_space<hbm>>
      %dma_start3A_76 = arith.constant 0 : i32
      %dma_start3A_77 = tpu.memref_slice %arg13[%mul3A_2, %dma_start3A_76] : memref<10240x128xf32, #tpu.memory_space<vmem_shared>> -> memref<640x128xf32, #tpu.memory_space<vmem_shared>>
      tpu.enqueue_dma source(%dma_start3A_77 : memref<640x128xf32, #tpu.memory_space<vmem_shared>>) target(%dma_start3A_75 : memref<640x128xf32, #tpu.memory_space<hbm>>) target_semaphore(%run_scoped3A_72 : memref<!tpu.dma_semaphore, #tpu.memory_space<semaphore_mem>>)
      %dma_wait3A_78 = arith.constant 0 : i32
      %dma_wait3A_79 = tpu.memref_slice %arg6[%arg0, %mul3A_2, %dma_wait3A_78] : memref<2x10240x128xf32, #tpu.memory_space<hbm>> -> memref<1x640x128xf32, #tpu.memory_space<hbm>>
      %dma_wait3A_80 = tpu.memref_squeeze %dma_wait3A_79 : memref<1x640x128xf32, #tpu.memory_space<hbm>> -> memref<640x128xf32, #tpu.memory_space<hbm>>
      %dma_wait3A_81 = arith.constant 0 : i32
      %dma_wait3A_82 = tpu.memref_slice %arg13[%mul3A_2, %dma_wait3A_81] : memref<10240x128xf32, #tpu.memory_space<vmem_shared>> -> memref<640x128xf32, #tpu.memory_space<vmem_shared>>
      tpu.wait_dma2 semaphore(%run_scoped3A_72 : memref<!tpu.dma_semaphore, #tpu.memory_space<semaphore_mem>>) src(%dma_wait3A_82 : memref<640x128xf32, #tpu.memory_space<vmem_shared>>) dst(%dma_wait3A_80 : memref<640x128xf32, #tpu.memory_space<hbm>>)
      tpu.yield
    }) : () -> ()
    return
  }
}

#map = affine_map<(d0, d1) -> (0, 0, 0)>
#map1 = affine_map<(d0, d1) -> (0, 0)>
module attributes {stable_mosaic.version = 14 : i64} {
  func.func @_sc_degree_body(%arg0: i32, %arg1: i32, %arg2: memref<32x80x128xi32, #tpu.memory_space<hbm>>, %arg3: memref<10240x128xf32, #tpu.memory_space<hbm>>, %arg4: memref<128x128xf32, #tpu.memory_space<hbm>>, %arg5: memref<2x10240x128xf32, #tpu.memory_space<hbm>>, %arg6: memref<80x128xi32, #tpu.memory_space<vmem>>, %arg7: memref<128x128xf32, #tpu.memory_space<vmem>>, %arg8: memref<10240x128xf32, #tpu.memory_space<vmem_shared>>) attributes {dimension_semantics = [#tpu.dimension_semantics<core_parallel>, #tpu.dimension_semantics<subcore_parallel>], iteration_bounds = array<i64: 2, 16>, scalar_prefetch = 0 : i64, scratch_operands = 3 : i64, tpu.core_type = #tpu.core_type<sc_vector_subcore>, window_params = [{transform_indices = #map}, {transform_indices = #map1}, {transform_indices = #map1}, {transform_indices = #map}]} {
    %mul3A = arith.constant 16 : i32
    %mul3A_0 = arith.muli %arg0, %mul3A : i32
    %add3A = arith.addi %mul3A_0, %arg1 : i32
    "tpu.region"() ({
      %run_scoped3A = tpu.sem_alloc : memref<!tpu.dma_semaphore, #tpu.memory_space<semaphore_mem>>
      %dma_start3A = arith.constant 0 : i32
      %dma_start3A_9 = arith.constant 0 : i32
      %dma_start3A_10 = tpu.memref_slice %arg2[%add3A, %dma_start3A, %dma_start3A_9] : memref<32x80x128xi32, #tpu.memory_space<hbm>> -> memref<1x80x128xi32, #tpu.memory_space<hbm>>
      %dma_start3A_11 = tpu.memref_squeeze %dma_start3A_10 : memref<1x80x128xi32, #tpu.memory_space<hbm>> -> memref<80x128xi32, #tpu.memory_space<hbm>>
      %dma_start3A_12 = arith.constant 0 : i32
      %dma_start3A_13 = arith.constant 0 : i32
      %dma_start3A_14 = tpu.memref_slice %arg2[%add3A, %dma_start3A_12, %dma_start3A_13] : memref<32x80x128xi32, #tpu.memory_space<hbm>> -> memref<1x80x128xi32, #tpu.memory_space<hbm>>
      %dma_start3A_15 = tpu.memref_squeeze %dma_start3A_14 : memref<1x80x128xi32, #tpu.memory_space<hbm>> -> memref<80x128xi32, #tpu.memory_space<hbm>>
      tpu.enqueue_dma source(%dma_start3A_15 : memref<80x128xi32, #tpu.memory_space<hbm>>) target(%arg6 : memref<80x128xi32, #tpu.memory_space<vmem>>) target_semaphore(%run_scoped3A : memref<!tpu.dma_semaphore, #tpu.memory_space<semaphore_mem>>)
      %dma_wait3A = arith.constant 0 : i32
      %dma_wait3A_16 = arith.constant 0 : i32
      %dma_wait3A_17 = tpu.memref_slice %arg2[%add3A, %dma_wait3A, %dma_wait3A_16] : memref<32x80x128xi32, #tpu.memory_space<hbm>> -> memref<1x80x128xi32, #tpu.memory_space<hbm>>
      %dma_wait3A_18 = tpu.memref_squeeze %dma_wait3A_17 : memref<1x80x128xi32, #tpu.memory_space<hbm>> -> memref<80x128xi32, #tpu.memory_space<hbm>>
      %dma_wait3A_19 = arith.constant 0 : i32
      %dma_wait3A_20 = arith.constant 0 : i32
      %dma_wait3A_21 = tpu.memref_slice %arg2[%add3A, %dma_wait3A_19, %dma_wait3A_20] : memref<32x80x128xi32, #tpu.memory_space<hbm>> -> memref<1x80x128xi32, #tpu.memory_space<hbm>>
      %dma_wait3A_22 = tpu.memref_squeeze %dma_wait3A_21 : memref<1x80x128xi32, #tpu.memory_space<hbm>> -> memref<80x128xi32, #tpu.memory_space<hbm>>
      tpu.wait_dma2 semaphore(%run_scoped3A : memref<!tpu.dma_semaphore, #tpu.memory_space<semaphore_mem>>) src(%dma_wait3A_22 : memref<80x128xi32, #tpu.memory_space<hbm>>) dst(%arg6 : memref<80x128xi32, #tpu.memory_space<vmem>>)
      tpu.yield
    }) : () -> ()
    "tpu.region"() ({
      %run_scoped3A = tpu.sem_alloc : memref<!tpu.dma_semaphore, #tpu.memory_space<semaphore_mem>>
      tpu.enqueue_dma source(%arg4 : memref<128x128xf32, #tpu.memory_space<hbm>>) target(%arg7 : memref<128x128xf32, #tpu.memory_space<vmem>>) target_semaphore(%run_scoped3A : memref<!tpu.dma_semaphore, #tpu.memory_space<semaphore_mem>>)
      tpu.wait_dma2 semaphore(%run_scoped3A : memref<!tpu.dma_semaphore, #tpu.memory_space<semaphore_mem>>) src(%arg4 : memref<128x128xf32, #tpu.memory_space<hbm>>) dst(%arg7 : memref<128x128xf32, #tpu.memory_space<vmem>>)
      tpu.yield
    }) : () -> ()
    %mul3A_1 = arith.constant 640 : i32
    %mul3A_2 = arith.muli %arg1, %mul3A_1 : i32
    "tpu.region"() ({
      %run_scoped3A = tpu.sem_alloc : memref<!tpu.dma_semaphore, #tpu.memory_space<semaphore_mem>>
      %dma_start3A = arith.constant 0 : i32
      %dma_start3A_9 = tpu.memref_slice %arg8[%mul3A_2, %dma_start3A] : memref<10240x128xf32, #tpu.memory_space<vmem_shared>> -> memref<640x128xf32, #tpu.memory_space<vmem_shared>>
      %dma_start3A_10 = arith.constant 0 : i32
      %dma_start3A_11 = tpu.memref_slice %arg3[%mul3A_2, %dma_start3A_10] : memref<10240x128xf32, #tpu.memory_space<hbm>> -> memref<640x128xf32, #tpu.memory_space<hbm>>
      tpu.enqueue_dma source(%dma_start3A_11 : memref<640x128xf32, #tpu.memory_space<hbm>>) target(%dma_start3A_9 : memref<640x128xf32, #tpu.memory_space<vmem_shared>>) target_semaphore(%run_scoped3A : memref<!tpu.dma_semaphore, #tpu.memory_space<semaphore_mem>>)
      %dma_wait3A = arith.constant 0 : i32
      %dma_wait3A_12 = tpu.memref_slice %arg8[%mul3A_2, %dma_wait3A] : memref<10240x128xf32, #tpu.memory_space<vmem_shared>> -> memref<640x128xf32, #tpu.memory_space<vmem_shared>>
      %dma_wait3A_13 = arith.constant 0 : i32
      %dma_wait3A_14 = tpu.memref_slice %arg3[%mul3A_2, %dma_wait3A_13] : memref<10240x128xf32, #tpu.memory_space<hbm>> -> memref<640x128xf32, #tpu.memory_space<hbm>>
      tpu.wait_dma2 semaphore(%run_scoped3A : memref<!tpu.dma_semaphore, #tpu.memory_space<semaphore_mem>>) src(%dma_wait3A_14 : memref<640x128xf32, #tpu.memory_space<hbm>>) dst(%dma_wait3A_12 : memref<640x128xf32, #tpu.memory_space<vmem_shared>>)
      tpu.yield
    }) : () -> ()
    %barrier3A = arith.constant 0 : index
    tpu.barrier barrier_id(%barrier3A)
    %scan3A = arith.constant 0 : i32
    %scan3A_3 = arith.constant 0 : i32
    %scan3A_4 = arith.constant 80 : i32
    %scan3A_5 = arith.addi %scan3A_3, %scan3A_4 : i32
    %scan3A_6 = arith.constant 1 : i32
    scf.for %scan3A_9 = %scan3A_3 to %scan3A_5 step %scan3A_6  : i32 {
      "tpu.region"() ({
        %run_scoped3A = tpu.sem_alloc : memref<!tpu.dma_semaphore, #tpu.memory_space<semaphore_mem>>
        %dma_start3A = arith.constant 0 : i32
        %dma_start3A_10 = tpu.memref_slice %arg6[%scan3A_9, %dma_start3A] : memref<80x128xi32, #tpu.memory_space<vmem>> -> memref<1x128xi32, #tpu.memory_space<vmem>>
        %dma_start3A_11 = tpu.memref_squeeze %dma_start3A_10 : memref<1x128xi32, #tpu.memory_space<vmem>> -> memref<128xi32, #tpu.memory_space<vmem>>
        %dma_start3A_12 = arith.constant 0 : i32
        %dma_start3A_13 = arith.constant 0 : i32
        %dma_start3A_14 = tpu.memref_slice %arg8[%dma_start3A_12, %dma_start3A_13] : memref<10240x128xf32, #tpu.memory_space<vmem_shared>> -> memref<10240x128xf32, #tpu.memory_space<vmem_shared>>
        tpu.enqueue_indirect_dma source(%arg7 : memref<128x128xf32, #tpu.memory_space<vmem>>) target(%dma_start3A_14 : memref<10240x128xf32, #tpu.memory_space<vmem_shared>>) offsets(%dma_start3A_11 : memref<128xi32, #tpu.memory_space<vmem>>) semaphore(%run_scoped3A : memref<!tpu.dma_semaphore, #tpu.memory_space<semaphore_mem>>) {add = true}
        %dma_wait3A = arith.constant 0 : i32
        %dma_wait3A_15 = tpu.memref_slice %arg6[%scan3A_9, %dma_wait3A] : memref<80x128xi32, #tpu.memory_space<vmem>> -> memref<1x128xi32, #tpu.memory_space<vmem>>
        %dma_wait3A_16 = tpu.memref_squeeze %dma_wait3A_15 : memref<1x128xi32, #tpu.memory_space<vmem>> -> memref<128xi32, #tpu.memory_space<vmem>>
        %dma_wait3A_17 = arith.constant 0 : i32
        %dma_wait3A_18 = arith.constant 0 : i32
        %dma_wait3A_19 = tpu.memref_slice %arg8[%dma_wait3A_17, %dma_wait3A_18] : memref<10240x128xf32, #tpu.memory_space<vmem_shared>> -> memref<10240x128xf32, #tpu.memory_space<vmem_shared>>
        tpu.wait_indirect_dma semaphore(%run_scoped3A : memref<!tpu.dma_semaphore, #tpu.memory_space<semaphore_mem>>) src(%arg7 : memref<128x128xf32, #tpu.memory_space<vmem>>) dst(%dma_wait3A_19 : memref<10240x128xf32, #tpu.memory_space<vmem_shared>>)
        tpu.yield
      }) : () -> ()
    }
    %scan3A_7 = arith.constant 80 : i32
    %barrier3A_8 = arith.constant 0 : index
    tpu.barrier barrier_id(%barrier3A_8)
    "tpu.region"() ({
      %run_scoped3A = tpu.sem_alloc : memref<!tpu.dma_semaphore, #tpu.memory_space<semaphore_mem>>
      %dma_start3A = arith.constant 0 : i32
      %dma_start3A_9 = tpu.memref_slice %arg5[%arg0, %mul3A_2, %dma_start3A] : memref<2x10240x128xf32, #tpu.memory_space<hbm>> -> memref<1x640x128xf32, #tpu.memory_space<hbm>>
      %dma_start3A_10 = tpu.memref_squeeze %dma_start3A_9 : memref<1x640x128xf32, #tpu.memory_space<hbm>> -> memref<640x128xf32, #tpu.memory_space<hbm>>
      %dma_start3A_11 = arith.constant 0 : i32
      %dma_start3A_12 = tpu.memref_slice %arg8[%mul3A_2, %dma_start3A_11] : memref<10240x128xf32, #tpu.memory_space<vmem_shared>> -> memref<640x128xf32, #tpu.memory_space<vmem_shared>>
      tpu.enqueue_dma source(%dma_start3A_12 : memref<640x128xf32, #tpu.memory_space<vmem_shared>>) target(%dma_start3A_10 : memref<640x128xf32, #tpu.memory_space<hbm>>) target_semaphore(%run_scoped3A : memref<!tpu.dma_semaphore, #tpu.memory_space<semaphore_mem>>)
      %dma_wait3A = arith.constant 0 : i32
      %dma_wait3A_13 = tpu.memref_slice %arg5[%arg0, %mul3A_2, %dma_wait3A] : memref<2x10240x128xf32, #tpu.memory_space<hbm>> -> memref<1x640x128xf32, #tpu.memory_space<hbm>>
      %dma_wait3A_14 = tpu.memref_squeeze %dma_wait3A_13 : memref<1x640x128xf32, #tpu.memory_space<hbm>> -> memref<640x128xf32, #tpu.memory_space<hbm>>
      %dma_wait3A_15 = arith.constant 0 : i32
      %dma_wait3A_16 = tpu.memref_slice %arg8[%mul3A_2, %dma_wait3A_15] : memref<10240x128xf32, #tpu.memory_space<vmem_shared>> -> memref<640x128xf32, #tpu.memory_space<vmem_shared>>
      tpu.wait_dma2 semaphore(%run_scoped3A : memref<!tpu.dma_semaphore, #tpu.memory_space<semaphore_mem>>) src(%dma_wait3A_16 : memref<640x128xf32, #tpu.memory_space<vmem_shared>>) dst(%dma_wait3A_14 : memref<640x128xf32, #tpu.memory_space<hbm>>)
      tpu.yield
    }) : () -> ()
    return
  }
}

module attributes {stable_mosaic.version = 14 : i64} {
  func.func @_tc_project_body(%arg0: i32, %arg1: memref<1024x128xf32, #tpu.memory_space<vmem>>, %arg2: memref<128x128xf32, #tpu.memory_space<vmem>>, %arg3: memref<128x128xf32, #tpu.memory_space<vmem>>, %arg4: memref<1024x128xf32, #tpu.memory_space<vmem>>, %arg5: memref<1024x128xf32, #tpu.memory_space<vmem>>) attributes {dimension_semantics = [#tpu.dimension_semantics<arbitrary>], iteration_bounds = array<i64: 10>, scalar_prefetch = 0 : i64, scratch_operands = 0 : i64, tpu.core_type = #tpu.core_type<tc>, window_params = [{transform_indices = @transform_0, window_bounds = array<i64: 1024, 128>}, {pipeline_mode = #tpu.pipeline_mode<synchronous>, transform_indices = @transform_1, window_bounds = array<i64: 128, 128>}, {pipeline_mode = #tpu.pipeline_mode<synchronous>, transform_indices = @transform_2, window_bounds = array<i64: 128, 128>}, {transform_indices = @transform_3, window_bounds = array<i64: 1024, 128>}, {transform_indices = @transform_4, window_bounds = array<i64: 1024, 128>}]} {
    %get3A = arith.constant 0 : index
    %get3A_0 = arith.constant 0 : index
    %get3A_1 = vector.load %arg1[%get3A, %get3A_0] : memref<1024x128xf32, #tpu.memory_space<vmem>>, vector<1024x128xf32>
    %get3A_2 = arith.constant 0 : index
    %get3A_3 = arith.constant 0 : index
    %get3A_4 = vector.load %arg2[%get3A_2, %get3A_3] : memref<128x128xf32, #tpu.memory_space<vmem>>, vector<128x128xf32>
    %dot_general3A = arith.constant dense<0.000000e+00> : vector<1024x128xf32>
    %dot_general3A_5 = tpu.matmul %get3A_1, %get3A_4, %dot_general3A {dimension_numbers = #tpu.dot_dimension_numbers<[1], [0], [0], [1], [0, 0, 1, 1], [], []>, transpose_lhs_hint = false} : vector<1024x128xf32>, vector<128x128xf32>, vector<1024x128xf32> -> vector<1024x128xf32>
    %swap3A = arith.constant 0 : index
    %swap3A_6 = arith.constant 0 : index
    %swap3A_7 = vector.load %arg4[%swap3A, %swap3A_6] : memref<1024x128xf32, #tpu.memory_space<vmem>>, vector<1024x128xf32>
    tpu.vector_store %arg4[%swap3A, %swap3A_6], %dot_general3A_5 {strides = array<i32>} : memref<1024x128xf32, #tpu.memory_space<vmem>>, vector<1024x128xf32>,
    %get3A_8 = arith.constant 0 : index
    %get3A_9 = arith.constant 0 : index
    %get3A_10 = vector.load %arg3[%get3A_8, %get3A_9] : memref<128x128xf32, #tpu.memory_space<vmem>>, vector<128x128xf32>
    %dot_general3A_11 = arith.constant dense<0.000000e+00> : vector<1024x128xf32>
    %dot_general3A_12 = tpu.matmul %get3A_1, %get3A_10, %dot_general3A_11 {dimension_numbers = #tpu.dot_dimension_numbers<[1], [0], [0], [1], [0, 0, 1, 1], [], []>, transpose_lhs_hint = false} : vector<1024x128xf32>, vector<128x128xf32>, vector<1024x128xf32> -> vector<1024x128xf32>
    %swap3A_13 = arith.constant 0 : index
    %swap3A_14 = arith.constant 0 : index
    %swap3A_15 = vector.load %arg5[%swap3A_13, %swap3A_14] : memref<1024x128xf32, #tpu.memory_space<vmem>>, vector<1024x128xf32>
    tpu.vector_store %arg5[%swap3A_13, %swap3A_14], %dot_general3A_12 {strides = array<i32>} : memref<1024x128xf32, #tpu.memory_space<vmem>>, vector<1024x128xf32>,
    return
  }
  func.func @transform_0(%arg0: i32) -> (i32, i32) {
    %c0_i32 = arith.constant 0 : i32
    %c0_i32_0 = arith.constant 0 : i32
    return %arg0, %c0_i32 : i32, i32
  }
  func.func @transform_1(%arg0: i32) -> (i32, i32) {
    %c0_i32 = arith.constant 0 : i32
    %c0_i32_0 = arith.constant 0 : i32
    %c0_i32_1 = arith.constant 0 : i32
    return %c0_i32, %c0_i32_0 : i32, i32
  }
  func.func @transform_2(%arg0: i32) -> (i32, i32) {
    %c0_i32 = arith.constant 0 : i32
    %c0_i32_0 = arith.constant 0 : i32
    %c0_i32_1 = arith.constant 0 : i32
    return %c0_i32, %c0_i32_0 : i32, i32
  }
  func.func @transform_3(%arg0: i32) -> (i32, i32) {
    %c0_i32 = arith.constant 0 : i32
    %c0_i32_0 = arith.constant 0 : i32
    return %arg0, %c0_i32 : i32, i32
  }
  func.func @transform_4(%arg0: i32) -> (i32, i32) {
    %c0_i32 = arith.constant 0 : i32
    %c0_i32_0 = arith.constant 0 : i32
    return %arg0, %c0_i32 : i32, i32
  }
}

module attributes {stable_mosaic.version = 14 : i64} {
  func.func @_tc_finish_body(%arg0: i32, %arg1: memref<1024x128xf32, #tpu.memory_space<vmem>>, %arg2: memref<1024x128xf32, #tpu.memory_space<vmem>>, %arg3: memref<1024x128xf32, #tpu.memory_space<vmem>>, %arg4: memref<1024x128xf32, #tpu.memory_space<vmem>>, %arg5: memref<1024x128xf32, #tpu.memory_space<vmem>>, %arg6: memref<1x128xf32, #tpu.memory_space<vmem>>, %arg7: memref<1x128xf32, #tpu.memory_space<vmem>>, %arg8: memref<128x128xf32, #tpu.memory_space<vmem>>, %arg9: memref<128x128xf32, #tpu.memory_space<vmem>>, %arg10: memref<1024x128xf32, #tpu.memory_space<vmem>>, %arg11: memref<1024x128xf32, #tpu.memory_space<vmem>>, %arg12: memref<1024x128xf32, #tpu.memory_space<vmem>>) attributes {dimension_semantics = [#tpu.dimension_semantics<arbitrary>], iteration_bounds = array<i64: 10>, scalar_prefetch = 0 : i64, scratch_operands = 0 : i64, tpu.core_type = #tpu.core_type<tc>, window_params = [{transform_indices = @transform_0, window_bounds = array<i64: 1024, 128>}, {transform_indices = @transform_1, window_bounds = array<i64: 1024, 128>}, {transform_indices = @transform_2, window_bounds = array<i64: 1024, 128>}, {transform_indices = @transform_3, window_bounds = array<i64: 1024, 128>}, {transform_indices = @transform_4, window_bounds = array<i64: 1024, 128>}, {pipeline_mode = #tpu.pipeline_mode<synchronous>, transform_indices = @transform_5, window_bounds = array<i64: 1, 128>}, {pipeline_mode = #tpu.pipeline_mode<synchronous>, transform_indices = @transform_6, window_bounds = array<i64: 1, 128>}, {pipeline_mode = #tpu.pipeline_mode<synchronous>, transform_indices = @transform_7, window_bounds = array<i64: 128, 128>}, {pipeline_mode = #tpu.pipeline_mode<synchronous>, transform_indices = @transform_8, window_bounds = array<i64: 128, 128>}, {transform_indices = @transform_9, window_bounds = array<i64: 1024, 128>}, {transform_indices = @transform_10, window_bounds = array<i64: 1024, 128>}, {transform_indices = @transform_11, window_bounds = array<i64: 1024, 128>}]} {
    %get3A = arith.constant 0 : index
    %get3A_0 = arith.constant 0 : index
    %get3A_1 = vector.load %arg3[%get3A, %get3A_0] : memref<1024x128xf32, #tpu.memory_space<vmem>>, vector<1024x128xf32>
    %get3A_2 = arith.constant 0 : index
    %get3A_3 = arith.constant 0 : index
    %get3A_4 = vector.load %arg4[%get3A_2, %get3A_3] : memref<1024x128xf32, #tpu.memory_space<vmem>>, vector<1024x128xf32>
    %add3A = arith.addf %get3A_1, %get3A_4 : vector<1024x128xf32>
    %slice3A = vector.extract_strided_slice %add3A {offsets = [0, 0], sizes = [1024, 1], strides = [1, 1]} : vector<1024x128xf32> to vector<1024x1xf32>
    %max3A = arith.constant 1.000000e+00 : f32
    %max3A_5 = vector.broadcast %max3A : f32 to vector<1024x1xf32>
    %max3A_6 = arith.maximumf %slice3A, %max3A_5 : vector<1024x1xf32>
    %div3A = arith.constant 1.000000e+00 : f32
    %div3A_7 = vector.broadcast %div3A : f32 to vector<1024x1xf32>
    %div3A_8 = arith.divf %div3A_7, %max3A_6 : vector<1024x1xf32>
    %get3A_9 = arith.constant 0 : index
    %get3A_10 = arith.constant 0 : index
    %get3A_11 = vector.load %arg1[%get3A_9, %get3A_10] : memref<1024x128xf32, #tpu.memory_space<vmem>>, vector<1024x128xf32>
    %get3A_12 = arith.constant 0 : index
    %get3A_13 = arith.constant 0 : index
    %get3A_14 = vector.load %arg2[%get3A_12, %get3A_13] : memref<1024x128xf32, #tpu.memory_space<vmem>>, vector<1024x128xf32>
    %add3A_15 = arith.addf %get3A_11, %get3A_14 : vector<1024x128xf32>
    %mul3A = vector.broadcast %div3A_8 : vector<1024x1xf32> to vector<1024x128xf32>
    %mul3A_16 = arith.mulf %add3A_15, %mul3A : vector<1024x128xf32>
    %get3A_17 = arith.constant 0 : index
    %get3A_18 = arith.constant 0 : index
    %get3A_19 = vector.load %arg5[%get3A_17, %get3A_18] : memref<1024x128xf32, #tpu.memory_space<vmem>>, vector<1024x128xf32>
    %add3A_20 = arith.addf %mul3A_16, %get3A_19 : vector<1024x128xf32>
    %mul3A_21 = arith.constant 0.999994993 : f32
    %mul3A_22 = vector.broadcast %mul3A_21 : f32 to vector<1024x128xf32>
    %mul3A_23 = arith.mulf %add3A_20, %mul3A_22 : vector<1024x128xf32>
    %get3A_24 = arith.constant 0 : index
    %get3A_25 = arith.constant 0 : index
    %get3A_26 = vector.load %arg6[%get3A_24, %get3A_25] : memref<1x128xf32, #tpu.memory_space<vmem>>, vector<1x128xf32>
    %mul3A_27 = vector.broadcast %get3A_26 : vector<1x128xf32> to vector<1024x128xf32>
    %mul3A_28 = arith.mulf %mul3A_23, %mul3A_27 : vector<1024x128xf32>
    %get3A_29 = arith.constant 0 : index
    %get3A_30 = arith.constant 0 : index
    %get3A_31 = vector.load %arg7[%get3A_29, %get3A_30] : memref<1x128xf32, #tpu.memory_space<vmem>>, vector<1x128xf32>
    %add3A_32 = vector.broadcast %get3A_31 : vector<1x128xf32> to vector<1024x128xf32>
    %add3A_33 = arith.addf %mul3A_28, %add3A_32 : vector<1024x128xf32>
    %max3A_34 = arith.constant 0.000000e+00 : f32
    %max3A_35 = vector.broadcast %max3A_34 : f32 to vector<1024x128xf32>
    %max3A_36 = arith.maximumf %add3A_33, %max3A_35 : vector<1024x128xf32>
    %swap3A = arith.constant 0 : index
    %swap3A_37 = arith.constant 0 : index
    %swap3A_38 = vector.load %arg10[%swap3A, %swap3A_37] : memref<1024x128xf32, #tpu.memory_space<vmem>>, vector<1024x128xf32>
    tpu.vector_store %arg10[%swap3A, %swap3A_37], %max3A_36 {strides = array<i32>} : memref<1024x128xf32, #tpu.memory_space<vmem>>, vector<1024x128xf32>,
    %get3A_39 = arith.constant 0 : index
    %get3A_40 = arith.constant 0 : index
    %get3A_41 = vector.load %arg8[%get3A_39, %get3A_40] : memref<128x128xf32, #tpu.memory_space<vmem>>, vector<128x128xf32>
    %dot_general3A = arith.constant dense<0.000000e+00> : vector<1024x128xf32>
    %dot_general3A_42 = tpu.matmul %max3A_36, %get3A_41, %dot_general3A {dimension_numbers = #tpu.dot_dimension_numbers<[1], [0], [0], [1], [0, 0, 1, 1], [], []>, transpose_lhs_hint = false} : vector<1024x128xf32>, vector<128x128xf32>, vector<1024x128xf32> -> vector<1024x128xf32>
    %swap3A_43 = arith.constant 0 : index
    %swap3A_44 = arith.constant 0 : index
    %swap3A_45 = vector.load %arg11[%swap3A_43, %swap3A_44] : memref<1024x128xf32, #tpu.memory_space<vmem>>, vector<1024x128xf32>
    tpu.vector_store %arg11[%swap3A_43, %swap3A_44], %dot_general3A_42 {strides = array<i32>} : memref<1024x128xf32, #tpu.memory_space<vmem>>, vector<1024x128xf32>,
    %get3A_46 = arith.constant 0 : index
    %get3A_47 = arith.constant 0 : index
    %get3A_48 = vector.load %arg9[%get3A_46, %get3A_47] : memref<128x128xf32, #tpu.memory_space<vmem>>, vector<128x128xf32>
    %dot_general3A_49 = arith.constant dense<0.000000e+00> : vector<1024x128xf32>
    %dot_general3A_50 = tpu.matmul %max3A_36, %get3A_48, %dot_general3A_49 {dimension_numbers = #tpu.dot_dimension_numbers<[1], [0], [0], [1], [0, 0, 1, 1], [], []>, transpose_lhs_hint = false} : vector<1024x128xf32>, vector<128x128xf32>, vector<1024x128xf32> -> vector<1024x128xf32>
    %swap3A_51 = arith.constant 0 : index
    %swap3A_52 = arith.constant 0 : index
    %swap3A_53 = vector.load %arg12[%swap3A_51, %swap3A_52] : memref<1024x128xf32, #tpu.memory_space<vmem>>, vector<1024x128xf32>
    tpu.vector_store %arg12[%swap3A_51, %swap3A_52], %dot_general3A_50 {strides = array<i32>} : memref<1024x128xf32, #tpu.memory_space<vmem>>, vector<1024x128xf32>,
    return
  }
  func.func @transform_0(%arg0: i32) -> (i32, i32) {
    %c0_i32 = arith.constant 0 : i32
    %c0_i32_0 = arith.constant 0 : i32
    return %arg0, %c0_i32 : i32, i32
  }
  func.func @transform_1(%arg0: i32) -> (i32, i32) {
    %c0_i32 = arith.constant 0 : i32
    %c0_i32_0 = arith.constant 0 : i32
    return %arg0, %c0_i32 : i32, i32
  }
  func.func @transform_2(%arg0: i32) -> (i32, i32) {
    %c0_i32 = arith.constant 0 : i32
    %c0_i32_0 = arith.constant 0 : i32
    return %arg0, %c0_i32 : i32, i32
  }
  func.func @transform_3(%arg0: i32) -> (i32, i32) {
    %c0_i32 = arith.constant 0 : i32
    %c0_i32_0 = arith.constant 0 : i32
    return %arg0, %c0_i32 : i32, i32
  }
  func.func @transform_4(%arg0: i32) -> (i32, i32) {
    %c0_i32 = arith.constant 0 : i32
    %c0_i32_0 = arith.constant 0 : i32
    return %arg0, %c0_i32 : i32, i32
  }
  func.func @transform_5(%arg0: i32) -> (i32, i32) {
    %c0_i32 = arith.constant 0 : i32
    %c0_i32_0 = arith.constant 0 : i32
    %c0_i32_1 = arith.constant 0 : i32
    return %c0_i32, %c0_i32_0 : i32, i32
  }
  func.func @transform_6(%arg0: i32) -> (i32, i32) {
    %c0_i32 = arith.constant 0 : i32
    %c0_i32_0 = arith.constant 0 : i32
    %c0_i32_1 = arith.constant 0 : i32
    return %c0_i32, %c0_i32_0 : i32, i32
  }
  func.func @transform_7(%arg0: i32) -> (i32, i32) {
    %c0_i32 = arith.constant 0 : i32
    %c0_i32_0 = arith.constant 0 : i32
    %c0_i32_1 = arith.constant 0 : i32
    return %c0_i32, %c0_i32_0 : i32, i32
  }
  func.func @transform_8(%arg0: i32) -> (i32, i32) {
    %c0_i32 = arith.constant 0 : i32
    %c0_i32_0 = arith.constant 0 : i32
    %c0_i32_1 = arith.constant 0 : i32
    return %c0_i32, %c0_i32_0 : i32, i32
  }
  func.func @transform_9(%arg0: i32) -> (i32, i32) {
    %c0_i32 = arith.constant 0 : i32
    %c0_i32_0 = arith.constant 0 : i32
    return %arg0, %c0_i32 : i32, i32
  }
  func.func @transform_10(%arg0: i32) -> (i32, i32) {
    %c0_i32 = arith.constant 0 : i32
    %c0_i32_0 = arith.constant 0 : i32
    return %arg0, %c0_i32 : i32, i32
  }
  func.func @transform_11(%arg0: i32) -> (i32, i32) {
    %c0_i32 = arith.constant 0 : i32
    %c0_i32_0 = arith.constant 0 : i32
    return %arg0, %c0_i32 : i32, i32
  }
}

module attributes {stable_mosaic.version = 14 : i64} {
  func.func @_tc_final_body(%arg0: i32, %arg1: memref<1024x128xf32, #tpu.memory_space<vmem>>, %arg2: memref<1024x128xf32, #tpu.memory_space<vmem>>, %arg3: memref<1024x128xf32, #tpu.memory_space<vmem>>, %arg4: memref<1024x128xf32, #tpu.memory_space<vmem>>, %arg5: memref<1024x128xf32, #tpu.memory_space<vmem>>, %arg6: memref<1x128xf32, #tpu.memory_space<vmem>>, %arg7: memref<1024x128xf32, #tpu.memory_space<vmem>>, %arg8: memref<1024x128xf32, #tpu.memory_space<vmem>>, %arg9: memref<128x40xf32, #tpu.memory_space<vmem>>, %arg10: memref<128x40xf32, #tpu.memory_space<vmem>>, %arg11: memref<128x40xf32, #tpu.memory_space<vmem>>, %arg12: memref<1x40xf32, #tpu.memory_space<vmem>>, %arg13: memref<1024x40xf32, #tpu.memory_space<vmem>>) attributes {dimension_semantics = [#tpu.dimension_semantics<arbitrary>], iteration_bounds = array<i64: 10>, scalar_prefetch = 0 : i64, scratch_operands = 0 : i64, tpu.core_type = #tpu.core_type<tc>, window_params = [{transform_indices = @transform_0, window_bounds = array<i64: 1024, 128>}, {transform_indices = @transform_1, window_bounds = array<i64: 1024, 128>}, {transform_indices = @transform_2, window_bounds = array<i64: 1024, 128>}, {transform_indices = @transform_3, window_bounds = array<i64: 1024, 128>}, {transform_indices = @transform_4, window_bounds = array<i64: 1024, 128>}, {pipeline_mode = #tpu.pipeline_mode<synchronous>, transform_indices = @transform_5, window_bounds = array<i64: 1, 128>}, {transform_indices = @transform_6, window_bounds = array<i64: 1024, 128>}, {transform_indices = @transform_7, window_bounds = array<i64: 1024, 128>}, {pipeline_mode = #tpu.pipeline_mode<synchronous>, transform_indices = @transform_8, window_bounds = array<i64: 128, 40>}, {pipeline_mode = #tpu.pipeline_mode<synchronous>, transform_indices = @transform_9, window_bounds = array<i64: 128, 40>}, {pipeline_mode = #tpu.pipeline_mode<synchronous>, transform_indices = @transform_10, window_bounds = array<i64: 128, 40>}, {pipeline_mode = #tpu.pipeline_mode<synchronous>, transform_indices = @transform_11, window_bounds = array<i64: 1, 40>}, {transform_indices = @transform_12, window_bounds = array<i64: 1024, 40>}]} {
    %get3A = arith.constant 0 : index
    %get3A_0 = arith.constant 0 : index
    %get3A_1 = vector.load %arg3[%get3A, %get3A_0] : memref<1024x128xf32, #tpu.memory_space<vmem>>, vector<1024x128xf32>
    %get3A_2 = arith.constant 0 : index
    %get3A_3 = arith.constant 0 : index
    %get3A_4 = vector.load %arg4[%get3A_2, %get3A_3] : memref<1024x128xf32, #tpu.memory_space<vmem>>, vector<1024x128xf32>
    %add3A = arith.addf %get3A_1, %get3A_4 : vector<1024x128xf32>
    %slice3A = vector.extract_strided_slice %add3A {offsets = [0, 0], sizes = [1024, 1], strides = [1, 1]} : vector<1024x128xf32> to vector<1024x1xf32>
    %max3A = arith.constant 1.000000e+00 : f32
    %max3A_5 = vector.broadcast %max3A : f32 to vector<1024x1xf32>
    %max3A_6 = arith.maximumf %slice3A, %max3A_5 : vector<1024x1xf32>
    %div3A = arith.constant 1.000000e+00 : f32
    %div3A_7 = vector.broadcast %div3A : f32 to vector<1024x1xf32>
    %div3A_8 = arith.divf %div3A_7, %max3A_6 : vector<1024x1xf32>
    %get3A_9 = arith.constant 0 : index
    %get3A_10 = arith.constant 0 : index
    %get3A_11 = vector.load %arg1[%get3A_9, %get3A_10] : memref<1024x128xf32, #tpu.memory_space<vmem>>, vector<1024x128xf32>
    %get3A_12 = arith.constant 0 : index
    %get3A_13 = arith.constant 0 : index
    %get3A_14 = vector.load %arg2[%get3A_12, %get3A_13] : memref<1024x128xf32, #tpu.memory_space<vmem>>, vector<1024x128xf32>
    %add3A_15 = arith.addf %get3A_11, %get3A_14 : vector<1024x128xf32>
    %mul3A = vector.broadcast %div3A_8 : vector<1024x1xf32> to vector<1024x128xf32>
    %mul3A_16 = arith.mulf %add3A_15, %mul3A : vector<1024x128xf32>
    %get3A_17 = arith.constant 0 : index
    %get3A_18 = arith.constant 0 : index
    %get3A_19 = vector.load %arg5[%get3A_17, %get3A_18] : memref<1024x128xf32, #tpu.memory_space<vmem>>, vector<1024x128xf32>
    %add3A_20 = arith.addf %mul3A_16, %get3A_19 : vector<1024x128xf32>
    %get3A_21 = arith.constant 0 : index
    %get3A_22 = arith.constant 0 : index
    %get3A_23 = vector.load %arg6[%get3A_21, %get3A_22] : memref<1x128xf32, #tpu.memory_space<vmem>>, vector<1x128xf32>
    %add3A_24 = vector.broadcast %get3A_23 : vector<1x128xf32> to vector<1024x128xf32>
    %add3A_25 = arith.addf %add3A_20, %add3A_24 : vector<1024x128xf32>
    %get3A_26 = arith.constant 0 : index
    %get3A_27 = arith.constant 0 : index
    %get3A_28 = vector.load %arg7[%get3A_26, %get3A_27] : memref<1024x128xf32, #tpu.memory_space<vmem>>, vector<1024x128xf32>
    %get3A_29 = arith.constant 0 : index
    %get3A_30 = arith.constant 0 : index
    %get3A_31 = vector.load %arg9[%get3A_29, %get3A_30] : memref<128x40xf32, #tpu.memory_space<vmem>>, vector<128x40xf32>
    %dot_general3A = arith.constant dense<0.000000e+00> : vector<1024x40xf32>
    %dot_general3A_32 = tpu.matmul %get3A_28, %get3A_31, %dot_general3A {dimension_numbers = #tpu.dot_dimension_numbers<[1], [0], [0], [1], [0, 0, 1, 1], [], []>, transpose_lhs_hint = false} : vector<1024x128xf32>, vector<128x40xf32>, vector<1024x40xf32> -> vector<1024x40xf32>
    %get3A_33 = arith.constant 0 : index
    %get3A_34 = arith.constant 0 : index
    %get3A_35 = vector.load %arg8[%get3A_33, %get3A_34] : memref<1024x128xf32, #tpu.memory_space<vmem>>, vector<1024x128xf32>
    %get3A_36 = arith.constant 0 : index
    %get3A_37 = arith.constant 0 : index
    %get3A_38 = vector.load %arg10[%get3A_36, %get3A_37] : memref<128x40xf32, #tpu.memory_space<vmem>>, vector<128x40xf32>
    %dot_general3A_39 = arith.constant dense<0.000000e+00> : vector<1024x40xf32>
    %dot_general3A_40 = tpu.matmul %get3A_35, %get3A_38, %dot_general3A_39 {dimension_numbers = #tpu.dot_dimension_numbers<[1], [0], [0], [1], [0, 0, 1, 1], [], []>, transpose_lhs_hint = false} : vector<1024x128xf32>, vector<128x40xf32>, vector<1024x40xf32> -> vector<1024x40xf32>
    %add3A_41 = arith.addf %dot_general3A_32, %dot_general3A_40 : vector<1024x40xf32>
    %get3A_42 = arith.constant 0 : index
    %get3A_43 = arith.constant 0 : index
    %get3A_44 = vector.load %arg11[%get3A_42, %get3A_43] : memref<128x40xf32, #tpu.memory_space<vmem>>, vector<128x40xf32>
    %dot_general3A_45 = arith.constant dense<0.000000e+00> : vector<1024x40xf32>
    %dot_general3A_46 = tpu.matmul %add3A_25, %get3A_44, %dot_general3A_45 {dimension_numbers = #tpu.dot_dimension_numbers<[1], [0], [0], [1], [0, 0, 1, 1], [], []>, transpose_lhs_hint = false} : vector<1024x128xf32>, vector<128x40xf32>, vector<1024x40xf32> -> vector<1024x40xf32>
    %add3A_47 = arith.addf %add3A_41, %dot_general3A_46 : vector<1024x40xf32>
    %get3A_48 = arith.constant 0 : index
    %get3A_49 = arith.constant 0 : index
    %get3A_50 = vector.load %arg12[%get3A_48, %get3A_49] : memref<1x40xf32, #tpu.memory_space<vmem>>, vector<1x40xf32>
    %add3A_51 = vector.broadcast %get3A_50 : vector<1x40xf32> to vector<1024x40xf32>
    %add3A_52 = arith.addf %add3A_47, %add3A_51 : vector<1024x40xf32>
    %swap3A = arith.constant 0 : index
    %swap3A_53 = arith.constant 0 : index
    %swap3A_54 = vector.load %arg13[%swap3A, %swap3A_53] : memref<1024x40xf32, #tpu.memory_space<vmem>>, vector<1024x40xf32>
    tpu.vector_store %arg13[%swap3A, %swap3A_53], %add3A_52 {strides = array<i32>} : memref<1024x40xf32, #tpu.memory_space<vmem>>, vector<1024x40xf32>,
    return
  }
  func.func @transform_0(%arg0: i32) -> (i32, i32) {
    %c0_i32 = arith.constant 0 : i32
    %c0_i32_0 = arith.constant 0 : i32
    return %arg0, %c0_i32 : i32, i32
  }
  func.func @transform_1(%arg0: i32) -> (i32, i32) {
    %c0_i32 = arith.constant 0 : i32
    %c0_i32_0 = arith.constant 0 : i32
    return %arg0, %c0_i32 : i32, i32
  }
  func.func @transform_2(%arg0: i32) -> (i32, i32) {
    %c0_i32 = arith.constant 0 : i32
    %c0_i32_0 = arith.constant 0 : i32
    return %arg0, %c0_i32 : i32, i32
  }
  func.func @transform_3(%arg0: i32) -> (i32, i32) {
    %c0_i32 = arith.constant 0 : i32
    %c0_i32_0 = arith.constant 0 : i32
    return %arg0, %c0_i32 : i32, i32
  }
  func.func @transform_4(%arg0: i32) -> (i32, i32) {
    %c0_i32 = arith.constant 0 : i32
    %c0_i32_0 = arith.constant 0 : i32
    return %arg0, %c0_i32 : i32, i32
  }
  func.func @transform_5(%arg0: i32) -> (i32, i32) {
    %c0_i32 = arith.constant 0 : i32
    %c0_i32_0 = arith.constant 0 : i32
    %c0_i32_1 = arith.constant 0 : i32
    return %c0_i32, %c0_i32_0 : i32, i32
  }
  func.func @transform_6(%arg0: i32) -> (i32, i32) {
    %c0_i32 = arith.constant 0 : i32
    %c0_i32_0 = arith.constant 0 : i32
    return %arg0, %c0_i32 : i32, i32
  }
  func.func @transform_7(%arg0: i32) -> (i32, i32) {
    %c0_i32 = arith.constant 0 : i32
    %c0_i32_0 = arith.constant 0 : i32
    return %arg0, %c0_i32 : i32, i32
  }
  func.func @transform_8(%arg0: i32) -> (i32, i32) {
    %c0_i32 = arith.constant 0 : i32
    %c0_i32_0 = arith.constant 0 : i32
    %c0_i32_1 = arith.constant 0 : i32
    return %c0_i32, %c0_i32_0 : i32, i32
  }
  func.func @transform_9(%arg0: i32) -> (i32, i32) {
    %c0_i32 = arith.constant 0 : i32
    %c0_i32_0 = arith.constant 0 : i32
    %c0_i32_1 = arith.constant 0 : i32
    return %c0_i32, %c0_i32_0 : i32, i32
  }
  func.func @transform_10(%arg0: i32) -> (i32, i32) {
    %c0_i32 = arith.constant 0 : i32
    %c0_i32_0 = arith.constant 0 : i32
    %c0_i32_1 = arith.constant 0 : i32
    return %c0_i32, %c0_i32_0 : i32, i32
  }
  func.func @transform_11(%arg0: i32) -> (i32, i32) {
    %c0_i32 = arith.constant 0 : i32
    %c0_i32_0 = arith.constant 0 : i32
    %c0_i32_1 = arith.constant 0 : i32
    return %c0_i32, %c0_i32_0 : i32, i32
  }
  func.func @transform_12(%arg0: i32) -> (i32, i32) {
    %c0_i32 = arith.constant 0 : i32
    %c0_i32_0 = arith.constant 0 : i32
    return %arg0, %c0_i32 : i32, i32
  }
}

</mosaic_0001>

<sc_bundles>
// kernel: kernel.10.cloned.1.call-start
scs
__scs_entry_jumppad:
0x0: {  	(pc) =	sbr.rel $0x88, $3  }
0x1: {  	(tag) =	ssettag $0x0;
	lr =	simm.s32 $0x1  }
0x2: {  	[smem:$0x3F92] =	sst lr;
	_ =	strace $0xD0000000  }
0x3: {  	_ = 	snop  }
0x4: {  	_ = 	snop  }
0x5: {  	_ = 	snop  }
0x6: {  	_ = 	snop  }
0x7: {  	_ = 	snop  }
__scs_overlays_trampoline_lowered:
0x8: {  	[smem:$0x3FA1] =	sst s0  }
0x9: {  	[smem:$0x3FA2] =	sst s1  }
0xa: {  	[smem:$0x3FA3] =	sst s2  }
0xb: {  	[smem:$0x3FA4] =	sst s3  }
0xc: {  	[smem:$0x3FA5] =	sst s4  }
0xd: {  	[smem:$0x3FA6] =	sst s5  }
0xe: {  	[smem:$0x3FA7] =	sst s6  }
0xf: {  	[smem:$0x3FA8] =	sst s7  }
0x10: {  	[smem:$0x3FA9] =	sst s8  }
0x11: {  	[smem:$0x3FAA] =	sst s9;
	s0 =	simm.s32 @!p0 $0x0  }
0x12: {  	s1 =	sld [smem:$0x3F90];
	s0 =	simm.s32 @p0 $0x1  }
0x13: {  	[smem:$0x3FAB] =	sst s0;
	s0 =	simm.s32 @!p1 $0x0  }
0x14: {  	s2 =	sld [smem:$0x3F8F];
	s0 =	simm.s32 @p1 $0x1  }
0x15: {  	[smem:$0x3FAC] =	sst s0;
	s0 =	simm.s32 @!p2 $0x0  }
0x16: {  	s3 =	sld [smem:$0x3FDB];
	s0 =	simm.s32 @p2 $0x1  }
0x17: {  	s4 =	simm.s32 $0x1BF5;
	[smem:$0x3FAE] =	sst s0  }
0x18: {  	s0 =	sld [smem:$0x3F91];
	_ =	swait.ge [sflag:s4], $0x0  }
0x19: {  	s7 =	sld [smem:$0x3F92]  }
0x1a: {  	s8 =	sadd.s32 $0xFFFFE003, lr  }
0x1b: {  	s9 =	sadd.s32 $0xFFFFFEF7, lr;
	s5 =	simm.s32 $0xFFFFFFFF;
	p2 =	slt.u32 s8, $0xFFFFF086  }
0x1c: {  	p1 =	slt.u32 s9, $0xF7A;
	s5 =	simm.s32 @!p2 $0x0  }
0x1d: {  	s5 =	simm.s32 @p1 $0x1;
	p0 =	seq.s32 s7, s2  }
0x1e: {  	s7 =	smul.u32 @!p0 $0xF7A, s2;
	p2 =	seq.s32 @!p0 s5, $0x0  }
0x1f: {  	s9 =	smul.u32 $0xF7A, s1;
	s8 =	simm.s32 @!p0 $0x1BF5;
	p2 =	por !p2, p0  }
0x20: {  	[sflag:s8] =	ssyncset.s32 @!p0 $0xFFFFF086;
	s6 =	sadd.s32 @!p0 s3, s7;
	s7 =	simm.s32 @!p0 $0x108  }
0x21: {  	s3 =	sadd.s32 s3, s9;
	s6 =	sadd.s32 @!p0 $0x88, s6;
	s7 =	simm.s32 @p2 $0x1082  }
0x22: {  	[simem:s7], [sflag:s8] =	dma.local @!p0 [hbm:s6], $0xF7A  }
0x23: {  	s9 =	sor.u32 $0xD0000000, s2;
	s6 =	simm.s32 $0x108;
	_ =	swait.ge @!p0 [sflag:s8], $0x0  }
0x24: {  	s3 =	sadd.s32 $0x88, s3;
	s6 =	simm.s32 @!p1 $0x1082;
	[sflag:s4] =	ssyncset.s32 $0xFFFFF086  }
0x25: {  	[simem:s6], [sflag:s4] =	dma.local [hbm:s3], $0xF7A  }
0x26: {  	[smem:$0x3F92] =	sst s1;
	(tag) =	ssettag s2;
	_ =	strace s9  }
0x27: {  	s1 =	sld [smem:$0x3FA2]  }
0x28: {  	s2 =	sld [smem:$0x3FA3]  }
0x29: {  	s4 =	sld [smem:$0x3FA5]  }
0x2a: {  	p0 =	seq.s32 s5, $0x0;
	s5 =	sld [smem:$0x3FA6]  }
0x2b: {  	s6 =	sld [smem:$0x3FA7]  }
0x2c: {  	s7 =	sld [smem:$0x3FA8]  }
0x2d: {  	s3 =	simm.s32 $0x108;
	s8 =	sld [smem:$0x3FA9]  }
0x2e: {  	s3 =	simm.s32 @!p0 $0x1082;
	s9 =	sld [smem:$0x3FAA]  }
0x2f: {  	lr =	sadd.s32 s0, s3;
	s0 =	sld [smem:$0x3FA1]  }
0x30: {  	s3 =	sld [smem:$0x3FA4]  }
0x31: {  	[smem:$0x3FAD] =	sst s10  }
0x32: {  	s10 =	sld [smem:$0x3FAB];
	_ =	sdelay $0x3  }
0x33: {  	p0 =	seq.s32 s10, $0x1;
	s10 =	sld [smem:$0x3FAD];
	_ =	sdelay $0x3  }
0x34: {  	[smem:$0x3FAD] =	sst s10  }
0x35: {  	s10 =	sld [smem:$0x3FAC];
	_ =	sdelay $0x3  }
0x36: {  	p1 =	seq.s32 s10, $0x1;
	s10 =	sld [smem:$0x3FAD];
	_ =	sdelay $0x3  }
0x37: {  	[smem:$0x3FAD] =	sst s10  }
0x38: {  	s10 =	sld [smem:$0x3FAE]  }
0x39: {  	_ = 	snop;
	(pc) =	sbr.ind lr, $3  }
0x3a: {  	_ = 	snop  }
0x3b: {  	_ = 	snop  }
0x3c: {  	p2 =	seq.s32 s10, $0x1;
	s10 =	sld [smem:$0x3FAD]  }
0x3d: {  	_ =	shalt  }
0x3e: {  	_ =	shalt  }
0x3f: {  	_ =	shalt  }
0x40: {  	_ =	shalt  }
0x41: {  	_ =	shalt  }
0x42: {  	_ =	shalt  }
0x43: {  	_ =	shalt  }
0x44: {  	_ =	shalt  }
0x45: {  	_ =	shalt  }
0x46: {  	_ =	shalt  }
0x47: {  	_ =	shalt  }
0x48: {  	_ =	shalt  }
0x49: {  	_ =	shalt  }
0x4a: {  	_ =	shalt  }
0x4b: {  	_ =	shalt  }
0x4c: {  	_ =	shalt  }
0x4d: {  	_ =	shalt  }
0x4e: {  	_ =	shalt  }
0x4f: {  	_ =	shalt  }
0x50: {  	_ =	shalt  }
0x51: {  	_ =	shalt  }
0x52: {  	_ =	shalt  }
0x53: {  	_ =	shalt  }
0x54: {  	_ =	shalt  }
0x55: {  	_ =	shalt  }
0x56: {  	_ =	shalt  }
0x57: {  	_ =	shalt  }
0x58: {  	_ =	shalt  }
0x59: {  	_ =	shalt  }
0x5a: {  	_ =	shalt  }
0x5b: {  	_ =	shalt  }
0x5c: {  	_ =	shalt  }
0x5d: {  	_ =	shalt  }
0x5e: {  	_ =	shalt  }
0x5f: {  	_ =	shalt  }
0x60: {  	_ =	shalt  }
0x61: {  	_ =	shalt  }
0x62: {  	_ =	shalt  }
0x63: {  	_ =	shalt  }
0x64: {  	_ =	shalt  }
0x65: {  	_ =	shalt  }
0x66: {  	_ =	shalt  }
0x67: {  	_ =	shalt  }
0x68: {  	_ =	shalt  }
0x69: {  	_ =	shalt  }
0x6a: {  	_ =	shalt  }
0x6b: {  	_ =	shalt  }
0x6c: {  	_ =	shalt  }
0x6d: {  	_ =	shalt  }
0x6e: {  	_ =	shalt  }
0x6f: {  	_ =	shalt  }
0x70: {  	_ =	shalt  }
0x71: {  	_ =	shalt  }
0x72: {  	_ =	shalt  }
0x73: {  	_ =	shalt  }
0x74: {  	_ =	shalt  }
0x75: {  	_ =	shalt  }
0x76: {  	_ =	shalt  }
0x77: {  	_ =	shalt  }
0x78: {  	_ =	shalt  }
0x79: {  	_ =	shalt  }
0x7a: {  	_ =	shalt  }
0x7b: {  	_ =	shalt  }
0x7c: {  	_ =	shalt  }
0x7d: {  	_ =	shalt  }
0x7e: {  	_ =	shalt  }
0x7f: {  	_ =	shalt  }
0x80: {  	_ =	shalt  }
0x81: {  	_ =	shalt  }
0x82: {  	_ =	shalt  }
0x83: {  	_ =	shalt  }
0x84: {  	_ =	shalt  }
0x85: {  	_ =	shalt  }
0x86: {  	_ =	shalt  }
0x87: {  	_ =	shalt  }
.Lfunc_end0:
.L_simem_size_0:
called_computation_lowered:
.L_overlay_start_0:
0x88: {  	s2 =	sld [smem:$0x3FD9]  }
0x89: {  	s3 =	sld [smem:$0x3FFE];
	_ =	sdelay $0x1  }
0x8a: {  	s1 =	srdreg.scid  }
0x8b: {  	s0 =	sand.u32 $0x1, s1  }
0x8c: {  	s17 =	sshll.u32 s0, $0xA;
	s2 =	sadd.s32 s3, s2  }
0x8d: {  	s2 =	sadd.s32 s2, s17  }
0x8e: {  	[smem:$0x3FB9] =	sst s2  }
0x8f: {  	_ = 	snop  }
0x90: {  	s18 =	sld [smem:$0x3FD0];
	(tm) =	ssettm $0x1  }
0x91: {  	s19 =	sld [smem:$0x3FFB];
	_ =	sdelay $0x3  }
0x92: {  	_ =	strace s19  }
0x93: {  	s2 =	sld [smem:$0x3FFC];
	_ =	sdelay $0x3  }
0x94: {  	_ =	strace s2  }
0x95: {  	s2 =	sld [smem:$0x3FFD];
	_ =	sdelay $0x3  }
0x96: {  	_ =	strace s2  }
0x97: {  	_ =	strace $0x8FFFFFFF  }
0x98: {  	s20 =	sld [smem:$0x3FDB];
	_ =	sdelay $0x1  }
0x99: {  	s4 =	simm.s32 $_scs_section_size  }
0x9a: {  	s5 =	simm.s32 $_size__tile_overlayer_lowered;
	s6 =	simm.s32 $_tile_overlayer_lowered  }
0x9b: {  	s7 =	simm.s32 $0x1BFF;
	s21 =	sshll.u32 s6, $0x1;
	s4 =	sadd.s32 s4, s20  }
0x9c: {  	s22 =	simm.s32 $0x0;
	s5 =	sshll.u32 s5, $0x1;
	s6 =	sadd.s32 s21, s4  }
0x9d: {  	[timem:s22], [sflag:s7] =	dma.local [hbm:s6], s5  }
0x9e: {  	_ =	swait.ge [sflag:s7], s5  }
0x9f: {  	s5 =	ssub.s32 $0x0, s5;
	[sflag:s7] =	ssyncset.done $0x0  }
0xa0: {  	[sflag:s7] =	ssyncadd.s32 s5;
	_ =	sdelay $0x1  }
0xa1: {  	s23 =	simm.s32 $0x1B8B  }
0xa2: {  	_ =	swait.ge [sflag:s23], $0x1  }
0xa3: {  	[sflag:s23] =	ssyncset.done $0x0  }
0xa4: {  	[sflag:s23] =	ssyncadd.s32 $0xFFFFFFFF  }
0xa5: {  	s5 =	sld [smem:$0x0]  }
0xa6: {  	s6 =	sand.u32 $0xFFFFFFFE, s1  }
0xa7: {  	p0 =	sne.s32 s1, s6  }
0xa8: {  	s6 =	sshll.u32 @p0 s6, $0xE  }
0xa9: {  	s6 =	sadd.s32 @p0 $0x11B8D, s6;
	s7 =	sshll.u32 @p0 s5, $0x11  }
0xaa: {  	s6 =	sor.u32 @p0 s7, s6  }
0xab: {  	[sflag:s6] =	ssyncadd.remote.s32 @p0 $0x1;
	_ =	sdelay $0x1  }
0xac: {  	s6 =	simm.s32 @p0 $0x1B8D  }
0xad: {  	_ =	swait.eq @p0 [sflag:s6], $0x1  }
0xae: {  	[sflag:s6] =	ssyncadd.s32 @p0 $0xFFFFFFFF  }
0xaf: {  	s7 =	sshll.u32 @!p0 s1, $0xE  }
0xb0: {  	s7 =	sor.u32 @!p0 $0x4000, s7;
	s6 =	simm.s32 @!p0 $0x1B8D  }
0xb1: {  	s5 =	sshll.u32 @!p0 s5, $0x11;
	s7 =	sadd.s32 @!p0 $0x11B8D, s7;
	_ =	swait.eq @!p0 [sflag:s6], $0x1  }
0xb2: {  	s5 =	sor.u32 @!p0 s5, s7;
	[sflag:s6] =	ssyncadd.s32 @!p0 $0xFFFFFFFF  }
0xb3: {  	s25 =	simm.s32 $0x1B8E;
	s24 =	sld [smem:$0x3FFE];
	[sflag:s5] =	ssyncadd.remote.s32 @!p0 $0x1  }
0xb4: {  	s26 =	simm.s32 $execute0_lowered;
	[smem:$0x3FD2] =	sst s25  }
0xb5: {  	s6 =	sshll.u32 s26, $0x1;
	_ =	strace $0x80000049;
	[dreg:$0x1] =	wrdreg $0xFFFFFFFF  }
0xb6: {  	s28 =	simm.s32 $_size_execute0_lowered;
	s4 =	sadd.s32 s4, s6;
	[dreg:$0x0] =	wrdreg $0x0  }
0xb7: {  	s6 =	sshll.u32 s28, $0x1;
	[dreg:$0x2] =	wrdreg s4  }
0xb8: {  	[dreg:$0x3] =	wrdreg s6  }
0xb9: {  	[dreg:$0x4] =	wrdreg $0xC0  }
0xba: {  	_ =	task [dreg:s22], $0x5FFFF  }
0xbb: {  	[dreg:$0x1] =	wrdreg $0xFFFFFFFF  }
0xbc: {  	[dreg:$0x0] =	wrdreg $0x60  }
0xbd: {  	[dreg:$0x2] =	wrdreg s18  }
0xbe: {  	[dreg:$0x3] =	wrdreg s24  }
0xbf: {  	[dreg:$0x4] =	wrdreg $0x68000  }
0xc0: {  	[dreg:$0x5] =	wrdreg $0x9  }
0xc1: {  	_ =	task.clear_ibuf [dreg:s22], $0x6FFFF;
	_ =	strace $0x90000049  }
0xc2: {  	s29 =	simm.s32 $0x9;
	_ =	strace $0x8000004B  }
0xc3: {  	_ =	swait.ge [sflag:s29], $0x1  }
0xc4: {  	[sflag:s29] =	ssyncadd.s32 $0xFFFFFFFF  }
0xc5: {  	_ =	strace $0x9000004B  }
0xc6: {  	_ =	sfence  }
0xc7: {  	s30 =	sld [smem:$0x0];
	_ =	sdelay $0x2  }
0xc8: {  	s31 =	sshll.u32 s1, $0xD;
	s1 =	sshrl.u32 s1, $0x2  }
0xc9: {  	s4 =	sand.u32 $0x4000, s31;
	s1 =	sadd.s32 s1, s30  }
0xca: {  	s0 =	sor.u32 s4, s0;
	s1 =	sshll.u32 s1, $0x11  }
0xcb: {  	s0 =	sor.u32 s1, s0  }
0xcc: {  	s0 =	sadd.s32 $0x8F2B, s0  }
0xcd: {  	[sflag:s0] =	ssyncadd.remote.s32 $0x1  }
0xce: {  	_ =	sfence.sel $0xFFFF  }
0xcf: {  	[dreg:$0x0] =	wrdreg $0xFFFFFFFF;
	(pc) =	sbr.abs _section_cstart, $3  }
0xd0: {  	[dreg:$0x1] =	wrdreg $0xFFFFFFFF  }
0xd1: {  	_ =	task.clear_ibuf [dreg:s22], $0x2FFFF;
	_ =	strace $0x9FFFFFFF  }
0xd2: {  	(tm) =	ssettm $0x7FFFFFFF  }
0xd3: {  	_ =	shalt  }
tec
execute0_lowered:
.L_overlay_start_1:
0x0: {  	(tag) =	ssettag $0x1  }
0x1: {  	s5 =	rddreg [dreg:$0x0]  }
0x2: {  	s6 =	rddreg [dreg:$0x1]  }
0x3: {  	s2 =	rddreg [dreg:$0x2]  }
0x4: {  	s0 =	stileid.u32;
	s4 =	srdreg.scid  }
0x5: {  	s1 =	rddreg [dreg:$0x3];
	s3 =	simm.s32 $0x0;
	s13 =	simm.s32 $0x80  }
0x6: {  	s14 =	simm.s32 $0x0;
	s7 =	smul.u32 $0x14000, s0;
	s8 =	sand.u32 $0x1, s4  }
0x7: {  	[smem:$0x7FF] =	sst s3;
	s4 =	sadd.s32 $0xD6A00, s6;
	s11 =	smul.u32 $0x50000, s0  }
0x8: {  	s31 =	sshll.u32 s0, $0x6;
	s9 =	smul.u32 $0x140000, s8;
	_ =	strace $0x8000004A  }
0x9: {  	s28 =	sshll.u32 s8, $0x4;
	s8 =	ssub.s32 $0x2, s8;
	s26 =	sshrl.u32 s7, $0x3  }
0xa: {  	s12 =	sshrl.u32 s8, $0x1;
	s29 =	sshrl.u32 s11, $0x2;
	s11 =	sor.u32 $0x1C01, s31  }
0xb: {  	s10 =	sadd.s32 s26, s6;
	s7 =	sadd.s32 s7, s9;
	s9 =	sor.u32 s0, s28  }
0xc: {  	s8 =	ssub.s32 s8, s12;
	s30 =	sadd.s32 s29, s2;
	s7 =	sshrl.u32 s7, $0x3  }
0xd: {  	s9 =	smul.u32 $0x500, s9;
	s8 =	smax.u32 s8, $0x1;
	s12 =	sshrl.u32 s30, $0x3  }
0xe: {  	s7 =	sadd.s32 s7, s6;
	s6 =	sadd.s32 $0x5EA00, s10;
	s10 =	simm.s32 $0x2800  }
0xf: {  	s5 =	sadd.s32 s5, s9;
	s7 =	sadd.s32 $0xD7200, s7;
	s9 =	simm.s32 $0x1  }
.LBB2_1:
0x10: {  	[tilespmem:s3], [sflag:$0x1] =	stream.linear.gather [hbm4b:s5+s3], $0x2800, $0x38;
	[tilespmem:$0x1A800] =	vst v63  }
0x11: {  	_ =	swait.ge [sflag:s9], $0x2800  }
0x12: {  	[sflag:s9] =	ssyncset.done $0x0  }
0x13: {  	[sflag:s9] =	ssyncadd.s32 $0xFFFFD800  }
0x14: {  	[tilespmem:s10], [sflag:$0x1] =	stream.linear.gather [hbm4b:s4+s3], $0x4000, $0x38;
	[tilespmem:$0x1A800] =	vst v63  }
0x15: {  	_ =	swait.ge [sflag:s9], $0x4000  }
0x16: {  	[sflag:s9] =	ssyncset.done $0x0  }
0x17: {  	[sflag:s9] =	ssyncadd.s32 $0xFFFFC000  }
0x18: {  	[spmem:s12], [sflag:s11] =	dma.local [hbm:s6], $0x2800  }
0x19: {  	_ =	swait.ge [sflag:s9], $0x2800  }
0x1a: {  	[sflag:s9] =	ssyncset.done $0x0  }
0x1b: {  	[sflag:s9] =	ssyncadd.s32 $0xFFFFD800  }
0x1c: {  	s15 =	simm.s32 $0x0;
	[bflag:$0x0] =	sbarrier.arrive $0xFFFF  }
0x1d: {  	[spmem:s2] =	stream.indirect.scatter.add.f32 [tilespmem:s10], [sflag:$0x1], $0x80, s15, s13, $0xb8;
	[tilespmem:$0x1A800] =	vst v63  }
0x1e: {  	_ =	swait.ge [sflag:s9], $0x4000  }
0x1f: {  	s15 =	simm.s32 $0x200;
	[sflag:s9] =	ssyncset.done $0x0  }
.LBB2_2:
0x20: {  	s16 =	sshra.s32 s15, $0x2;
	[sflag:s9] =	ssyncadd.s32 $0xFFFFC000;
	p0 =	sne.s32 s15, $0x9E00  }
0x21: {  	[spmem:s2] =	stream.indirect.scatter.add.f32 [tilespmem:s10], [sflag:$0x1], $0x80, s16, s13, $0xb8;
	[tilespmem:$0x1A800] =	vst v63  }
.Ltmp0:
0x22: {  	_ = 	snop;
	(pc) =	sbr.rel @p0 .LBB2_2-.Ltmp0, $4  }
0x23: {  	_ = 	snop  }
0x24: {  	s15 =	sadd.s32 $0x200, s15  }
0x25: {  	_ =	swait.ge [sflag:s9], $0x4000  }
0x26: {  	[sflag:s9] =	ssyncset.done $0x0  }
0x27: {  	s14 =	sadd.s32 $0x1, s14  }
0x28: {  	[sflag:s9] =	ssyncadd.s32 $0xFFFFC000;
	p0 =	sne.s32 s14, s8  }
.Ltmp1:
0x29: {  	[bflag:$0x0] =	sbarrier.arrive $0xFFFF;
	(pc) =	sbr.rel @p0 .LBB2_1-.Ltmp1, $4  }
0x2a: {  	[hbm:s7], [sflag:s11] =	dma.local [spmem:s12], $0x2800  }
0x2b: {  	_ =	swait.ge [sflag:s9], $0x2800  }
0x2c: {  	[sflag:s9] =	ssyncset.done $0x0  }
0x2d: {  	[sflag:s9] =	ssyncadd.s32 $0xFFFFD800  }
0x2e: {  	_ =	sfence.sel $0x180000  }
0x2f: {  	[bflag:$0x0] =	sbarrier.arrive $0xFFFF  }
0x30: {  	p0 =	sne.s32 s0, $0x0;
	_ =	strace $0x9000004A  }
0x31: {  	s0 =	sadd.s32 @!p0 $0x100000, s1;
	[bflag:$0x2] =	sbarrier.arrive $0xFFFF  }
0x32: {  	[sflag:s0] =	ssyncadd.tile.s32 @!p0 $0x1;
	_ =	shalt  }
.Lfunc_end2:
_tile_overlayer_lowered:
.L_overlay_start_2:
0x33: {  	(tag) =	ssettag $0x2  }
0x34: {  	s0 =	rddreg [dreg:$0x0];
	s2 =	stileid.u32  }
0x35: {  	s1 =	rddreg [dreg:$0x1];
	p0 =	sne.s32 s2, $0x0  }
0x36: {  	s3 =	rddreg [dreg:$0x2];
	[bflag:$0x3] =	sbarrier.arrive $0xFFFF;
	s2 =	simm.s32 @!p0 $0x1C01  }
0x37: {  	[timem:s3], [sflag:s2] =	dma.local @!p0 [hbm:s0], s1  }
0x38: {  	s0 =	simm.s32 @!p0 $0x1  }
0x39: {  	_ =	swait.ge @!p0 [sflag:s0], s1  }
0x3a: {  	s1 =	ssub.s32 @!p0 $0x0, s1;
	[sflag:s0] =	ssyncset.done @!p0 $0x0  }
0x3b: {  	[sflag:s0] =	ssyncadd.s32 @!p0 s1  }
0x3c: {  	[bflag:$0x3] =	sbarrier.arrive $0xFFFF  }
0x3d: {  	_ =	shalt  }

// kernel: kernel.13.cloned.1.call-start
scs
__scs_entry_jumppad:
0x0: {  	(pc) =	sbr.rel $0x88, $3  }
0x1: {  	(tag) =	ssettag $0x0;
	lr =	simm.s32 $0x1  }
0x2: {  	[smem:$0x3F92] =	sst lr;
	_ =	strace $0xD0000000  }
0x3: {  	_ = 	snop  }
0x4: {  	_ = 	snop  }
0x5: {  	_ = 	snop  }
0x6: {  	_ = 	snop  }
0x7: {  	_ = 	snop  }
__scs_overlays_trampoline_lowered:
0x8: {  	[smem:$0x3FA1] =	sst s0  }
0x9: {  	[smem:$0x3FA2] =	sst s1  }
0xa: {  	[smem:$0x3FA3] =	sst s2  }
0xb: {  	[smem:$0x3FA4] =	sst s3  }
0xc: {  	[smem:$0x3FA5] =	sst s4  }
0xd: {  	[smem:$0x3FA6] =	sst s5  }
0xe: {  	[smem:$0x3FA7] =	sst s6  }
0xf: {  	[smem:$0x3FA8] =	sst s7  }
0x10: {  	[smem:$0x3FA9] =	sst s8  }
0x11: {  	[smem:$0x3FAA] =	sst s9;
	s0 =	simm.s32 @!p0 $0x0  }
0x12: {  	s1 =	sld [smem:$0x3F90];
	s0 =	simm.s32 @p0 $0x1  }
0x13: {  	[smem:$0x3FAB] =	sst s0;
	s0 =	simm.s32 @!p1 $0x0  }
0x14: {  	s2 =	sld [smem:$0x3F8F];
	s0 =	simm.s32 @p1 $0x1  }
0x15: {  	[smem:$0x3FAC] =	sst s0;
	s0 =	simm.s32 @!p2 $0x0  }
0x16: {  	s3 =	sld [smem:$0x3FDB];
	s0 =	simm.s32 @p2 $0x1  }
0x17: {  	s4 =	simm.s32 $0x1BF5;
	[smem:$0x3FAE] =	sst s0  }
0x18: {  	s0 =	sld [smem:$0x3F91];
	_ =	swait.ge [sflag:s4], $0x0  }
0x19: {  	s7 =	sld [smem:$0x3F92]  }
0x1a: {  	s8 =	sadd.s32 $0xFFFFE003, lr  }
0x1b: {  	s9 =	sadd.s32 $0xFFFFFEF7, lr;
	s5 =	simm.s32 $0xFFFFFFFF;
	p2 =	slt.u32 s8, $0xFFFFF086  }
0x1c: {  	p1 =	slt.u32 s9, $0xF7A;
	s5 =	simm.s32 @!p2 $0x0  }
0x1d: {  	s5 =	simm.s32 @p1 $0x1;
	p0 =	seq.s32 s7, s2  }
0x1e: {  	s7 =	smul.u32 @!p0 $0xF7A, s2;
	p2 =	seq.s32 @!p0 s5, $0x0  }
0x1f: {  	s9 =	smul.u32 $0xF7A, s1;
	s8 =	simm.s32 @!p0 $0x1BF5;
	p2 =	por !p2, p0  }
0x20: {  	[sflag:s8] =	ssyncset.s32 @!p0 $0xFFFFF086;
	s6 =	sadd.s32 @!p0 s3, s7;
	s7 =	simm.s32 @!p0 $0x108  }
0x21: {  	s3 =	sadd.s32 s3, s9;
	s6 =	sadd.s32 @!p0 $0x88, s6;
	s7 =	simm.s32 @p2 $0x1082  }
0x22: {  	[simem:s7], [sflag:s8] =	dma.local @!p0 [hbm:s6], $0xF7A  }
0x23: {  	s9 =	sor.u32 $0xD0000000, s2;
	s6 =	simm.s32 $0x108;
	_ =	swait.ge @!p0 [sflag:s8], $0x0  }
0x24: {  	s3 =	sadd.s32 $0x88, s3;
	s6 =	simm.s32 @!p1 $0x1082;
	[sflag:s4] =	ssyncset.s32 $0xFFFFF086  }
0x25: {  	[simem:s6], [sflag:s4] =	dma.local [hbm:s3], $0xF7A  }
0x26: {  	[smem:$0x3F92] =	sst s1;
	(tag) =	ssettag s2;
	_ =	strace s9  }
0x27: {  	s1 =	sld [smem:$0x3FA2]  }
0x28: {  	s2 =	sld [smem:$0x3FA3]  }
0x29: {  	s4 =	sld [smem:$0x3FA5]  }
0x2a: {  	p0 =	seq.s32 s5, $0x0;
	s5 =	sld [smem:$0x3FA6]  }
0x2b: {  	s6 =	sld [smem:$0x3FA7]  }
0x2c: {  	s7 =	sld [smem:$0x3FA8]  }
0x2d: {  	s3 =	simm.s32 $0x108;
	s8 =	sld [smem:$0x3FA9]  }
0x2e: {  	s3 =	simm.s32 @!p0 $0x1082;
	s9 =	sld [smem:$0x3FAA]  }
0x2f: {  	lr =	sadd.s32 s0, s3;
	s0 =	sld [smem:$0x3FA1]  }
0x30: {  	s3 =	sld [smem:$0x3FA4]  }
0x31: {  	[smem:$0x3FAD] =	sst s10  }
0x32: {  	s10 =	sld [smem:$0x3FAB];
	_ =	sdelay $0x3  }
0x33: {  	p0 =	seq.s32 s10, $0x1;
	s10 =	sld [smem:$0x3FAD];
	_ =	sdelay $0x3  }
0x34: {  	[smem:$0x3FAD] =	sst s10  }
0x35: {  	s10 =	sld [smem:$0x3FAC];
	_ =	sdelay $0x3  }
0x36: {  	p1 =	seq.s32 s10, $0x1;
	s10 =	sld [smem:$0x3FAD];
	_ =	sdelay $0x3  }
0x37: {  	[smem:$0x3FAD] =	sst s10  }
0x38: {  	s10 =	sld [smem:$0x3FAE]  }
0x39: {  	_ = 	snop;
	(pc) =	sbr.ind lr, $3  }
0x3a: {  	_ = 	snop  }
0x3b: {  	_ = 	snop  }
0x3c: {  	p2 =	seq.s32 s10, $0x1;
	s10 =	sld [smem:$0x3FAD]  }
0x3d: {  	_ =	shalt  }
0x3e: {  	_ =	shalt  }
0x3f: {  	_ =	shalt  }
0x40: {  	_ =	shalt  }
0x41: {  	_ =	shalt  }
0x42: {  	_ =	shalt  }
0x43: {  	_ =	shalt  }
0x44: {  	_ =	shalt  }
0x45: {  	_ =	shalt  }
0x46: {  	_ =	shalt  }
0x47: {  	_ =	shalt  }
0x48: {  	_ =	shalt  }
0x49: {  	_ =	shalt  }
0x4a: {  	_ =	shalt  }
0x4b: {  	_ =	shalt  }
0x4c: {  	_ =	shalt  }
0x4d: {  	_ =	shalt  }
0x4e: {  	_ =	shalt  }
0x4f: {  	_ =	shalt  }
0x50: {  	_ =	shalt  }
0x51: {  	_ =	shalt  }
0x52: {  	_ =	shalt  }
0x53: {  	_ =	shalt  }
0x54: {  	_ =	shalt  }
0x55: {  	_ =	shalt  }
0x56: {  	_ =	shalt  }
0x57: {  	_ =	shalt  }
0x58: {  	_ =	shalt  }
0x59: {  	_ =	shalt  }
0x5a: {  	_ =	shalt  }
0x5b: {  	_ =	shalt  }
0x5c: {  	_ =	shalt  }
0x5d: {  	_ =	shalt  }
0x5e: {  	_ =	shalt  }
0x5f: {  	_ =	shalt  }
0x60: {  	_ =	shalt  }
0x61: {  	_ =	shalt  }
0x62: {  	_ =	shalt  }
0x63: {  	_ =	shalt  }
0x64: {  	_ =	shalt  }
0x65: {  	_ =	shalt  }
0x66: {  	_ =	shalt  }
0x67: {  	_ =	shalt  }
0x68: {  	_ =	shalt  }
0x69: {  	_ =	shalt  }
0x6a: {  	_ =	shalt  }
0x6b: {  	_ =	shalt  }
0x6c: {  	_ =	shalt  }
0x6d: {  	_ =	shalt  }
0x6e: {  	_ =	shalt  }
0x6f: {  	_ =	shalt  }
0x70: {  	_ =	shalt  }
0x71: {  	_ =	shalt  }
0x72: {  	_ =	shalt  }
0x73: {  	_ =	shalt  }
0x74: {  	_ =	shalt  }
0x75: {  	_ =	shalt  }
0x76: {  	_ =	shalt  }
0x77: {  	_ =	shalt  }
0x78: {  	_ =	shalt  }
0x79: {  	_ =	shalt  }
0x7a: {  	_ =	shalt  }
0x7b: {  	_ =	shalt  }
0x7c: {  	_ =	shalt  }
0x7d: {  	_ =	shalt  }
0x7e: {  	_ =	shalt  }
0x7f: {  	_ =	shalt  }
0x80: {  	_ =	shalt  }
0x81: {  	_ =	shalt  }
0x82: {  	_ =	shalt  }
0x83: {  	_ =	shalt  }
0x84: {  	_ =	shalt  }
0x85: {  	_ =	shalt  }
0x86: {  	_ =	shalt  }
0x87: {  	_ =	shalt  }
.Lfunc_end0:
.L_simem_size_0:
called_computation.1_lowered:
.L_overlay_start_0:
0x88: {  	s2 =	sld [smem:$0x3FD9]  }
0x89: {  	s3 =	sld [smem:$0x3FFE];
	_ =	sdelay $0x1  }
0x8a: {  	s1 =	srdreg.scid  }
0x8b: {  	s0 =	sand.u32 $0x1, s1  }
0x8c: {  	s17 =	sshll.u32 s0, $0xA;
	s2 =	sadd.s32 s3, s2  }
0x8d: {  	s2 =	sadd.s32 s2, s17  }
0x8e: {  	[smem:$0x3FB9] =	sst s2  }
0x8f: {  	_ = 	snop  }
0x90: {  	s2 =	sld [smem:$0x3FD0];
	(tm) =	ssettm $0x1  }
0x91: {  	s18 =	sld [smem:$0x3FFB];
	_ =	sdelay $0x3  }
0x92: {  	_ =	strace s18  }
0x93: {  	s3 =	sld [smem:$0x3FFC];
	_ =	sdelay $0x3  }
0x94: {  	_ =	strace s3  }
0x95: {  	s3 =	sld [smem:$0x3FFD];
	_ =	sdelay $0x3  }
0x96: {  	_ =	strace s3  }
0x97: {  	_ =	strace $0x8FFFFFFF  }
0x98: {  	s19 =	sld [smem:$0x3FDB];
	_ =	sdelay $0x1  }
0x99: {  	s4 =	simm.s32 $_scs_section_size  }
0x9a: {  	s5 =	simm.s32 $_size__tile_overlayer_lowered;
	s6 =	simm.s32 $_tile_overlayer_lowered  }
0x9b: {  	s22 =	simm.s32 $0x1BFF;
	s21 =	sshll.u32 s6, $0x1;
	s3 =	sadd.s32 s4, s19  }
0x9c: {  	s7 =	simm.s32 $0x0;
	s20 =	sshll.u32 s5, $0x1;
	s5 =	sadd.s32 s21, s3  }
0x9d: {  	[timem:s7], [sflag:s22] =	dma.local [hbm:s5], s20  }
0x9e: {  	_ =	swait.ge [sflag:s22], s20  }
0x9f: {  	s4 =	ssub.s32 $0x0, s20;
	[sflag:s22] =	ssyncset.done $0x0  }
0xa0: {  	[sflag:s22] =	ssyncadd.s32 s4;
	_ =	sdelay $0x1  }
0xa1: {  	s23 =	simm.s32 $0x1B8B  }
0xa2: {  	_ =	swait.ge [sflag:s23], $0x1  }
0xa3: {  	[sflag:s23] =	ssyncset.done $0x0  }
0xa4: {  	s25 =	simm.s32 $0x1B8E;
	s24 =	sld [smem:$0x3FFE];
	[sflag:s23] =	ssyncadd.s32 $0xFFFFFFFF  }
0xa5: {  	s26 =	simm.s32 $execute0_lowered;
	[smem:$0x3FD2] =	sst s25  }
0xa6: {  	s5 =	sshll.u32 s26, $0x1;
	_ =	strace $0x80000046;
	[dreg:$0x1] =	wrdreg $0xFFFFFFFF  }
0xa7: {  	s28 =	simm.s32 $_size_execute0_lowered;
	s3 =	sadd.s32 s3, s5;
	[dreg:$0x0] =	wrdreg $0x0  }
0xa8: {  	s5 =	sshll.u32 s28, $0x1;
	[dreg:$0x2] =	wrdreg s3  }
0xa9: {  	[dreg:$0x3] =	wrdreg s5  }
0xaa: {  	[dreg:$0x4] =	wrdreg $0xC0  }
0xab: {  	_ =	task [dreg:s7], $0x5FFFF  }
0xac: {  	[dreg:$0x1] =	wrdreg $0xFFFFFFFF  }
0xad: {  	[dreg:$0x0] =	wrdreg $0x60  }
0xae: {  	[dreg:$0x2] =	wrdreg s24  }
0xaf: {  	[dreg:$0x3] =	wrdreg s2  }
0xb0: {  	[dreg:$0x4] =	wrdreg $0xA8000  }
0xb1: {  	[dreg:$0x5] =	wrdreg $0xA  }
0xb2: {  	_ =	task.clear_ibuf [dreg:s7], $0x6FFFF;
	_ =	strace $0x90000046  }
0xb3: {  	s29 =	simm.s32 $0xA;
	_ =	strace $0x80000048  }
0xb4: {  	_ =	swait.ge [sflag:s29], $0x1  }
0xb5: {  	[sflag:s29] =	ssyncadd.s32 $0xFFFFFFFF  }
0xb6: {  	_ =	strace $0x90000048  }
0xb7: {  	_ =	sfence  }
0xb8: {  	s30 =	sld [smem:$0x0];
	_ =	sdelay $0x2  }
0xb9: {  	s31 =	sshll.u32 s1, $0xD;
	s1 =	sshrl.u32 s1, $0x2  }
0xba: {  	s3 =	sand.u32 $0x4000, s31;
	s1 =	sadd.s32 s1, s30  }
0xbb: {  	s0 =	sor.u32 s3, s0;
	s1 =	sshll.u32 s1, $0x11  }
0xbc: {  	s0 =	sor.u32 s1, s0  }
0xbd: {  	s0 =	sadd.s32 $0x8F2B, s0  }
0xbe: {  	[sflag:s0] =	ssyncadd.remote.s32 $0x1  }
0xbf: {  	_ =	sfence.sel $0xFFFF  }
0xc0: {  	[dreg:$0x0] =	wrdreg $0xFFFFFFFF;
	(pc) =	sbr.abs _section_cstart, $3  }
0xc1: {  	[dreg:$0x1] =	wrdreg $0xFFFFFFFF  }
0xc2: {  	_ =	task.clear_ibuf [dreg:s7], $0x2FFFF;
	_ =	strace $0x9FFFFFFF  }
0xc3: {  	(tm) =	ssettm $0x7FFFFFFF  }
tec
execute0_lowered:
.L_overlay_start_1:
0x0: {  	(tag) =	ssettag $0x1  }
0x1: {  	s5 =	rddreg [dreg:$0x0]  }
0x2: {  	s10 =	rddreg [dreg:$0x1]  }
0x3: {  	s2 =	rddreg [dreg:$0x2]  }
0x4: {  	s0 =	rddreg [dreg:$0x3];
	s1 =	stileid.u32  }
0x5: {  	s4 =	srdreg.scid;
	s3 =	simm.s32 $0x0;
	s16 =	simm.s32 $0x80  }
0x6: {  	s17 =	simm.s32 $0x2800;
	s18 =	simm.s32 $0x6800;
	s19 =	simm.s32 $0x1  }
0x7: {  	s20 =	simm.s32 $0x2;
	s21 =	simm.s32 $0x2700;
	s22 =	simm.s32 $0x2780  }
0x8: {  	s23 =	simm.s32 $0x0;
	s6 =	smul.u32 $0x14000, s1;
	s7 =	sand.u32 $0x1, s4  }
0x9: {  	[smem:$0x7FF] =	sst s3;
	s4 =	sadd.s32 $0xEA00, s5;
	s26 =	smul.u32 $0x50000, s1  }
0xa: {  	s11 =	sadd.s32 $0x4A00, s5;
	s30 =	sshll.u32 s1, $0x6;
	s8 =	smul.u32 $0x140000, s7  }
0xb: {  	_ =	strace $0x80000047;
	s12 =	sshll.u32 s7, $0x4;
	s28 =	ssub.s32 $0x2, s7  }
0xc: {  	s9 =	sshrl.u32 s6, $0x3;
	s29 =	sor.u32 s1, s12;
	s7 =	sshrl.u32 s28, $0x1  }
0xd: {  	s9 =	sadd.s32 s9, s5;
	s6 =	sadd.s32 s6, s8;
	s12 =	smul.u32 $0x2800, s29  }
0xe: {  	s8 =	sshrl.u32 s26, $0x2;
	s14 =	ssub.s32 s28, s7;
	s6 =	sshrl.u32 s6, $0x3  }
0xf: {  	s15 =	sadd.s32 s8, s2;
	s13 =	sadd.s32 s6, s5;
	s31 =	sshrl.u32 s12, $0x3  }
0x10: {  	s5 =	sadd.s32 $0x5EA00, s9;
	s6 =	sor.u32 $0x1C03, s30;
	s12 =	sadd.s32 $0x280, s31  }
0x11: {  	s7 =	sadd.s32 s11, s31;
	s8 =	sadd.s32 s10, s31;
	s9 =	sadd.s32 s11, s12  }
0x12: {  	s10 =	sadd.s32 s10, s12;
	s11 =	sadd.s32 $0x86A00, s13;
	s12 =	smax.u32 s14, $0x1  }
0x13: {  	s13 =	sshrl.u32 s15, $0x3;
	s14 =	simm.s32 $0x3;
	s15 =	simm.s32 $0x1400  }
.LBB2_1:
0x14: {  	[spmem:s13], [sflag:s6] =	dma.local [hbm:s5], $0x2800  }
0x15: {  	_ =	swait.ge [sflag:s14], $0x2800  }
0x16: {  	[sflag:s14] =	ssyncset.done $0x0  }
0x17: {  	[sflag:s14] =	ssyncadd.s32 $0xFFFFD800  }
0x18: {  	[bflag:$0x0] =	sbarrier.arrive $0xFFFF  }
0x19: {  	[tilespmem:s3], [sflag:$0x3] =	stream.linear.gather [hbm4b:s7+s3], $0x1400, $0x38;
	[tilespmem:$0x1E800] =	vst v63  }
0x1a: {  	_ =	swait.ge [sflag:s14], $0x1400  }
0x1b: {  	[sflag:s14] =	ssyncset.done $0x0  }
0x1c: {  	[sflag:s14] =	ssyncadd.s32 $0xFFFFEC00  }
0x1d: {  	[tilespmem:s15], [sflag:$0x3] =	stream.linear.gather [hbm4b:s8+s3], $0x1400, $0x38;
	[tilespmem:$0x1E800] =	vst v63  }
0x1e: {  	_ =	swait.ge [sflag:s14], $0x1400  }
0x1f: {  	[sflag:s14] =	ssyncset.done $0x0  }
0x20: {  	[sflag:s14] =	ssyncadd.s32 $0xFFFFEC00  }
0x21: {  	[tilespmem:s17], [sflag:$0x1] =	stream.indirect.gather [hbm4b:s4+s16], $0x80, s3, s16, $0xb8;
	[tilespmem:$0x1E800] =	vst v63  }
0x22: {  	_ = 	snop  }
0x23: {  	[tilespmem:s18], [sflag:$0x2] =	stream.indirect.gather [hbm4b:s4+s16], $0x80, s16, s16, $0xb8;
	[tilespmem:$0x1E800] =	vst v63  }
0x24: {  	_ =	swait.ge [sflag:s19], $0x4000  }
0x25: {  	[sflag:s19] =	ssyncset.done $0x0  }
0x26: {  	s24 =	simm.s32 $0x1400;
	[sflag:s19] =	ssyncadd.s32 $0xFFFFC000  }
0x27: {  	[spmem:s2] =	stream.indirect.scatter.add.f32 [tilespmem:s17], [sflag:$0x3], $0x80, s24, s16, $0xb8;
	[tilespmem:$0x1E800] =	vst v63  }
0x28: {  	_ =	swait.ge [sflag:s14], $0x4000  }
0x29: {  	[sflag:s14] =	ssyncset.done $0x0  }
0x2a: {  	s30 =	simm.s32 $0x100;
	[sflag:s14] =	ssyncadd.s32 $0xFFFFC000  }
0x2b: {  	[tilespmem:s17], [sflag:$0x1] =	stream.indirect.gather [hbm4b:s4+s16], $0x80, s30, s16, $0xb8;
	[tilespmem:$0x1E800] =	vst v63  }
0x2c: {  	_ =	swait.ge [sflag:s20], $0x4000  }
0x2d: {  	[sflag:s20] =	ssyncset.done $0x0  }
0x2e: {  	s31 =	simm.s32 $0x1480;
	[sflag:s20] =	ssyncadd.s32 $0xFFFFC000  }
0x2f: {  	[spmem:s2] =	stream.indirect.scatter.add.f32 [tilespmem:s18], [sflag:$0x3], $0x80, s31, s16, $0xb8;
	[tilespmem:$0x1E800] =	vst v63  }
0x30: {  	_ =	swait.ge [sflag:s14], $0x4000  }
0x31: {  	[sflag:s14] =	ssyncset.done $0x0  }
0x32: {  	s25 =	simm.s32 $0x180;
	s24 =	simm.s32 $0x400;
	[sflag:s14] =	ssyncadd.s32 $0xFFFFC000  }
.LBB2_2:
0x33: {  	[tilespmem:s18], [sflag:$0x2] =	stream.indirect.gather [hbm4b:s4+s16], $0x80, s25, s16, $0xb8;
	[tilespmem:$0x1E800] =	vst v63  }
0x34: {  	s25 =	smov.u32 s24  }
0x35: {  	p0 =	sne.s32 s24, $0x4800;
	s24 =	sadd.s32 $0x400, s24;
	_ =	swait.ge [sflag:s19], $0x4000  }
0x36: {  	s25 =	sshra.s32 s25, $0x2;
	[sflag:s19] =	ssyncset.done $0x0  }
0x37: {  	s26 =	sadd.s32 $0x1400, s25;
	[sflag:s19] =	ssyncadd.s32 $0xFFFFC000  }
0x38: {  	[spmem:s2] =	stream.indirect.scatter.add.f32 [tilespmem:s17], [sflag:$0x3], $0x80, s26, s16, $0xb8;
	[tilespmem:$0x1E800] =	vst v63  }
0x39: {  	_ =	swait.ge [sflag:s14], $0x4000  }
0x3a: {  	[sflag:s14] =	ssyncset.done $0x0  }
0x3b: {  	s26 =	sadd.s32 $0x100, s25;
	[sflag:s14] =	ssyncadd.s32 $0xFFFFC000  }
0x3c: {  	[tilespmem:s17], [sflag:$0x1] =	stream.indirect.gather [hbm4b:s4+s16], $0x80, s26, s16, $0xb8;
	[tilespmem:$0x1E800] =	vst v63  }
0x3d: {  	_ =	swait.ge [sflag:s20], $0x4000  }
0x3e: {  	[sflag:s20] =	ssyncset.done $0x0  }
.Ltmp0:
0x3f: {  	s26 =	sadd.s32 $0x1480, s25;
	[sflag:s20] =	ssyncadd.s32 $0xFFFFC000;
	(pc) =	sbr.rel @p0 .LBB2_2-.Ltmp0, $4  }
0x40: {  	[spmem:s2] =	stream.indirect.scatter.add.f32 [tilespmem:s18], [sflag:$0x3], $0x80, s26, s16, $0xb8;
	[tilespmem:$0x1E800] =	vst v63  }
0x41: {  	_ =	swait.ge [sflag:s14], $0x4000  }
0x42: {  	[sflag:s14] =	ssyncset.done $0x0  }
0x43: {  	s25 =	sadd.s32 $0x180, s25;
	[sflag:s14] =	ssyncadd.s32 $0xFFFFC000  }
0x44: {  	[tilespmem:s18], [sflag:$0x2] =	stream.indirect.gather [hbm4b:s4+s16], $0x80, s25, s16, $0xb8;
	[tilespmem:$0x1E800] =	vst v63  }
0x45: {  	_ =	swait.ge [sflag:s19], $0x4000  }
0x46: {  	[sflag:s19] =	ssyncset.done $0x0  }
0x47: {  	[sflag:s19] =	ssyncadd.s32 $0xFFFFC000  }
0x48: {  	[spmem:s2] =	stream.indirect.scatter.add.f32 [tilespmem:s17], [sflag:$0x3], $0x80, s21, s16, $0xb8;
	[tilespmem:$0x1E800] =	vst v63  }
0x49: {  	_ =	swait.ge [sflag:s14], $0x4000  }
0x4a: {  	[sflag:s14] =	ssyncset.done $0x0  }
0x4b: {  	[sflag:s14] =	ssyncadd.s32 $0xFFFFC000  }
0x4c: {  	_ =	swait.ge [sflag:s20], $0x4000  }
0x4d: {  	[sflag:s20] =	ssyncset.done $0x0  }
0x4e: {  	[sflag:s20] =	ssyncadd.s32 $0xFFFFC000  }
0x4f: {  	[spmem:s2] =	stream.indirect.scatter.add.f32 [tilespmem:s18], [sflag:$0x3], $0x80, s22, s16, $0xb8;
	[tilespmem:$0x1E800] =	vst v63  }
0x50: {  	_ =	swait.ge [sflag:s14], $0x4000  }
0x51: {  	[sflag:s14] =	ssyncset.done $0x0  }
0x52: {  	s24 =	simm.s32 $0x0;
	[sflag:s14] =	ssyncadd.s32 $0xFFFFC000  }
0x53: {  	[tilespmem:s24], [sflag:$0x3] =	stream.linear.gather [hbm4b:s9+s24], $0x1400, $0x38;
	[tilespmem:$0x1E800] =	vst v63  }
0x54: {  	_ =	swait.ge [sflag:s14], $0x1400  }
0x55: {  	[sflag:s14] =	ssyncset.done $0x0  }
0x56: {  	[sflag:s14] =	ssyncadd.s32 $0xFFFFEC00  }
0x57: {  	[tilespmem:s15], [sflag:$0x3] =	stream.linear.gather [hbm4b:s10+s24], $0x1400, $0x38;
	[tilespmem:$0x1E800] =	vst v63  }
0x58: {  	_ =	swait.ge [sflag:s14], $0x1400  }
0x59: {  	[sflag:s14] =	ssyncset.done $0x0  }
0x5a: {  	[sflag:s14] =	ssyncadd.s32 $0xFFFFEC00  }
0x5b: {  	[tilespmem:s17], [sflag:$0x1] =	stream.indirect.gather [hbm4b:s4+s16], $0x80, s24, s16, $0xb8;
	[tilespmem:$0x1E800] =	vst v63  }
0x5c: {  	_ = 	snop  }
0x5d: {  	[tilespmem:s18], [sflag:$0x2] =	stream.indirect.gather [hbm4b:s4+s16], $0x80, s16, s16, $0xb8;
	[tilespmem:$0x1E800] =	vst v63  }
0x5e: {  	_ =	swait.ge [sflag:s19], $0x4000  }
0x5f: {  	[sflag:s19] =	ssyncset.done $0x0  }
0x60: {  	s29 =	simm.s32 $0x1400;
	[sflag:s19] =	ssyncadd.s32 $0xFFFFC000  }
0x61: {  	[spmem:s2] =	stream.indirect.scatter.add.f32 [tilespmem:s17], [sflag:$0x3], $0x80, s29, s16, $0xb8;
	[tilespmem:$0x1E800] =	vst v63  }
0x62: {  	_ =	swait.ge [sflag:s14], $0x4000  }
0x63: {  	[sflag:s14] =	ssyncset.done $0x0  }
0x64: {  	s30 =	simm.s32 $0x100;
	[sflag:s14] =	ssyncadd.s32 $0xFFFFC000  }
0x65: {  	[tilespmem:s17], [sflag:$0x1] =	stream.indirect.gather [hbm4b:s4+s16], $0x80, s30, s16, $0xb8;
	[tilespmem:$0x1E800] =	vst v63  }
0x66: {  	_ =	swait.ge [sflag:s20], $0x4000  }
0x67: {  	[sflag:s20] =	ssyncset.done $0x0  }
0x68: {  	s31 =	simm.s32 $0x1480;
	[sflag:s20] =	ssyncadd.s32 $0xFFFFC000  }
0x69: {  	[spmem:s2] =	stream.indirect.scatter.add.f32 [tilespmem:s18], [sflag:$0x3], $0x80, s31, s16, $0xb8;
	[tilespmem:$0x1E800] =	vst v63  }
0x6a: {  	_ =	swait.ge [sflag:s14], $0x4000  }
0x6b: {  	[sflag:s14] =	ssyncset.done $0x0  }
0x6c: {  	s25 =	simm.s32 $0x180;
	s24 =	simm.s32 $0x400;
	[sflag:s14] =	ssyncadd.s32 $0xFFFFC000  }
.LBB2_4:
0x6d: {  	[tilespmem:s18], [sflag:$0x2] =	stream.indirect.gather [hbm4b:s4+s16], $0x80, s25, s16, $0xb8;
	[tilespmem:$0x1E800] =	vst v63  }
0x6e: {  	s25 =	smov.u32 s24  }
0x6f: {  	p0 =	sne.s32 s24, $0x4800;
	s24 =	sadd.s32 $0x400, s24;
	_ =	swait.ge [sflag:s19], $0x4000  }
0x70: {  	s25 =	sshra.s32 s25, $0x2;
	[sflag:s19] =	ssyncset.done $0x0  }
0x71: {  	s26 =	sadd.s32 $0x1400, s25;
	[sflag:s19] =	ssyncadd.s32 $0xFFFFC000  }
0x72: {  	[spmem:s2] =	stream.indirect.scatter.add.f32 [tilespmem:s17], [sflag:$0x3], $0x80, s26, s16, $0xb8;
	[tilespmem:$0x1E800] =	vst v63  }
0x73: {  	_ =	swait.ge [sflag:s14], $0x4000  }
0x74: {  	[sflag:s14] =	ssyncset.done $0x0  }
0x75: {  	s26 =	sadd.s32 $0x100, s25;
	[sflag:s14] =	ssyncadd.s32 $0xFFFFC000  }
0x76: {  	[tilespmem:s17], [sflag:$0x1] =	stream.indirect.gather [hbm4b:s4+s16], $0x80, s26, s16, $0xb8;
	[tilespmem:$0x1E800] =	vst v63  }
0x77: {  	_ =	swait.ge [sflag:s20], $0x4000  }
0x78: {  	[sflag:s20] =	ssyncset.done $0x0  }
.Ltmp1:
0x79: {  	s26 =	sadd.s32 $0x1480, s25;
	[sflag:s20] =	ssyncadd.s32 $0xFFFFC000;
	(pc) =	sbr.rel @p0 .LBB2_4-.Ltmp1, $4  }
0x7a: {  	[spmem:s2] =	stream.indirect.scatter.add.f32 [tilespmem:s18], [sflag:$0x3], $0x80, s26, s16, $0xb8;
	[tilespmem:$0x1E800] =	vst v63  }
0x7b: {  	_ =	swait.ge [sflag:s14], $0x4000  }
0x7c: {  	[sflag:s14] =	ssyncset.done $0x0  }
0x7d: {  	s25 =	sadd.s32 $0x180, s25;
	[sflag:s14] =	ssyncadd.s32 $0xFFFFC000  }
0x7e: {  	[tilespmem:s18], [sflag:$0x2] =	stream.indirect.gather [hbm4b:s4+s16], $0x80, s25, s16, $0xb8;
	[tilespmem:$0x1E800] =	vst v63  }
0x7f: {  	_ =	swait.ge [sflag:s19], $0x4000  }
0x80: {  	[sflag:s19] =	ssyncset.done $0x0  }
0x81: {  	[sflag:s19] =	ssyncadd.s32 $0xFFFFC000  }
0x82: {  	[spmem:s2] =	stream.indirect.scatter.add.f32 [tilespmem:s17], [sflag:$0x3], $0x80, s21, s16, $0xb8;
	[tilespmem:$0x1E800] =	vst v63  }
0x83: {  	_ =	swait.ge [sflag:s14], $0x4000  }
0x84: {  	[sflag:s14] =	ssyncset.done $0x0  }
0x85: {  	[sflag:s14] =	ssyncadd.s32 $0xFFFFC000  }
0x86: {  	_ =	swait.ge [sflag:s20], $0x4000  }
0x87: {  	[sflag:s20] =	ssyncset.done $0x0  }
0x88: {  	[sflag:s20] =	ssyncadd.s32 $0xFFFFC000  }
0x89: {  	[spmem:s2] =	stream.indirect.scatter.add.f32 [tilespmem:s18], [sflag:$0x3], $0x80, s22, s16, $0xb8;
	[tilespmem:$0x1E800] =	vst v63  }
0x8a: {  	_ =	swait.ge [sflag:s14], $0x4000  }
0x8b: {  	s23 =	sadd.s32 $0x1, s23;
	[sflag:s14] =	ssyncset.done $0x0  }
0x8c: {  	p0 =	sne.s32 s23, s12;
	[sflag:s14] =	ssyncadd.s32 $0xFFFFC000  }
.Ltmp2:
0x8d: {  	[bflag:$0x0] =	sbarrier.arrive $0xFFFF;
	(pc) =	sbr.rel @p0 .LBB2_1-.Ltmp2, $4  }
0x8e: {  	[hbm:s11], [sflag:s6] =	dma.local [spmem:s13], $0x2800  }
0x8f: {  	_ =	swait.ge [sflag:s14], $0x2800  }
0x90: {  	[sflag:s14] =	ssyncset.done $0x0  }
0x91: {  	[sflag:s14] =	ssyncadd.s32 $0xFFFFD800  }
0x92: {  	_ =	sfence.sel $0x180000  }
0x93: {  	[bflag:$0x0] =	sbarrier.arrive $0xFFFF  }
0x94: {  	p0 =	sne.s32 s1, $0x0;
	_ =	strace $0x90000047  }
0x95: {  	s0 =	sadd.s32 @!p0 $0x100000, s0;
	[bflag:$0x2] =	sbarrier.arrive $0xFFFF  }
0x96: {  	[sflag:s0] =	ssyncadd.tile.s32 @!p0 $0x1;
	_ =	shalt  }
.Lfunc_end2:
_tile_overlayer_lowered:
.L_overlay_start_2:
0x97: {  	(tag) =	ssettag $0x2  }
0x98: {  	s0 =	rddreg [dreg:$0x0];
	s2 =	stileid.u32  }
0x99: {  	s1 =	rddreg [dreg:$0x1];
	p0 =	sne.s32 s2, $0x0  }
0x9a: {  	s3 =	rddreg [dreg:$0x2];
	[bflag:$0x3] =	sbarrier.arrive $0xFFFF;
	s2 =	simm.s32 @!p0 $0x1C03  }
0x9b: {  	[timem:s3], [sflag:s2] =	dma.local @!p0 [hbm:s0], s1  }
0x9c: {  	s0 =	simm.s32 @!p0 $0x3  }
0x9d: {  	_ =	swait.ge @!p0 [sflag:s0], s1  }
0x9e: {  	s1 =	ssub.s32 @!p0 $0x0, s1;
	[sflag:s0] =	ssyncset.done @!p0 $0x0  }
0x9f: {  	[sflag:s0] =	ssyncadd.s32 @!p0 s1  }
0xa0: {  	[bflag:$0x3] =	sbarrier.arrive $0xFFFF  }
0xa1: {  	_ =	shalt  }

// kernel: kernel.16.cloned.1.call-start
scs
__scs_entry_jumppad:
0x0: {  	(pc) =	sbr.rel $0x88, $3  }
0x1: {  	(tag) =	ssettag $0x0;
	lr =	simm.s32 $0x1  }
0x2: {  	[smem:$0x3F92] =	sst lr;
	_ =	strace $0xD0000000  }
0x3: {  	_ = 	snop  }
0x4: {  	_ = 	snop  }
0x5: {  	_ = 	snop  }
0x6: {  	_ = 	snop  }
0x7: {  	_ = 	snop  }
__scs_overlays_trampoline_lowered:
0x8: {  	[smem:$0x3FA1] =	sst s0  }
0x9: {  	[smem:$0x3FA2] =	sst s1  }
0xa: {  	[smem:$0x3FA3] =	sst s2  }
0xb: {  	[smem:$0x3FA4] =	sst s3  }
0xc: {  	[smem:$0x3FA5] =	sst s4  }
0xd: {  	[smem:$0x3FA6] =	sst s5  }
0xe: {  	[smem:$0x3FA7] =	sst s6  }
0xf: {  	[smem:$0x3FA8] =	sst s7  }
0x10: {  	[smem:$0x3FA9] =	sst s8  }
0x11: {  	[smem:$0x3FAA] =	sst s9;
	s0 =	simm.s32 @!p0 $0x0  }
0x12: {  	s1 =	sld [smem:$0x3F90];
	s0 =	simm.s32 @p0 $0x1  }
0x13: {  	[smem:$0x3FAB] =	sst s0;
	s0 =	simm.s32 @!p1 $0x0  }
0x14: {  	s2 =	sld [smem:$0x3F8F];
	s0 =	simm.s32 @p1 $0x1  }
0x15: {  	[smem:$0x3FAC] =	sst s0;
	s0 =	simm.s32 @!p2 $0x0  }
0x16: {  	s3 =	sld [smem:$0x3FDB];
	s0 =	simm.s32 @p2 $0x1  }
0x17: {  	s4 =	simm.s32 $0x1BF5;
	[smem:$0x3FAE] =	sst s0  }
0x18: {  	s0 =	sld [smem:$0x3F91];
	_ =	swait.ge [sflag:s4], $0x0  }
0x19: {  	s7 =	sld [smem:$0x3F92]  }
0x1a: {  	s8 =	sadd.s32 $0xFFFFE003, lr  }
0x1b: {  	s9 =	sadd.s32 $0xFFFFFEF7, lr;
	s5 =	simm.s32 $0xFFFFFFFF;
	p2 =	slt.u32 s8, $0xFFFFF086  }
0x1c: {  	p1 =	slt.u32 s9, $0xF7A;
	s5 =	simm.s32 @!p2 $0x0  }
0x1d: {  	s5 =	simm.s32 @p1 $0x1;
	p0 =	seq.s32 s7, s2  }
0x1e: {  	s7 =	smul.u32 @!p0 $0xF7A, s2;
	p2 =	seq.s32 @!p0 s5, $0x0  }
0x1f: {  	s9 =	smul.u32 $0xF7A, s1;
	s8 =	simm.s32 @!p0 $0x1BF5;
	p2 =	por !p2, p0  }
0x20: {  	[sflag:s8] =	ssyncset.s32 @!p0 $0xFFFFF086;
	s6 =	sadd.s32 @!p0 s3, s7;
	s7 =	simm.s32 @!p0 $0x108  }
0x21: {  	s3 =	sadd.s32 s3, s9;
	s6 =	sadd.s32 @!p0 $0x88, s6;
	s7 =	simm.s32 @p2 $0x1082  }
0x22: {  	[simem:s7], [sflag:s8] =	dma.local @!p0 [hbm:s6], $0xF7A  }
0x23: {  	s9 =	sor.u32 $0xD0000000, s2;
	s6 =	simm.s32 $0x108;
	_ =	swait.ge @!p0 [sflag:s8], $0x0  }
0x24: {  	s3 =	sadd.s32 $0x88, s3;
	s6 =	simm.s32 @!p1 $0x1082;
	[sflag:s4] =	ssyncset.s32 $0xFFFFF086  }
0x25: {  	[simem:s6], [sflag:s4] =	dma.local [hbm:s3], $0xF7A  }
0x26: {  	[smem:$0x3F92] =	sst s1;
	(tag) =	ssettag s2;
	_ =	strace s9  }
0x27: {  	s1 =	sld [smem:$0x3FA2]  }
0x28: {  	s2 =	sld [smem:$0x3FA3]  }
0x29: {  	s4 =	sld [smem:$0x3FA5]  }
0x2a: {  	p0 =	seq.s32 s5, $0x0;
	s5 =	sld [smem:$0x3FA6]  }
0x2b: {  	s6 =	sld [smem:$0x3FA7]  }
0x2c: {  	s7 =	sld [smem:$0x3FA8]  }
0x2d: {  	s3 =	simm.s32 $0x108;
	s8 =	sld [smem:$0x3FA9]  }
0x2e: {  	s3 =	simm.s32 @!p0 $0x1082;
	s9 =	sld [smem:$0x3FAA]  }
0x2f: {  	lr =	sadd.s32 s0, s3;
	s0 =	sld [smem:$0x3FA1]  }
0x30: {  	s3 =	sld [smem:$0x3FA4]  }
0x31: {  	[smem:$0x3FAD] =	sst s10  }
0x32: {  	s10 =	sld [smem:$0x3FAB];
	_ =	sdelay $0x3  }
0x33: {  	p0 =	seq.s32 s10, $0x1;
	s10 =	sld [smem:$0x3FAD];
	_ =	sdelay $0x3  }
0x34: {  	[smem:$0x3FAD] =	sst s10  }
0x35: {  	s10 =	sld [smem:$0x3FAC];
	_ =	sdelay $0x3  }
0x36: {  	p1 =	seq.s32 s10, $0x1;
	s10 =	sld [smem:$0x3FAD];
	_ =	sdelay $0x3  }
0x37: {  	[smem:$0x3FAD] =	sst s10  }
0x38: {  	s10 =	sld [smem:$0x3FAE]  }
0x39: {  	_ = 	snop;
	(pc) =	sbr.ind lr, $3  }
0x3a: {  	_ = 	snop  }
0x3b: {  	_ = 	snop  }
0x3c: {  	p2 =	seq.s32 s10, $0x1;
	s10 =	sld [smem:$0x3FAD]  }
0x3d: {  	_ =	shalt  }
0x3e: {  	_ =	shalt  }
0x3f: {  	_ =	shalt  }
0x40: {  	_ =	shalt  }
0x41: {  	_ =	shalt  }
0x42: {  	_ =	shalt  }
0x43: {  	_ =	shalt  }
0x44: {  	_ =	shalt  }
0x45: {  	_ =	shalt  }
0x46: {  	_ =	shalt  }
0x47: {  	_ =	shalt  }
0x48: {  	_ =	shalt  }
0x49: {  	_ =	shalt  }
0x4a: {  	_ =	shalt  }
0x4b: {  	_ =	shalt  }
0x4c: {  	_ =	shalt  }
0x4d: {  	_ =	shalt  }
0x4e: {  	_ =	shalt  }
0x4f: {  	_ =	shalt  }
0x50: {  	_ =	shalt  }
0x51: {  	_ =	shalt  }
0x52: {  	_ =	shalt  }
0x53: {  	_ =	shalt  }
0x54: {  	_ =	shalt  }
0x55: {  	_ =	shalt  }
0x56: {  	_ =	shalt  }
0x57: {  	_ =	shalt  }
0x58: {  	_ =	shalt  }
0x59: {  	_ =	shalt  }
0x5a: {  	_ =	shalt  }
0x5b: {  	_ =	shalt  }
0x5c: {  	_ =	shalt  }
0x5d: {  	_ =	shalt  }
0x5e: {  	_ =	shalt  }
0x5f: {  	_ =	shalt  }
0x60: {  	_ =	shalt  }
0x61: {  	_ =	shalt  }
0x62: {  	_ =	shalt  }
0x63: {  	_ =	shalt  }
0x64: {  	_ =	shalt  }
0x65: {  	_ =	shalt  }
0x66: {  	_ =	shalt  }
0x67: {  	_ =	shalt  }
0x68: {  	_ =	shalt  }
0x69: {  	_ =	shalt  }
0x6a: {  	_ =	shalt  }
0x6b: {  	_ =	shalt  }
0x6c: {  	_ =	shalt  }
0x6d: {  	_ =	shalt  }
0x6e: {  	_ =	shalt  }
0x6f: {  	_ =	shalt  }
0x70: {  	_ =	shalt  }
0x71: {  	_ =	shalt  }
0x72: {  	_ =	shalt  }
0x73: {  	_ =	shalt  }
0x74: {  	_ =	shalt  }
0x75: {  	_ =	shalt  }
0x76: {  	_ =	shalt  }
0x77: {  	_ =	shalt  }
0x78: {  	_ =	shalt  }
0x79: {  	_ =	shalt  }
0x7a: {  	_ =	shalt  }
0x7b: {  	_ =	shalt  }
0x7c: {  	_ =	shalt  }
0x7d: {  	_ =	shalt  }
0x7e: {  	_ =	shalt  }
0x7f: {  	_ =	shalt  }
0x80: {  	_ =	shalt  }
0x81: {  	_ =	shalt  }
0x82: {  	_ =	shalt  }
0x83: {  	_ =	shalt  }
0x84: {  	_ =	shalt  }
0x85: {  	_ =	shalt  }
0x86: {  	_ =	shalt  }
0x87: {  	_ =	shalt  }
.Lfunc_end0:
.L_simem_size_0:
called_computation.2_lowered:
.L_overlay_start_0:
0x88: {  	s2 =	sld [smem:$0x3FD9]  }
0x89: {  	s3 =	sld [smem:$0x3FFE];
	_ =	sdelay $0x1  }
0x8a: {  	s1 =	srdreg.scid  }
0x8b: {  	s0 =	sand.u32 $0x1, s1  }
0x8c: {  	s17 =	sshll.u32 s0, $0xA;
	s2 =	sadd.s32 s3, s2  }
0x8d: {  	s2 =	sadd.s32 s2, s17  }
0x8e: {  	[smem:$0x3FB9] =	sst s2  }
0x8f: {  	_ = 	snop  }
0x90: {  	s2 =	sld [smem:$0x3FD0];
	(tm) =	ssettm $0x1  }
0x91: {  	s18 =	sld [smem:$0x3FFB];
	_ =	sdelay $0x3  }
0x92: {  	_ =	strace s18  }
0x93: {  	s3 =	sld [smem:$0x3FFC];
	_ =	sdelay $0x3  }
0x94: {  	_ =	strace s3  }
0x95: {  	s3 =	sld [smem:$0x3FFD];
	_ =	sdelay $0x3  }
0x96: {  	_ =	strace s3  }
0x97: {  	_ =	strace $0x8FFFFFFF  }
0x98: {  	s19 =	sld [smem:$0x3FDB];
	_ =	sdelay $0x1  }
0x99: {  	s4 =	simm.s32 $_scs_section_size  }
0x9a: {  	s5 =	simm.s32 $_size__tile_overlayer_lowered;
	s6 =	simm.s32 $_tile_overlayer_lowered  }
0x9b: {  	s22 =	simm.s32 $0x1BFF;
	s21 =	sshll.u32 s6, $0x1;
	s3 =	sadd.s32 s4, s19  }
0x9c: {  	s7 =	simm.s32 $0x0;
	s20 =	sshll.u32 s5, $0x1;
	s5 =	sadd.s32 s21, s3  }
0x9d: {  	[timem:s7], [sflag:s22] =	dma.local [hbm:s5], s20  }
0x9e: {  	_ =	swait.ge [sflag:s22], s20  }
0x9f: {  	s4 =	ssub.s32 $0x0, s20;
	[sflag:s22] =	ssyncset.done $0x0  }
0xa0: {  	[sflag:s22] =	ssyncadd.s32 s4;
	_ =	sdelay $0x1  }
0xa1: {  	s23 =	simm.s32 $0x1B8B  }
0xa2: {  	_ =	swait.ge [sflag:s23], $0x1  }
0xa3: {  	[sflag:s23] =	ssyncset.done $0x0  }
0xa4: {  	s25 =	simm.s32 $0x1B8E;
	s24 =	sld [smem:$0x3FFE];
	[sflag:s23] =	ssyncadd.s32 $0xFFFFFFFF  }
0xa5: {  	s26 =	simm.s32 $execute0_lowered;
	[smem:$0x3FD2] =	sst s25  }
0xa6: {  	s5 =	sshll.u32 s26, $0x1;
	_ =	strace $0x8000004C;
	[dreg:$0x1] =	wrdreg $0xFFFFFFFF  }
0xa7: {  	s28 =	simm.s32 $_size_execute0_lowered;
	s3 =	sadd.s32 s3, s5;
	[dreg:$0x0] =	wrdreg $0x0  }
0xa8: {  	s5 =	sshll.u32 s28, $0x1;
	[dreg:$0x2] =	wrdreg s3  }
0xa9: {  	[dreg:$0x3] =	wrdreg s5  }
0xaa: {  	[dreg:$0x4] =	wrdreg $0xC0  }
0xab: {  	_ =	task [dreg:s7], $0x5FFFF  }
0xac: {  	[dreg:$0x1] =	wrdreg $0xFFFFFFFF  }
0xad: {  	[dreg:$0x0] =	wrdreg $0x60  }
0xae: {  	[dreg:$0x2] =	wrdreg s24  }
0xaf: {  	[dreg:$0x3] =	wrdreg s2  }
0xb0: {  	[dreg:$0x4] =	wrdreg $0xA8000  }
0xb1: {  	[dreg:$0x5] =	wrdreg $0x9  }
0xb2: {  	_ =	task.clear_ibuf [dreg:s7], $0x6FFFF;
	_ =	strace $0x9000004C  }
0xb3: {  	s29 =	simm.s32 $0x9;
	_ =	strace $0x8000004E  }
0xb4: {  	_ =	swait.ge [sflag:s29], $0x1  }
0xb5: {  	[sflag:s29] =	ssyncadd.s32 $0xFFFFFFFF  }
0xb6: {  	_ =	strace $0x9000004E  }
0xb7: {  	_ =	sfence  }
0xb8: {  	s30 =	sld [smem:$0x0];
	_ =	sdelay $0x2  }
0xb9: {  	s31 =	sshll.u32 s1, $0xD;
	s1 =	sshrl.u32 s1, $0x2  }
0xba: {  	s3 =	sand.u32 $0x4000, s31;
	s1 =	sadd.s32 s1, s30  }
0xbb: {  	s0 =	sor.u32 s3, s0;
	s1 =	sshll.u32 s1, $0x11  }
0xbc: {  	s0 =	sor.u32 s1, s0  }
0xbd: {  	s0 =	sadd.s32 $0x8F2B, s0  }
0xbe: {  	[sflag:s0] =	ssyncadd.remote.s32 $0x1  }
0xbf: {  	_ =	sfence.sel $0xFFFF  }
0xc0: {  	[dreg:$0x0] =	wrdreg $0xFFFFFFFF;
	(pc) =	sbr.abs _section_cstart, $3  }
0xc1: {  	[dreg:$0x1] =	wrdreg $0xFFFFFFFF  }
0xc2: {  	_ =	task.clear_ibuf [dreg:s7], $0x2FFFF;
	_ =	strace $0x9FFFFFFF  }
0xc3: {  	(tm) =	ssettm $0x7FFFFFFF  }
tec
execute0_lowered:
.L_overlay_start_1:
0x0: {  	(tag) =	ssettag $0x1  }
0x1: {  	s5 =	rddreg [dreg:$0x0]  }
0x2: {  	s10 =	rddreg [dreg:$0x1]  }
0x3: {  	s2 =	rddreg [dreg:$0x2]  }
0x4: {  	s0 =	rddreg [dreg:$0x3];
	s1 =	stileid.u32  }
0x5: {  	s4 =	srdreg.scid;
	s3 =	simm.s32 $0x0;
	s16 =	simm.s32 $0x80  }
0x6: {  	s17 =	simm.s32 $0x2800;
	s18 =	simm.s32 $0x6800;
	s19 =	simm.s32 $0x1  }
0x7: {  	s20 =	simm.s32 $0x2;
	s21 =	simm.s32 $0x2700;
	s22 =	simm.s32 $0x2780  }
0x8: {  	s23 =	simm.s32 $0x0;
	s6 =	smul.u32 $0x14000, s1;
	s7 =	sand.u32 $0x1, s4  }
0x9: {  	[smem:$0x7FF] =	sst s3;
	s4 =	sadd.s32 $0xEA00, s5;
	s26 =	smul.u32 $0x50000, s1  }
0xa: {  	s11 =	sadd.s32 $0x4A00, s5;
	s30 =	sshll.u32 s1, $0x6;
	s8 =	smul.u32 $0x140000, s7  }
0xb: {  	_ =	strace $0x8000004D;
	s12 =	sshll.u32 s7, $0x4;
	s28 =	ssub.s32 $0x2, s7  }
0xc: {  	s9 =	sshrl.u32 s6, $0x3;
	s29 =	sor.u32 s1, s12;
	s7 =	sshrl.u32 s28, $0x1  }
0xd: {  	s9 =	sadd.s32 s9, s5;
	s6 =	sadd.s32 s6, s8;
	s12 =	smul.u32 $0x2800, s29  }
0xe: {  	s8 =	sshrl.u32 s26, $0x2;
	s14 =	ssub.s32 s28, s7;
	s6 =	sshrl.u32 s6, $0x3  }
0xf: {  	s15 =	sadd.s32 s8, s2;
	s13 =	sadd.s32 s6, s5;
	s31 =	sshrl.u32 s12, $0x3  }
0x10: {  	s5 =	sadd.s32 $0x5EA00, s9;
	s6 =	sor.u32 $0x1C03, s30;
	s12 =	sadd.s32 $0x280, s31  }
0x11: {  	s7 =	sadd.s32 s11, s31;
	s8 =	sadd.s32 s10, s31;
	s9 =	sadd.s32 s11, s12  }
0x12: {  	s10 =	sadd.s32 s10, s12;
	s11 =	sadd.s32 $0xAEA00, s13;
	s12 =	smax.u32 s14, $0x1  }
0x13: {  	s13 =	sshrl.u32 s15, $0x3;
	s14 =	simm.s32 $0x3;
	s15 =	simm.s32 $0x1400  }
.LBB2_1:
0x14: {  	[spmem:s13], [sflag:s6] =	dma.local [hbm:s5], $0x2800  }
0x15: {  	_ =	swait.ge [sflag:s14], $0x2800  }
0x16: {  	[sflag:s14] =	ssyncset.done $0x0  }
0x17: {  	[sflag:s14] =	ssyncadd.s32 $0xFFFFD800  }
0x18: {  	[bflag:$0x0] =	sbarrier.arrive $0xFFFF  }
0x19: {  	[tilespmem:s3], [sflag:$0x3] =	stream.linear.gather [hbm4b:s7+s3], $0x1400, $0x38;
	[tilespmem:$0x1E800] =	vst v63  }
0x1a: {  	_ =	swait.ge [sflag:s14], $0x1400  }
0x1b: {  	[sflag:s14] =	ssyncset.done $0x0  }
0x1c: {  	[sflag:s14] =	ssyncadd.s32 $0xFFFFEC00  }
0x1d: {  	[tilespmem:s15], [sflag:$0x3] =	stream.linear.gather [hbm4b:s8+s3], $0x1400, $0x38;
	[tilespmem:$0x1E800] =	vst v63  }
0x1e: {  	_ =	swait.ge [sflag:s14], $0x1400  }
0x1f: {  	[sflag:s14] =	ssyncset.done $0x0  }
0x20: {  	[sflag:s14] =	ssyncadd.s32 $0xFFFFEC00  }
0x21: {  	[tilespmem:s17], [sflag:$0x1] =	stream.indirect.gather [hbm4b:s4+s16], $0x80, s3, s16, $0xb8;
	[tilespmem:$0x1E800] =	vst v63  }
0x22: {  	_ = 	snop  }
0x23: {  	[tilespmem:s18], [sflag:$0x2] =	stream.indirect.gather [hbm4b:s4+s16], $0x80, s16, s16, $0xb8;
	[tilespmem:$0x1E800] =	vst v63  }
0x24: {  	_ =	swait.ge [sflag:s19], $0x4000  }
0x25: {  	[sflag:s19] =	ssyncset.done $0x0  }
0x26: {  	s24 =	simm.s32 $0x1400;
	[sflag:s19] =	ssyncadd.s32 $0xFFFFC000  }
0x27: {  	[spmem:s2] =	stream.indirect.scatter.add.f32 [tilespmem:s17], [sflag:$0x3], $0x80, s24, s16, $0xb8;
	[tilespmem:$0x1E800] =	vst v63  }
0x28: {  	_ =	swait.ge [sflag:s14], $0x4000  }
0x29: {  	[sflag:s14] =	ssyncset.done $0x0  }
0x2a: {  	s30 =	simm.s32 $0x100;
	[sflag:s14] =	ssyncadd.s32 $0xFFFFC000  }
0x2b: {  	[tilespmem:s17], [sflag:$0x1] =	stream.indirect.gather [hbm4b:s4+s16], $0x80, s30, s16, $0xb8;
	[tilespmem:$0x1E800] =	vst v63  }
0x2c: {  	_ =	swait.ge [sflag:s20], $0x4000  }
0x2d: {  	[sflag:s20] =	ssyncset.done $0x0  }
0x2e: {  	s31 =	simm.s32 $0x1480;
	[sflag:s20] =	ssyncadd.s32 $0xFFFFC000  }
0x2f: {  	[spmem:s2] =	stream.indirect.scatter.add.f32 [tilespmem:s18], [sflag:$0x3], $0x80, s31, s16, $0xb8;
	[tilespmem:$0x1E800] =	vst v63  }
0x30: {  	_ =	swait.ge [sflag:s14], $0x4000  }
0x31: {  	[sflag:s14] =	ssyncset.done $0x0  }
0x32: {  	s25 =	simm.s32 $0x180;
	s24 =	simm.s32 $0x400;
	[sflag:s14] =	ssyncadd.s32 $0xFFFFC000  }
.LBB2_2:
0x33: {  	[tilespmem:s18], [sflag:$0x2] =	stream.indirect.gather [hbm4b:s4+s16], $0x80, s25, s16, $0xb8;
	[tilespmem:$0x1E800] =	vst v63  }
0x34: {  	s25 =	smov.u32 s24  }
0x35: {  	p0 =	sne.s32 s24, $0x4800;
	s24 =	sadd.s32 $0x400, s24;
	_ =	swait.ge [sflag:s19], $0x4000  }
0x36: {  	s25 =	sshra.s32 s25, $0x2;
	[sflag:s19] =	ssyncset.done $0x0  }
0x37: {  	s26 =	sadd.s32 $0x1400, s25;
	[sflag:s19] =	ssyncadd.s32 $0xFFFFC000  }
0x38: {  	[spmem:s2] =	stream.indirect.scatter.add.f32 [tilespmem:s17], [sflag:$0x3], $0x80, s26, s16, $0xb8;
	[tilespmem:$0x1E800] =	vst v63  }
0x39: {  	_ =	swait.ge [sflag:s14], $0x4000  }
0x3a: {  	[sflag:s14] =	ssyncset.done $0x0  }
0x3b: {  	s26 =	sadd.s32 $0x100, s25;
	[sflag:s14] =	ssyncadd.s32 $0xFFFFC000  }
0x3c: {  	[tilespmem:s17], [sflag:$0x1] =	stream.indirect.gather [hbm4b:s4+s16], $0x80, s26, s16, $0xb8;
	[tilespmem:$0x1E800] =	vst v63  }
0x3d: {  	_ =	swait.ge [sflag:s20], $0x4000  }
0x3e: {  	[sflag:s20] =	ssyncset.done $0x0  }
.Ltmp0:
0x3f: {  	s26 =	sadd.s32 $0x1480, s25;
	[sflag:s20] =	ssyncadd.s32 $0xFFFFC000;
	(pc) =	sbr.rel @p0 .LBB2_2-.Ltmp0, $4  }
0x40: {  	[spmem:s2] =	stream.indirect.scatter.add.f32 [tilespmem:s18], [sflag:$0x3], $0x80, s26, s16, $0xb8;
	[tilespmem:$0x1E800] =	vst v63  }
0x41: {  	_ =	swait.ge [sflag:s14], $0x4000  }
0x42: {  	[sflag:s14] =	ssyncset.done $0x0  }
0x43: {  	s25 =	sadd.s32 $0x180, s25;
	[sflag:s14] =	ssyncadd.s32 $0xFFFFC000  }
0x44: {  	[tilespmem:s18], [sflag:$0x2] =	stream.indirect.gather [hbm4b:s4+s16], $0x80, s25, s16, $0xb8;
	[tilespmem:$0x1E800] =	vst v63  }
0x45: {  	_ =	swait.ge [sflag:s19], $0x4000  }
0x46: {  	[sflag:s19] =	ssyncset.done $0x0  }
0x47: {  	[sflag:s19] =	ssyncadd.s32 $0xFFFFC000  }
0x48: {  	[spmem:s2] =	stream.indirect.scatter.add.f32 [tilespmem:s17], [sflag:$0x3], $0x80, s21, s16, $0xb8;
	[tilespmem:$0x1E800] =	vst v63  }
0x49: {  	_ =	swait.ge [sflag:s14], $0x4000  }
0x4a: {  	[sflag:s14] =	ssyncset.done $0x0  }
0x4b: {  	[sflag:s14] =	ssyncadd.s32 $0xFFFFC000  }
0x4c: {  	_ =	swait.ge [sflag:s20], $0x4000  }
0x4d: {  	[sflag:s20] =	ssyncset.done $0x0  }
0x4e: {  	[sflag:s20] =	ssyncadd.s32 $0xFFFFC000  }
0x4f: {  	[spmem:s2] =	stream.indirect.scatter.add.f32 [tilespmem:s18], [sflag:$0x3], $0x80, s22, s16, $0xb8;
	[tilespmem:$0x1E800] =	vst v63  }
0x50: {  	_ =	swait.ge [sflag:s14], $0x4000  }
0x51: {  	[sflag:s14] =	ssyncset.done $0x0  }
0x52: {  	s24 =	simm.s32 $0x0;
	[sflag:s14] =	ssyncadd.s32 $0xFFFFC000  }
0x53: {  	[tilespmem:s24], [sflag:$0x3] =	stream.linear.gather [hbm4b:s9+s24], $0x1400, $0x38;
	[tilespmem:$0x1E800] =	vst v63  }
0x54: {  	_ =	swait.ge [sflag:s14], $0x1400  }
0x55: {  	[sflag:s14] =	ssyncset.done $0x0  }
0x56: {  	[sflag:s14] =	ssyncadd.s32 $0xFFFFEC00  }
0x57: {  	[tilespmem:s15], [sflag:$0x3] =	stream.linear.gather [hbm4b:s10+s24], $0x1400, $0x38;
	[tilespmem:$0x1E800] =	vst v63  }
0x58: {  	_ =	swait.ge [sflag:s14], $0x1400  }
0x59: {  	[sflag:s14] =	ssyncset.done $0x0  }
0x5a: {  	[sflag:s14] =	ssyncadd.s32 $0xFFFFEC00  }
0x5b: {  	[tilespmem:s17], [sflag:$0x1] =	stream.indirect.gather [hbm4b:s4+s16], $0x80, s24, s16, $0xb8;
	[tilespmem:$0x1E800] =	vst v63  }
0x5c: {  	_ = 	snop  }
0x5d: {  	[tilespmem:s18], [sflag:$0x2] =	stream.indirect.gather [hbm4b:s4+s16], $0x80, s16, s16, $0xb8;
	[tilespmem:$0x1E800] =	vst v63  }
0x5e: {  	_ =	swait.ge [sflag:s19], $0x4000  }
0x5f: {  	[sflag:s19] =	ssyncset.done $0x0  }
0x60: {  	s29 =	simm.s32 $0x1400;
	[sflag:s19] =	ssyncadd.s32 $0xFFFFC000  }
0x61: {  	[spmem:s2] =	stream.indirect.scatter.add.f32 [tilespmem:s17], [sflag:$0x3], $0x80, s29, s16, $0xb8;
	[tilespmem:$0x1E800] =	vst v63  }
0x62: {  	_ =	swait.ge [sflag:s14], $0x4000  }
0x63: {  	[sflag:s14] =	ssyncset.done $0x0  }
0x64: {  	s30 =	simm.s32 $0x100;
	[sflag:s14] =	ssyncadd.s32 $0xFFFFC000  }
0x65: {  	[tilespmem:s17], [sflag:$0x1] =	stream.indirect.gather [hbm4b:s4+s16], $0x80, s30, s16, $0xb8;
	[tilespmem:$0x1E800] =	vst v63  }
0x66: {  	_ =	swait.ge [sflag:s20], $0x4000  }
0x67: {  	[sflag:s20] =	ssyncset.done $0x0  }
0x68: {  	s31 =	simm.s32 $0x1480;
	[sflag:s20] =	ssyncadd.s32 $0xFFFFC000  }
0x69: {  	[spmem:s2] =	stream.indirect.scatter.add.f32 [tilespmem:s18], [sflag:$0x3], $0x80, s31, s16, $0xb8;
	[tilespmem:$0x1E800] =	vst v63  }
0x6a: {  	_ =	swait.ge [sflag:s14], $0x4000  }
0x6b: {  	[sflag:s14] =	ssyncset.done $0x0  }
0x6c: {  	s25 =	simm.s32 $0x180;
	s24 =	simm.s32 $0x400;
	[sflag:s14] =	ssyncadd.s32 $0xFFFFC000  }
.LBB2_4:
0x6d: {  	[tilespmem:s18], [sflag:$0x2] =	stream.indirect.gather [hbm4b:s4+s16], $0x80, s25, s16, $0xb8;
	[tilespmem:$0x1E800] =	vst v63  }
0x6e: {  	s25 =	smov.u32 s24  }
0x6f: {  	p0 =	sne.s32 s24, $0x4800;
	s24 =	sadd.s32 $0x400, s24;
	_ =	swait.ge [sflag:s19], $0x4000  }
0x70: {  	s25 =	sshra.s32 s25, $0x2;
	[sflag:s19] =	ssyncset.done $0x0  }
0x71: {  	s26 =	sadd.s32 $0x1400, s25;
	[sflag:s19] =	ssyncadd.s32 $0xFFFFC000  }
0x72: {  	[spmem:s2] =	stream.indirect.scatter.add.f32 [tilespmem:s17], [sflag:$0x3], $0x80, s26, s16, $0xb8;
	[tilespmem:$0x1E800] =	vst v63  }
0x73: {  	_ =	swait.ge [sflag:s14], $0x4000  }
0x74: {  	[sflag:s14] =	ssyncset.done $0x0  }
0x75: {  	s26 =	sadd.s32 $0x100, s25;
	[sflag:s14] =	ssyncadd.s32 $0xFFFFC000  }
0x76: {  	[tilespmem:s17], [sflag:$0x1] =	stream.indirect.gather [hbm4b:s4+s16], $0x80, s26, s16, $0xb8;
	[tilespmem:$0x1E800] =	vst v63  }
0x77: {  	_ =	swait.ge [sflag:s20], $0x4000  }
0x78: {  	[sflag:s20] =	ssyncset.done $0x0  }
.Ltmp1:
0x79: {  	s26 =	sadd.s32 $0x1480, s25;
	[sflag:s20] =	ssyncadd.s32 $0xFFFFC000;
	(pc) =	sbr.rel @p0 .LBB2_4-.Ltmp1, $4  }
0x7a: {  	[spmem:s2] =	stream.indirect.scatter.add.f32 [tilespmem:s18], [sflag:$0x3], $0x80, s26, s16, $0xb8;
	[tilespmem:$0x1E800] =	vst v63  }
0x7b: {  	_ =	swait.ge [sflag:s14], $0x4000  }
0x7c: {  	[sflag:s14] =	ssyncset.done $0x0  }
0x7d: {  	s25 =	sadd.s32 $0x180, s25;
	[sflag:s14] =	ssyncadd.s32 $0xFFFFC000  }
0x7e: {  	[tilespmem:s18], [sflag:$0x2] =	stream.indirect.gather [hbm4b:s4+s16], $0x80, s25, s16, $0xb8;
	[tilespmem:$0x1E800] =	vst v63  }
0x7f: {  	_ =	swait.ge [sflag:s19], $0x4000  }
0x80: {  	[sflag:s19] =	ssyncset.done $0x0  }
0x81: {  	[sflag:s19] =	ssyncadd.s32 $0xFFFFC000  }
0x82: {  	[spmem:s2] =	stream.indirect.scatter.add.f32 [tilespmem:s17], [sflag:$0x3], $0x80, s21, s16, $0xb8;
	[tilespmem:$0x1E800] =	vst v63  }
0x83: {  	_ =	swait.ge [sflag:s14], $0x4000  }
0x84: {  	[sflag:s14] =	ssyncset.done $0x0  }
0x85: {  	[sflag:s14] =	ssyncadd.s32 $0xFFFFC000  }
0x86: {  	_ =	swait.ge [sflag:s20], $0x4000  }
0x87: {  	[sflag:s20] =	ssyncset.done $0x0  }
0x88: {  	[sflag:s20] =	ssyncadd.s32 $0xFFFFC000  }
0x89: {  	[spmem:s2] =	stream.indirect.scatter.add.f32 [tilespmem:s18], [sflag:$0x3], $0x80, s22, s16, $0xb8;
	[tilespmem:$0x1E800] =	vst v63  }
0x8a: {  	_ =	swait.ge [sflag:s14], $0x4000  }
0x8b: {  	s23 =	sadd.s32 $0x1, s23;
	[sflag:s14] =	ssyncset.done $0x0  }
0x8c: {  	p0 =	sne.s32 s23, s12;
	[sflag:s14] =	ssyncadd.s32 $0xFFFFC000  }
.Ltmp2:
0x8d: {  	[bflag:$0x0] =	sbarrier.arrive $0xFFFF;
	(pc) =	sbr.rel @p0 .LBB2_1-.Ltmp2, $4  }
0x8e: {  	[hbm:s11], [sflag:s6] =	dma.local [spmem:s13], $0x2800  }
0x8f: {  	_ =	swait.ge [sflag:s14], $0x2800  }
0x90: {  	[sflag:s14] =	ssyncset.done $0x0  }
0x91: {  	[sflag:s14] =	ssyncadd.s32 $0xFFFFD800  }
0x92: {  	_ =	sfence.sel $0x180000  }
0x93: {  	[bflag:$0x0] =	sbarrier.arrive $0xFFFF  }
0x94: {  	p0 =	sne.s32 s1, $0x0;
	_ =	strace $0x9000004D  }
0x95: {  	s0 =	sadd.s32 @!p0 $0x100000, s0;
	[bflag:$0x2] =	sbarrier.arrive $0xFFFF  }
0x96: {  	[sflag:s0] =	ssyncadd.tile.s32 @!p0 $0x1;
	_ =	shalt  }
.Lfunc_end2:
_tile_overlayer_lowered:
.L_overlay_start_2:
0x97: {  	(tag) =	ssettag $0x2  }
0x98: {  	s0 =	rddreg [dreg:$0x0];
	s2 =	stileid.u32  }
0x99: {  	s1 =	rddreg [dreg:$0x1];
	p0 =	sne.s32 s2, $0x0  }
0x9a: {  	s3 =	rddreg [dreg:$0x2];
	[bflag:$0x3] =	sbarrier.arrive $0xFFFF;
	s2 =	simm.s32 @!p0 $0x1C03  }
0x9b: {  	[timem:s3], [sflag:s2] =	dma.local @!p0 [hbm:s0], s1  }
0x9c: {  	s0 =	simm.s32 @!p0 $0x3  }
0x9d: {  	_ =	swait.ge @!p0 [sflag:s0], s1  }
0x9e: {  	s1 =	ssub.s32 @!p0 $0x0, s1;
	[sflag:s0] =	ssyncset.done @!p0 $0x0  }
0x9f: {  	[sflag:s0] =	ssyncadd.s32 @!p0 s1  }
0xa0: {  	[bflag:$0x3] =	sbarrier.arrive $0xFFFF  }
0xa1: {  	_ =	shalt  }

// kernel: kernel.19.cloned.1.call-start
scs
__scs_entry_jumppad:
0x0: {  	(pc) =	sbr.rel $0x88, $3  }
0x1: {  	(tag) =	ssettag $0x0;
	lr =	simm.s32 $0x1  }
0x2: {  	[smem:$0x3F92] =	sst lr;
	_ =	strace $0xD0000000  }
0x3: {  	_ = 	snop  }
0x4: {  	_ = 	snop  }
0x5: {  	_ = 	snop  }
0x6: {  	_ = 	snop  }
0x7: {  	_ = 	snop  }
__scs_overlays_trampoline_lowered:
0x8: {  	[smem:$0x3FA1] =	sst s0  }
0x9: {  	[smem:$0x3FA2] =	sst s1  }
0xa: {  	[smem:$0x3FA3] =	sst s2  }
0xb: {  	[smem:$0x3FA4] =	sst s3  }
0xc: {  	[smem:$0x3FA5] =	sst s4  }
0xd: {  	[smem:$0x3FA6] =	sst s5  }
0xe: {  	[smem:$0x3FA7] =	sst s6  }
0xf: {  	[smem:$0x3FA8] =	sst s7  }
0x10: {  	[smem:$0x3FA9] =	sst s8  }
0x11: {  	[smem:$0x3FAA] =	sst s9;
	s0 =	simm.s32 @!p0 $0x0  }
0x12: {  	s1 =	sld [smem:$0x3F90];
	s0 =	simm.s32 @p0 $0x1  }
0x13: {  	[smem:$0x3FAB] =	sst s0;
	s0 =	simm.s32 @!p1 $0x0  }
0x14: {  	s2 =	sld [smem:$0x3F8F];
	s0 =	simm.s32 @p1 $0x1  }
0x15: {  	[smem:$0x3FAC] =	sst s0;
	s0 =	simm.s32 @!p2 $0x0  }
0x16: {  	s3 =	sld [smem:$0x3FDB];
	s0 =	simm.s32 @p2 $0x1  }
0x17: {  	s4 =	simm.s32 $0x1BF5;
	[smem:$0x3FAE] =	sst s0  }
0x18: {  	s0 =	sld [smem:$0x3F91];
	_ =	swait.ge [sflag:s4], $0x0  }
0x19: {  	s7 =	sld [smem:$0x3F92]  }
0x1a: {  	s8 =	sadd.s32 $0xFFFFE003, lr  }
0x1b: {  	s9 =	sadd.s32 $0xFFFFFEF7, lr;
	s5 =	simm.s32 $0xFFFFFFFF;
	p2 =	slt.u32 s8, $0xFFFFF086  }
0x1c: {  	p1 =	slt.u32 s9, $0xF7A;
	s5 =	simm.s32 @!p2 $0x0  }
0x1d: {  	s5 =	simm.s32 @p1 $0x1;
	p0 =	seq.s32 s7, s2  }
0x1e: {  	s7 =	smul.u32 @!p0 $0xF7A, s2;
	p2 =	seq.s32 @!p0 s5, $0x0  }
0x1f: {  	s9 =	smul.u32 $0xF7A, s1;
	s8 =	simm.s32 @!p0 $0x1BF5;
	p2 =	por !p2, p0  }
0x20: {  	[sflag:s8] =	ssyncset.s32 @!p0 $0xFFFFF086;
	s6 =	sadd.s32 @!p0 s3, s7;
	s7 =	simm.s32 @!p0 $0x108  }
0x21: {  	s3 =	sadd.s32 s3, s9;
	s6 =	sadd.s32 @!p0 $0x88, s6;
	s7 =	simm.s32 @p2 $0x1082  }
0x22: {  	[simem:s7], [sflag:s8] =	dma.local @!p0 [hbm:s6], $0xF7A  }
0x23: {  	s9 =	sor.u32 $0xD0000000, s2;
	s6 =	simm.s32 $0x108;
	_ =	swait.ge @!p0 [sflag:s8], $0x0  }
0x24: {  	s3 =	sadd.s32 $0x88, s3;
	s6 =	simm.s32 @!p1 $0x1082;
	[sflag:s4] =	ssyncset.s32 $0xFFFFF086  }
0x25: {  	[simem:s6], [sflag:s4] =	dma.local [hbm:s3], $0xF7A  }
0x26: {  	[smem:$0x3F92] =	sst s1;
	(tag) =	ssettag s2;
	_ =	strace s9  }
0x27: {  	s1 =	sld [smem:$0x3FA2]  }
0x28: {  	s2 =	sld [smem:$0x3FA3]  }
0x29: {  	s4 =	sld [smem:$0x3FA5]  }
0x2a: {  	p0 =	seq.s32 s5, $0x0;
	s5 =	sld [smem:$0x3FA6]  }
0x2b: {  	s6 =	sld [smem:$0x3FA7]  }
0x2c: {  	s7 =	sld [smem:$0x3FA8]  }
0x2d: {  	s3 =	simm.s32 $0x108;
	s8 =	sld [smem:$0x3FA9]  }
0x2e: {  	s3 =	simm.s32 @!p0 $0x1082;
	s9 =	sld [smem:$0x3FAA]  }
0x2f: {  	lr =	sadd.s32 s0, s3;
	s0 =	sld [smem:$0x3FA1]  }
0x30: {  	s3 =	sld [smem:$0x3FA4]  }
0x31: {  	[smem:$0x3FAD] =	sst s10  }
0x32: {  	s10 =	sld [smem:$0x3FAB];
	_ =	sdelay $0x3  }
0x33: {  	p0 =	seq.s32 s10, $0x1;
	s10 =	sld [smem:$0x3FAD];
	_ =	sdelay $0x3  }
0x34: {  	[smem:$0x3FAD] =	sst s10  }
0x35: {  	s10 =	sld [smem:$0x3FAC];
	_ =	sdelay $0x3  }
0x36: {  	p1 =	seq.s32 s10, $0x1;
	s10 =	sld [smem:$0x3FAD];
	_ =	sdelay $0x3  }
0x37: {  	[smem:$0x3FAD] =	sst s10  }
0x38: {  	s10 =	sld [smem:$0x3FAE]  }
0x39: {  	_ = 	snop;
	(pc) =	sbr.ind lr, $3  }
0x3a: {  	_ = 	snop  }
0x3b: {  	_ = 	snop  }
0x3c: {  	p2 =	seq.s32 s10, $0x1;
	s10 =	sld [smem:$0x3FAD]  }
0x3d: {  	_ =	shalt  }
0x3e: {  	_ =	shalt  }
0x3f: {  	_ =	shalt  }
0x40: {  	_ =	shalt  }
0x41: {  	_ =	shalt  }
0x42: {  	_ =	shalt  }
0x43: {  	_ =	shalt  }
0x44: {  	_ =	shalt  }
0x45: {  	_ =	shalt  }
0x46: {  	_ =	shalt  }
0x47: {  	_ =	shalt  }
0x48: {  	_ =	shalt  }
0x49: {  	_ =	shalt  }
0x4a: {  	_ =	shalt  }
0x4b: {  	_ =	shalt  }
0x4c: {  	_ =	shalt  }
0x4d: {  	_ =	shalt  }
0x4e: {  	_ =	shalt  }
0x4f: {  	_ =	shalt  }
0x50: {  	_ =	shalt  }
0x51: {  	_ =	shalt  }
0x52: {  	_ =	shalt  }
0x53: {  	_ =	shalt  }
0x54: {  	_ =	shalt  }
0x55: {  	_ =	shalt  }
0x56: {  	_ =	shalt  }
0x57: {  	_ =	shalt  }
0x58: {  	_ =	shalt  }
0x59: {  	_ =	shalt  }
0x5a: {  	_ =	shalt  }
0x5b: {  	_ =	shalt  }
0x5c: {  	_ =	shalt  }
0x5d: {  	_ =	shalt  }
0x5e: {  	_ =	shalt  }
0x5f: {  	_ =	shalt  }
0x60: {  	_ =	shalt  }
0x61: {  	_ =	shalt  }
0x62: {  	_ =	shalt  }
0x63: {  	_ =	shalt  }
0x64: {  	_ =	shalt  }
0x65: {  	_ =	shalt  }
0x66: {  	_ =	shalt  }
0x67: {  	_ =	shalt  }
0x68: {  	_ =	shalt  }
0x69: {  	_ =	shalt  }
0x6a: {  	_ =	shalt  }
0x6b: {  	_ =	shalt  }
0x6c: {  	_ =	shalt  }
0x6d: {  	_ =	shalt  }
0x6e: {  	_ =	shalt  }
0x6f: {  	_ =	shalt  }
0x70: {  	_ =	shalt  }
0x71: {  	_ =	shalt  }
0x72: {  	_ =	shalt  }
0x73: {  	_ =	shalt  }
0x74: {  	_ =	shalt  }
0x75: {  	_ =	shalt  }
0x76: {  	_ =	shalt  }
0x77: {  	_ =	shalt  }
0x78: {  	_ =	shalt  }
0x79: {  	_ =	shalt  }
0x7a: {  	_ =	shalt  }
0x7b: {  	_ =	shalt  }
0x7c: {  	_ =	shalt  }
0x7d: {  	_ =	shalt  }
0x7e: {  	_ =	shalt  }
0x7f: {  	_ =	shalt  }
0x80: {  	_ =	shalt  }
0x81: {  	_ =	shalt  }
0x82: {  	_ =	shalt  }
0x83: {  	_ =	shalt  }
0x84: {  	_ =	shalt  }
0x85: {  	_ =	shalt  }
0x86: {  	_ =	shalt  }
0x87: {  	_ =	shalt  }
.Lfunc_end0:
.L_simem_size_0:
called_computation.3_lowered:
.L_overlay_start_0:
0x88: {  	s2 =	sld [smem:$0x3FD9]  }
0x89: {  	s3 =	sld [smem:$0x3FFE];
	_ =	sdelay $0x1  }
0x8a: {  	s1 =	srdreg.scid  }
0x8b: {  	s0 =	sand.u32 $0x1, s1  }
0x8c: {  	s17 =	sshll.u32 s0, $0xA;
	s2 =	sadd.s32 s3, s2  }
0x8d: {  	s2 =	sadd.s32 s2, s17  }
0x8e: {  	[smem:$0x3FB9] =	sst s2  }
0x8f: {  	_ = 	snop  }
0x90: {  	s2 =	sld [smem:$0x3FD0];
	(tm) =	ssettm $0x1  }
0x91: {  	s18 =	sld [smem:$0x3FFB];
	_ =	sdelay $0x3  }
0x92: {  	_ =	strace s18  }
0x93: {  	s3 =	sld [smem:$0x3FFC];
	_ =	sdelay $0x3  }
0x94: {  	_ =	strace s3  }
0x95: {  	s3 =	sld [smem:$0x3FFD];
	_ =	sdelay $0x3  }
0x96: {  	_ =	strace s3  }
0x97: {  	_ =	strace $0x8FFFFFFF  }
0x98: {  	s19 =	sld [smem:$0x3FDB];
	_ =	sdelay $0x1  }
0x99: {  	s4 =	simm.s32 $_scs_section_size  }
0x9a: {  	s5 =	simm.s32 $_size__tile_overlayer_lowered;
	s6 =	simm.s32 $_tile_overlayer_lowered  }
0x9b: {  	s22 =	simm.s32 $0x1BFF;
	s21 =	sshll.u32 s6, $0x1;
	s3 =	sadd.s32 s4, s19  }
0x9c: {  	s7 =	simm.s32 $0x0;
	s20 =	sshll.u32 s5, $0x1;
	s5 =	sadd.s32 s21, s3  }
0x9d: {  	[timem:s7], [sflag:s22] =	dma.local [hbm:s5], s20  }
0x9e: {  	_ =	swait.ge [sflag:s22], s20  }
0x9f: {  	s4 =	ssub.s32 $0x0, s20;
	[sflag:s22] =	ssyncset.done $0x0  }
0xa0: {  	[sflag:s22] =	ssyncadd.s32 s4;
	_ =	sdelay $0x1  }
0xa1: {  	s23 =	simm.s32 $0x1B8B  }
0xa2: {  	_ =	swait.ge [sflag:s23], $0x1  }
0xa3: {  	[sflag:s23] =	ssyncset.done $0x0  }
0xa4: {  	s25 =	simm.s32 $0x1B8E;
	s24 =	sld [smem:$0x3FFE];
	[sflag:s23] =	ssyncadd.s32 $0xFFFFFFFF  }
0xa5: {  	s26 =	simm.s32 $execute0_lowered;
	[smem:$0x3FD2] =	sst s25  }
0xa6: {  	s5 =	sshll.u32 s26, $0x1;
	_ =	strace $0x8000004F;
	[dreg:$0x1] =	wrdreg $0xFFFFFFFF  }
0xa7: {  	s28 =	simm.s32 $_size_execute0_lowered;
	s3 =	sadd.s32 s3, s5;
	[dreg:$0x0] =	wrdreg $0x0  }
0xa8: {  	s5 =	sshll.u32 s28, $0x1;
	[dreg:$0x2] =	wrdreg s3  }
0xa9: {  	[dreg:$0x3] =	wrdreg s5  }
0xaa: {  	[dreg:$0x4] =	wrdreg $0xC0  }
0xab: {  	_ =	task [dreg:s7], $0x5FFFF  }
0xac: {  	[dreg:$0x1] =	wrdreg $0xFFFFFFFF  }
0xad: {  	[dreg:$0x0] =	wrdreg $0x60  }
0xae: {  	[dreg:$0x2] =	wrdreg s24  }
0xaf: {  	[dreg:$0x3] =	wrdreg s2  }
0xb0: {  	[dreg:$0x4] =	wrdreg $0xA8000  }
0xb1: {  	[dreg:$0x5] =	wrdreg $0x9  }
0xb2: {  	_ =	task.clear_ibuf [dreg:s7], $0x6FFFF;
	_ =	strace $0x9000004F  }
0xb3: {  	s29 =	simm.s32 $0x9;
	_ =	strace $0x80000051  }
0xb4: {  	_ =	swait.ge [sflag:s29], $0x1  }
0xb5: {  	[sflag:s29] =	ssyncadd.s32 $0xFFFFFFFF  }
0xb6: {  	_ =	strace $0x90000051  }
0xb7: {  	_ =	sfence  }
0xb8: {  	s30 =	sld [smem:$0x0];
	_ =	sdelay $0x2  }
0xb9: {  	s31 =	sshll.u32 s1, $0xD;
	s1 =	sshrl.u32 s1, $0x2  }
0xba: {  	s3 =	sand.u32 $0x4000, s31;
	s1 =	sadd.s32 s1, s30  }
0xbb: {  	s0 =	sor.u32 s3, s0;
	s1 =	sshll.u32 s1, $0x11  }
0xbc: {  	s0 =	sor.u32 s1, s0  }
0xbd: {  	s0 =	sadd.s32 $0x8F2B, s0  }
0xbe: {  	[sflag:s0] =	ssyncadd.remote.s32 $0x1  }
0xbf: {  	_ =	sfence.sel $0xFFFF  }
0xc0: {  	[dreg:$0x0] =	wrdreg $0xFFFFFFFF;
	(pc) =	sbr.abs _section_cstart, $3  }
0xc1: {  	[dreg:$0x1] =	wrdreg $0xFFFFFFFF  }
0xc2: {  	_ =	task.clear_ibuf [dreg:s7], $0x2FFFF;
	_ =	strace $0x9FFFFFFF  }
0xc3: {  	(tm) =	ssettm $0x7FFFFFFF  }
tec
execute0_lowered:
.L_overlay_start_1:
0x0: {  	(tag) =	ssettag $0x1  }
0x1: {  	s5 =	rddreg [dreg:$0x0]  }
0x2: {  	s10 =	rddreg [dreg:$0x1]  }
0x3: {  	s2 =	rddreg [dreg:$0x2]  }
0x4: {  	s0 =	rddreg [dreg:$0x3];
	s1 =	stileid.u32  }
0x5: {  	s4 =	srdreg.scid;
	s3 =	simm.s32 $0x0;
	s16 =	simm.s32 $0x80  }
0x6: {  	s17 =	simm.s32 $0x2800;
	s18 =	simm.s32 $0x6800;
	s19 =	simm.s32 $0x1  }
0x7: {  	s20 =	simm.s32 $0x2;
	s21 =	simm.s32 $0x2700;
	s22 =	simm.s32 $0x2780  }
0x8: {  	s23 =	simm.s32 $0x0;
	s6 =	smul.u32 $0x14000, s1;
	s7 =	sand.u32 $0x1, s4  }
0x9: {  	[smem:$0x7FF] =	sst s3;
	s4 =	sadd.s32 $0xEA00, s5;
	s26 =	smul.u32 $0x50000, s1  }
0xa: {  	s11 =	sadd.s32 $0x4A00, s5;
	s30 =	sshll.u32 s1, $0x6;
	s8 =	smul.u32 $0x140000, s7  }
0xb: {  	_ =	strace $0x80000050;
	s12 =	sshll.u32 s7, $0x4;
	s28 =	ssub.s32 $0x2, s7  }
0xc: {  	s9 =	sshrl.u32 s6, $0x3;
	s29 =	sor.u32 s1, s12;
	s7 =	sshrl.u32 s28, $0x1  }
0xd: {  	s9 =	sadd.s32 s9, s5;
	s6 =	sadd.s32 s6, s8;
	s12 =	smul.u32 $0x2800, s29  }
0xe: {  	s8 =	sshrl.u32 s26, $0x2;
	s14 =	ssub.s32 s28, s7;
	s6 =	sshrl.u32 s6, $0x3  }
0xf: {  	s15 =	sadd.s32 s8, s2;
	s13 =	sadd.s32 s6, s5;
	s31 =	sshrl.u32 s12, $0x3  }
0x10: {  	s5 =	sadd.s32 $0x5EA00, s9;
	s6 =	sor.u32 $0x1C03, s30;
	s12 =	sadd.s32 $0x280, s31  }
0x11: {  	s7 =	sadd.s32 s11, s31;
	s8 =	sadd.s32 s10, s31;
	s9 =	sadd.s32 s11, s12  }
0x12: {  	s10 =	sadd.s32 s10, s12;
	s11 =	sadd.s32 $0xD6A00, s13;
	s12 =	smax.u32 s14, $0x1  }
0x13: {  	s13 =	sshrl.u32 s15, $0x3;
	s14 =	simm.s32 $0x3;
	s15 =	simm.s32 $0x1400  }
.LBB2_1:
0x14: {  	[spmem:s13], [sflag:s6] =	dma.local [hbm:s5], $0x2800  }
0x15: {  	_ =	swait.ge [sflag:s14], $0x2800  }
0x16: {  	[sflag:s14] =	ssyncset.done $0x0  }
0x17: {  	[sflag:s14] =	ssyncadd.s32 $0xFFFFD800  }
0x18: {  	[bflag:$0x0] =	sbarrier.arrive $0xFFFF  }
0x19: {  	[tilespmem:s3], [sflag:$0x3] =	stream.linear.gather [hbm4b:s7+s3], $0x1400, $0x38;
	[tilespmem:$0x1E800] =	vst v63  }
0x1a: {  	_ =	swait.ge [sflag:s14], $0x1400  }
0x1b: {  	[sflag:s14] =	ssyncset.done $0x0  }
0x1c: {  	[sflag:s14] =	ssyncadd.s32 $0xFFFFEC00  }
0x1d: {  	[tilespmem:s15], [sflag:$0x3] =	stream.linear.gather [hbm4b:s8+s3], $0x1400, $0x38;
	[tilespmem:$0x1E800] =	vst v63  }
0x1e: {  	_ =	swait.ge [sflag:s14], $0x1400  }
0x1f: {  	[sflag:s14] =	ssyncset.done $0x0  }
0x20: {  	[sflag:s14] =	ssyncadd.s32 $0xFFFFEC00  }
0x21: {  	[tilespmem:s17], [sflag:$0x1] =	stream.indirect.gather [hbm4b:s4+s16], $0x80, s3, s16, $0xb8;
	[tilespmem:$0x1E800] =	vst v63  }
0x22: {  	_ = 	snop  }
0x23: {  	[tilespmem:s18], [sflag:$0x2] =	stream.indirect.gather [hbm4b:s4+s16], $0x80, s16, s16, $0xb8;
	[tilespmem:$0x1E800] =	vst v63  }
0x24: {  	_ =	swait.ge [sflag:s19], $0x4000  }
0x25: {  	[sflag:s19] =	ssyncset.done $0x0  }
0x26: {  	s24 =	simm.s32 $0x1400;
	[sflag:s19] =	ssyncadd.s32 $0xFFFFC000  }
0x27: {  	[spmem:s2] =	stream.indirect.scatter.add.f32 [tilespmem:s17], [sflag:$0x3], $0x80, s24, s16, $0xb8;
	[tilespmem:$0x1E800] =	vst v63  }
0x28: {  	_ =	swait.ge [sflag:s14], $0x4000  }
0x29: {  	[sflag:s14] =	ssyncset.done $0x0  }
0x2a: {  	s30 =	simm.s32 $0x100;
	[sflag:s14] =	ssyncadd.s32 $0xFFFFC000  }
0x2b: {  	[tilespmem:s17], [sflag:$0x1] =	stream.indirect.gather [hbm4b:s4+s16], $0x80, s30, s16, $0xb8;
	[tilespmem:$0x1E800] =	vst v63  }
0x2c: {  	_ =	swait.ge [sflag:s20], $0x4000  }
0x2d: {  	[sflag:s20] =	ssyncset.done $0x0  }
0x2e: {  	s31 =	simm.s32 $0x1480;
	[sflag:s20] =	ssyncadd.s32 $0xFFFFC000  }
0x2f: {  	[spmem:s2] =	stream.indirect.scatter.add.f32 [tilespmem:s18], [sflag:$0x3], $0x80, s31, s16, $0xb8;
	[tilespmem:$0x1E800] =	vst v63  }
0x30: {  	_ =	swait.ge [sflag:s14], $0x4000  }
0x31: {  	[sflag:s14] =	ssyncset.done $0x0  }
0x32: {  	s25 =	simm.s32 $0x180;
	s24 =	simm.s32 $0x400;
	[sflag:s14] =	ssyncadd.s32 $0xFFFFC000  }
.LBB2_2:
0x33: {  	[tilespmem:s18], [sflag:$0x2] =	stream.indirect.gather [hbm4b:s4+s16], $0x80, s25, s16, $0xb8;
	[tilespmem:$0x1E800] =	vst v63  }
0x34: {  	s25 =	smov.u32 s24  }
0x35: {  	p0 =	sne.s32 s24, $0x4800;
	s24 =	sadd.s32 $0x400, s24;
	_ =	swait.ge [sflag:s19], $0x4000  }
0x36: {  	s25 =	sshra.s32 s25, $0x2;
	[sflag:s19] =	ssyncset.done $0x0  }
0x37: {  	s26 =	sadd.s32 $0x1400, s25;
	[sflag:s19] =	ssyncadd.s32 $0xFFFFC000  }
0x38: {  	[spmem:s2] =	stream.indirect.scatter.add.f32 [tilespmem:s17], [sflag:$0x3], $0x80, s26, s16, $0xb8;
	[tilespmem:$0x1E800] =	vst v63  }
0x39: {  	_ =	swait.ge [sflag:s14], $0x4000  }
0x3a: {  	[sflag:s14] =	ssyncset.done $0x0  }
0x3b: {  	s26 =	sadd.s32 $0x100, s25;
	[sflag:s14] =	ssyncadd.s32 $0xFFFFC000  }
0x3c: {  	[tilespmem:s17], [sflag:$0x1] =	stream.indirect.gather [hbm4b:s4+s16], $0x80, s26, s16, $0xb8;
	[tilespmem:$0x1E800] =	vst v63  }
0x3d: {  	_ =	swait.ge [sflag:s20], $0x4000  }
0x3e: {  	[sflag:s20] =	ssyncset.done $0x0  }
.Ltmp0:
0x3f: {  	s26 =	sadd.s32 $0x1480, s25;
	[sflag:s20] =	ssyncadd.s32 $0xFFFFC000;
	(pc) =	sbr.rel @p0 .LBB2_2-.Ltmp0, $4  }
0x40: {  	[spmem:s2] =	stream.indirect.scatter.add.f32 [tilespmem:s18], [sflag:$0x3], $0x80, s26, s16, $0xb8;
	[tilespmem:$0x1E800] =	vst v63  }
0x41: {  	_ =	swait.ge [sflag:s14], $0x4000  }
0x42: {  	[sflag:s14] =	ssyncset.done $0x0  }
0x43: {  	s25 =	sadd.s32 $0x180, s25;
	[sflag:s14] =	ssyncadd.s32 $0xFFFFC000  }
0x44: {  	[tilespmem:s18], [sflag:$0x2] =	stream.indirect.gather [hbm4b:s4+s16], $0x80, s25, s16, $0xb8;
	[tilespmem:$0x1E800] =	vst v63  }
0x45: {  	_ =	swait.ge [sflag:s19], $0x4000  }
0x46: {  	[sflag:s19] =	ssyncset.done $0x0  }
0x47: {  	[sflag:s19] =	ssyncadd.s32 $0xFFFFC000  }
0x48: {  	[spmem:s2] =	stream.indirect.scatter.add.f32 [tilespmem:s17], [sflag:$0x3], $0x80, s21, s16, $0xb8;
	[tilespmem:$0x1E800] =	vst v63  }
0x49: {  	_ =	swait.ge [sflag:s14], $0x4000  }
0x4a: {  	[sflag:s14] =	ssyncset.done $0x0  }
0x4b: {  	[sflag:s14] =	ssyncadd.s32 $0xFFFFC000  }
0x4c: {  	_ =	swait.ge [sflag:s20], $0x4000  }
0x4d: {  	[sflag:s20] =	ssyncset.done $0x0  }
0x4e: {  	[sflag:s20] =	ssyncadd.s32 $0xFFFFC000  }
0x4f: {  	[spmem:s2] =	stream.indirect.scatter.add.f32 [tilespmem:s18], [sflag:$0x3], $0x80, s22, s16, $0xb8;
	[tilespmem:$0x1E800] =	vst v63  }
0x50: {  	_ =	swait.ge [sflag:s14], $0x4000  }
0x51: {  	[sflag:s14] =	ssyncset.done $0x0  }
0x52: {  	s24 =	simm.s32 $0x0;
	[sflag:s14] =	ssyncadd.s32 $0xFFFFC000  }
0x53: {  	[tilespmem:s24], [sflag:$0x3] =	stream.linear.gather [hbm4b:s9+s24], $0x1400, $0x38;
	[tilespmem:$0x1E800] =	vst v63  }
0x54: {  	_ =	swait.ge [sflag:s14], $0x1400  }
0x55: {  	[sflag:s14] =	ssyncset.done $0x0  }
0x56: {  	[sflag:s14] =	ssyncadd.s32 $0xFFFFEC00  }
0x57: {  	[tilespmem:s15], [sflag:$0x3] =	stream.linear.gather [hbm4b:s10+s24], $0x1400, $0x38;
	[tilespmem:$0x1E800] =	vst v63  }
0x58: {  	_ =	swait.ge [sflag:s14], $0x1400  }
0x59: {  	[sflag:s14] =	ssyncset.done $0x0  }
0x5a: {  	[sflag:s14] =	ssyncadd.s32 $0xFFFFEC00  }
0x5b: {  	[tilespmem:s17], [sflag:$0x1] =	stream.indirect.gather [hbm4b:s4+s16], $0x80, s24, s16, $0xb8;
	[tilespmem:$0x1E800] =	vst v63  }
0x5c: {  	_ = 	snop  }
0x5d: {  	[tilespmem:s18], [sflag:$0x2] =	stream.indirect.gather [hbm4b:s4+s16], $0x80, s16, s16, $0xb8;
	[tilespmem:$0x1E800] =	vst v63  }
0x5e: {  	_ =	swait.ge [sflag:s19], $0x4000  }
0x5f: {  	[sflag:s19] =	ssyncset.done $0x0  }
0x60: {  	s29 =	simm.s32 $0x1400;
	[sflag:s19] =	ssyncadd.s32 $0xFFFFC000  }
0x61: {  	[spmem:s2] =	stream.indirect.scatter.add.f32 [tilespmem:s17], [sflag:$0x3], $0x80, s29, s16, $0xb8;
	[tilespmem:$0x1E800] =	vst v63  }
0x62: {  	_ =	swait.ge [sflag:s14], $0x4000  }
0x63: {  	[sflag:s14] =	ssyncset.done $0x0  }
0x64: {  	s30 =	simm.s32 $0x100;
	[sflag:s14] =	ssyncadd.s32 $0xFFFFC000  }
0x65: {  	[tilespmem:s17], [sflag:$0x1] =	stream.indirect.gather [hbm4b:s4+s16], $0x80, s30, s16, $0xb8;
	[tilespmem:$0x1E800] =	vst v63  }
0x66: {  	_ =	swait.ge [sflag:s20], $0x4000  }
0x67: {  	[sflag:s20] =	ssyncset.done $0x0  }
0x68: {  	s31 =	simm.s32 $0x1480;
	[sflag:s20] =	ssyncadd.s32 $0xFFFFC000  }
0x69: {  	[spmem:s2] =	stream.indirect.scatter.add.f32 [tilespmem:s18], [sflag:$0x3], $0x80, s31, s16, $0xb8;
	[tilespmem:$0x1E800] =	vst v63  }
0x6a: {  	_ =	swait.ge [sflag:s14], $0x4000  }
0x6b: {  	[sflag:s14] =	ssyncset.done $0x0  }
0x6c: {  	s25 =	simm.s32 $0x180;
	s24 =	simm.s32 $0x400;
	[sflag:s14] =	ssyncadd.s32 $0xFFFFC000  }
.LBB2_4:
0x6d: {  	[tilespmem:s18], [sflag:$0x2] =	stream.indirect.gather [hbm4b:s4+s16], $0x80, s25, s16, $0xb8;
	[tilespmem:$0x1E800] =	vst v63  }
0x6e: {  	s25 =	smov.u32 s24  }
0x6f: {  	p0 =	sne.s32 s24, $0x4800;
	s24 =	sadd.s32 $0x400, s24;
	_ =	swait.ge [sflag:s19], $0x4000  }
0x70: {  	s25 =	sshra.s32 s25, $0x2;
	[sflag:s19] =	ssyncset.done $0x0  }
0x71: {  	s26 =	sadd.s32 $0x1400, s25;
	[sflag:s19] =	ssyncadd.s32 $0xFFFFC000  }
0x72: {  	[spmem:s2] =	stream.indirect.scatter.add.f32 [tilespmem:s17], [sflag:$0x3], $0x80, s26, s16, $0xb8;
	[tilespmem:$0x1E800] =	vst v63  }
0x73: {  	_ =	swait.ge [sflag:s14], $0x4000  }
0x74: {  	[sflag:s14] =	ssyncset.done $0x0  }
0x75: {  	s26 =	sadd.s32 $0x100, s25;
	[sflag:s14] =	ssyncadd.s32 $0xFFFFC000  }
0x76: {  	[tilespmem:s17], [sflag:$0x1] =	stream.indirect.gather [hbm4b:s4+s16], $0x80, s26, s16, $0xb8;
	[tilespmem:$0x1E800] =	vst v63  }
0x77: {  	_ =	swait.ge [sflag:s20], $0x4000  }
0x78: {  	[sflag:s20] =	ssyncset.done $0x0  }
.Ltmp1:
0x79: {  	s26 =	sadd.s32 $0x1480, s25;
	[sflag:s20] =	ssyncadd.s32 $0xFFFFC000;
	(pc) =	sbr.rel @p0 .LBB2_4-.Ltmp1, $4  }
0x7a: {  	[spmem:s2] =	stream.indirect.scatter.add.f32 [tilespmem:s18], [sflag:$0x3], $0x80, s26, s16, $0xb8;
	[tilespmem:$0x1E800] =	vst v63  }
0x7b: {  	_ =	swait.ge [sflag:s14], $0x4000  }
0x7c: {  	[sflag:s14] =	ssyncset.done $0x0  }
0x7d: {  	s25 =	sadd.s32 $0x180, s25;
	[sflag:s14] =	ssyncadd.s32 $0xFFFFC000  }
0x7e: {  	[tilespmem:s18], [sflag:$0x2] =	stream.indirect.gather [hbm4b:s4+s16], $0x80, s25, s16, $0xb8;
	[tilespmem:$0x1E800] =	vst v63  }
0x7f: {  	_ =	swait.ge [sflag:s19], $0x4000  }
0x80: {  	[sflag:s19] =	ssyncset.done $0x0  }
0x81: {  	[sflag:s19] =	ssyncadd.s32 $0xFFFFC000  }
0x82: {  	[spmem:s2] =	stream.indirect.scatter.add.f32 [tilespmem:s17], [sflag:$0x3], $0x80, s21, s16, $0xb8;
	[tilespmem:$0x1E800] =	vst v63  }
0x83: {  	_ =	swait.ge [sflag:s14], $0x4000  }
0x84: {  	[sflag:s14] =	ssyncset.done $0x0  }
0x85: {  	[sflag:s14] =	ssyncadd.s32 $0xFFFFC000  }
0x86: {  	_ =	swait.ge [sflag:s20], $0x4000  }
0x87: {  	[sflag:s20] =	ssyncset.done $0x0  }
0x88: {  	[sflag:s20] =	ssyncadd.s32 $0xFFFFC000  }
0x89: {  	[spmem:s2] =	stream.indirect.scatter.add.f32 [tilespmem:s18], [sflag:$0x3], $0x80, s22, s16, $0xb8;
	[tilespmem:$0x1E800] =	vst v63  }
0x8a: {  	_ =	swait.ge [sflag:s14], $0x4000  }
0x8b: {  	s23 =	sadd.s32 $0x1, s23;
	[sflag:s14] =	ssyncset.done $0x0  }
0x8c: {  	p0 =	sne.s32 s23, s12;
	[sflag:s14] =	ssyncadd.s32 $0xFFFFC000  }
.Ltmp2:
0x8d: {  	[bflag:$0x0] =	sbarrier.arrive $0xFFFF;
	(pc) =	sbr.rel @p0 .LBB2_1-.Ltmp2, $4  }
0x8e: {  	[hbm:s11], [sflag:s6] =	dma.local [spmem:s13], $0x2800  }
0x8f: {  	_ =	swait.ge [sflag:s14], $0x2800  }
0x90: {  	[sflag:s14] =	ssyncset.done $0x0  }
0x91: {  	[sflag:s14] =	ssyncadd.s32 $0xFFFFD800  }
0x92: {  	_ =	sfence.sel $0x180000  }
0x93: {  	[bflag:$0x0] =	sbarrier.arrive $0xFFFF  }
0x94: {  	p0 =	sne.s32 s1, $0x0;
	_ =	strace $0x90000050  }
0x95: {  	s0 =	sadd.s32 @!p0 $0x100000, s0;
	[bflag:$0x2] =	sbarrier.arrive $0xFFFF  }
0x96: {  	[sflag:s0] =	ssyncadd.tile.s32 @!p0 $0x1;
	_ =	shalt  }
.Lfunc_end2:
_tile_overlayer_lowered:
.L_overlay_start_2:
0x97: {  	(tag) =	ssettag $0x2  }
0x98: {  	s0 =	rddreg [dreg:$0x0];
	s2 =	stileid.u32  }
0x99: {  	s1 =	rddreg [dreg:$0x1];
	p0 =	sne.s32 s2, $0x0  }
0x9a: {  	s3 =	rddreg [dreg:$0x2];
	[bflag:$0x3] =	sbarrier.arrive $0xFFFF;
	s2 =	simm.s32 @!p0 $0x1C03  }
0x9b: {  	[timem:s3], [sflag:s2] =	dma.local @!p0 [hbm:s0], s1  }
0x9c: {  	s0 =	simm.s32 @!p0 $0x3  }
0x9d: {  	_ =	swait.ge @!p0 [sflag:s0], s1  }
0x9e: {  	s1 =	ssub.s32 @!p0 $0x0, s1;
	[sflag:s0] =	ssyncset.done @!p0 $0x0  }
0x9f: {  	[sflag:s0] =	ssyncadd.s32 @!p0 s1  }
0xa0: {  	[bflag:$0x3] =	sbarrier.arrive $0xFFFF  }
0xa1: {  	_ =	shalt  }

</sc_bundles>
